<compile_context>
chip_gen: v7x
topology: tpu7x:2x2x1
jax: 0.10.2.dev20260603
libtpu: 0.0.44.dev20260713+nightly
codegen_flags: <defaults>
</compile_context>

<pallas_src>
import functools

import jax
import jax.numpy as jnp
from jax import lax
from jax.experimental import pallas as pl
from jax.experimental.pallas import tpu as pltpu
from jax.experimental.pallas import tpu_sc as plsc

N = 10000
E = 320000
D = 128
H = 128
G = 64

NC = 2
NS = 16
NW = NC * NS
EW = E // NW
K = 128
NWIN = EW // K
NG = NWIN // 2
REM = EW - NWIN * K

NPAD = 10240
DEGC = NPAD // NS
RT = 624
ZC = 104

def _sc_degree_body(ei_hbm, out_hbm, acc_sh, zbuf, ones_v, didx, didx_r,
                    si_a, si_b, ss_a, ss_b):
    c = lax.axis_index("c")
    s = lax.axis_index("s")
    base = (c * NS + s) * EW
    dst_hbm = ei_hbm
    base = E + base

    def fill(i, _):
        for j in range(8):
            zbuf[pl.ds(i * 128 + j * 16, 16)] = jnp.zeros((16,), jnp.float32)
        return 0

    lax.fori_loop(0, DEGC // 128, fill, 0)

    for j in range(K // 16):
        ones_v[pl.ds(j * 16, 16)] = jnp.ones((16,), jnp.float32)

    pltpu.sync_copy(zbuf, acc_sh.at[pl.ds(s * DEGC, DEGC)])
    plsc.subcore_barrier()

    didx_a = didx.at[0]
    didx_b = didx.at[1]

    def fetch(w, buf, sem):
        pltpu.async_copy(dst_hbm.at[pl.ds(base + w * K, K)], buf, sem)

    def wfetch(w, buf, sem):
        pltpu.make_async_copy(dst_hbm.at[pl.ds(base + w * K, K)], buf,
                              sem).wait()

    def wscat(buf, sem):
        pltpu.make_async_copy(ones_v, acc_sh.at[buf], sem).wait()

    fetch(0, didx_a, si_a)
    fetch(1, didx_b, si_b)

    def group(g, _):
        w0 = 2 * g
        wfetch(w0, didx_a, si_a)
        pltpu.async_copy(ones_v, acc_sh.at[didx_a], ss_a, add=True)

        @pl.when(g + 1 < NG)
        def _():
            wscat(didx_a, ss_a)
            fetch(w0 + 2, didx_a, si_a)

        wfetch(w0 + 1, didx_b, si_b)
        pltpu.async_copy(ones_v, acc_sh.at[didx_b], ss_b, add=True)

        @pl.when(g + 1 < NG)
        def _():
            wscat(didx_b, ss_b)
            fetch(w0 + 3, didx_b, si_b)

        return 0

    lax.fori_loop(0, NG, group, 0)
    wscat(didx_a, ss_a)
    wscat(didx_b, ss_b)
    pltpu.sync_copy(dst_hbm.at[pl.ds(base + NWIN * K, REM)], didx_r)
    pltpu.sync_copy(ones_v.at[pl.ds(0, REM)], acc_sh.at[didx_r], add=True)
    plsc.subcore_barrier()
    pltpu.sync_copy(acc_sh.at[pl.ds(s * DEGC, DEGC)],
                    out_hbm.at[c, pl.ds(s * DEGC, DEGC)])


def _sc_aggregate_body(p_hbm, ei_hbm, out_hbm, acc_sh,
                       rows_a, rows_b, zsrc, sidx_a, sidx_b,
                       didx_a, didx_b, sidx_r, didx_r,
                       sg_a, sg_b, si_a, si_b, ss_a, ss_b):
    c = lax.axis_index("c")
    s = lax.axis_index("s")
    base = (c * NS + s) * EW
    dbase = E + base

    def fill_row(i, _):
        for j in range(H // 16):
            zsrc[i, pl.ds(j * 16, 16)] = jnp.zeros((16,), jnp.float32)
        return 0

    lax.fori_loop(0, ZC, fill_row, 0)

    r0 = s * RT

    def zero_chunk(i, _):
        pltpu.sync_copy(zsrc, acc_sh.at[pl.ds(r0 + i * ZC, ZC)])
        return 0

    lax.fori_loop(0, RT // ZC, zero_chunk, 0)

    @pl.when(s == NS - 1)
    def _():
        pltpu.sync_copy(zsrc.at[pl.ds(0, 16)], acc_sh.at[pl.ds(N - 16, 16)])

    plsc.subcore_barrier()

    def fetch_idx(w, sidx, didx, si):
        pltpu.async_copy(ei_hbm.at[pl.ds(base + w * K, K)], sidx, si)
        pltpu.async_copy(ei_hbm.at[pl.ds(dbase + w * K, K)], didx, si)

    def wait_idx(w, sidx, didx, si):
        pltpu.make_async_copy(ei_hbm.at[pl.ds(base + w * K, K)], sidx, si).wait()
        pltpu.make_async_copy(ei_hbm.at[pl.ds(dbase + w * K, K)], didx, si).wait()

    def wait_gather(rows, sidx, sg):
        pltpu.make_async_copy(p_hbm.at[sidx], rows, sg).wait()

    def wait_scatter(rows, didx, ss):
        pltpu.make_async_copy(rows, acc_sh.at[didx], ss).wait()

    fetch_idx(0, sidx_a, didx_a, si_a)
    fetch_idx(1, sidx_b, didx_b, si_b)
    wait_idx(0, sidx_a, didx_a, si_a)
    pltpu.async_copy(p_hbm.at[sidx_a], rows_a, sg_a)

    def group(g, _):
        w0 = 2 * g
        w1 = w0 + 1
        wait_idx(w1, sidx_b, didx_b, si_b)
        pltpu.async_copy(p_hbm.at[sidx_b], rows_b, sg_b)
        wait_gather(rows_a, sidx_a, sg_a)
        pltpu.async_copy(rows_a, acc_sh.at[didx_a], ss_a, add=True)

        @pl.when(g + 1 < NG)
        def _():
            wait_scatter(rows_a, didx_a, ss_a)
            fetch_idx(w0 + 2, sidx_a, didx_a, si_a)
            wait_idx(w0 + 2, sidx_a, didx_a, si_a)
            pltpu.async_copy(p_hbm.at[sidx_a], rows_a, sg_a)

        wait_gather(rows_b, sidx_b, sg_b)
        pltpu.async_copy(rows_b, acc_sh.at[didx_b], ss_b, add=True)

        @pl.when(g + 1 < NG)
        def _():
            wait_scatter(rows_b, didx_b, ss_b)
            fetch_idx(w0 + 3, sidx_b, didx_b, si_b)

        return 0

    lax.fori_loop(0, NG, group, 0)
    wait_scatter(rows_a, didx_a, ss_a)
    wait_scatter(rows_b, didx_b, ss_b)
    pltpu.sync_copy(ei_hbm.at[pl.ds(base + NWIN * K, REM)], sidx_r)
    pltpu.sync_copy(ei_hbm.at[pl.ds(dbase + NWIN * K, REM)], didx_r)
    rows_r = rows_a.at[pl.ds(0, REM)]
    pltpu.async_copy(p_hbm.at[sidx_r], rows_r, sg_a).wait()
    pltpu.sync_copy(rows_r, acc_sh.at[didx_r], add=True)
    plsc.subcore_barrier()
    pltpu.sync_copy(acc_sh.at[pl.ds(r0, RT)], out_hbm.at[c, pl.ds(r0, RT)])

    @pl.when(s == NS - 1)
    def _():
        pltpu.sync_copy(acc_sh.at[pl.ds(N - 16, 16)],
                        out_hbm.at[c, pl.ds(N - 16, 16)])


@functools.cache
def _sc_kernels():
    mesh = plsc.VectorSubcoreMesh(core_axis_name="c", subcore_axis_name="s",
                                  num_cores=NC, num_subcores=NS)
    sc_degree = pl.kernel(
        _sc_degree_body,
        out_type=jax.ShapeDtypeStruct((NC, NPAD), jnp.float32),
        mesh=mesh,
        scratch_types=[
            pltpu.VMEM_SHARED((NPAD,), jnp.float32),
            pltpu.VMEM((DEGC,), jnp.float32),
            pltpu.VMEM((K,), jnp.float32),
            pltpu.VMEM((2, K), jnp.int32),
            pltpu.VMEM((REM,), jnp.int32),
            pltpu.SemaphoreType.DMA,
            pltpu.SemaphoreType.DMA,
            pltpu.SemaphoreType.DMA,
            pltpu.SemaphoreType.DMA,
        ],
    )
    sc_aggregate = pl.kernel(
        _sc_aggregate_body,
        out_type=jax.ShapeDtypeStruct((NC, N, H), jnp.float32),
        mesh=mesh,
        scratch_types=(
            [pltpu.VMEM_SHARED((N, H), jnp.float32)]
            + [pltpu.VMEM((K, H), jnp.float32)] * 2
            + [pltpu.VMEM((ZC, H), jnp.float32)]
            + [pltpu.VMEM((K,), jnp.int32)] * 4
            + [pltpu.VMEM((REM,), jnp.int32)] * 2
            + [pltpu.SemaphoreType.DMA] * 6
        ),
    )
    return sc_degree, sc_aggregate


_RB = 1000
_GRID = N // _RB

_HIGH = lax.Precision.HIGHEST


def _bdot(a, b):
    return jnp.dot(a.astype(jnp.bfloat16), b.astype(jnp.bfloat16),
                   preferred_element_type=jnp.float32)


def _mm_body(x_ref, w_ref, o_ref):
    o_ref[...] = _bdot(x_ref[...], w_ref[...])


def _scale_body(xw_ref, degs_ref, p_ref, dinv_ref):
    deg = degs_ref[0] + degs_ref[1] + 1.0
    dinv = lax.rsqrt(deg)
    p_ref[...] = xw_ref[...] * dinv
    dinv_ref[...] = dinv


def _fuse_body(acc_ref, p_ref, dinv_ref, b_ref, w_ref, pn_ref):
    dinv = dinv_ref[...]
    t = dinv * (acc_ref[0] + acc_ref[1] + p_ref[...]) + b_ref[...]
    h = jnp.maximum(t, 0.0)
    pn_ref[...] = _bdot(h, w_ref[...]) * dinv


def _final_body(acc_ref, p_ref, dinv_ref, b_ref, batch_ref,
                wl1_ref, bl1_ref, wl2_ref, bl2_ref, o_ref,
                sums, counts):
    i = pl.program_id(0)

    @pl.when(i == 0)
    def _():
        sums[...] = jnp.zeros_like(sums)
        counts[...] = jnp.zeros_like(counts)

    dinv = dinv_ref[...]
    t = dinv * (acc_ref[0] + acc_ref[1] + p_ref[...]) + b_ref[...]
    h = jnp.maximum(t, 0.0)
    bt = batch_ref[0]
    gids = lax.broadcasted_iota(jnp.int32, (G, _RB), 0)
    seg = (gids == bt).astype(jnp.float32)
    sums[...] += jnp.dot(seg, h, precision=_HIGH,
                         preferred_element_type=jnp.float32)
    counts[...] += jnp.sum(seg, axis=1, keepdims=True)

    @pl.when(i == _GRID - 1)
    def _():
        g = sums[...] / jnp.maximum(counts[...], 1.0)
        t1 = jnp.maximum(_bdot(g, wl1_ref[...]) + bl1_ref[...], 0.0)
        o_ref[...] = _bdot(t1, wl2_ref[...]) + bl2_ref[...]


def _row_spec(shape):
    return pl.BlockSpec((_RB,) + shape[1:], lambda i: (i,) + (0,) * (len(shape) - 1))


def _full(shape):
    return pl.BlockSpec(shape, lambda i: (0,) * len(shape))


_mm = pl.pallas_call(
    _mm_body,
    grid=(_GRID,),
    in_specs=[_row_spec((N, D)), _full((D, H))],
    out_specs=_row_spec((N, H)),
    out_shape=jax.ShapeDtypeStruct((N, H), jnp.float32),
)

_scale = pl.pallas_call(
    _scale_body,
    grid=(_GRID,),
    in_specs=[_row_spec((N, H)),
              pl.BlockSpec((NC, _RB, 1), lambda i: (0, i, 0))],
    out_specs=[_row_spec((N, H)), _row_spec((N, 1))],
    out_shape=[jax.ShapeDtypeStruct((N, H), jnp.float32),
               jax.ShapeDtypeStruct((N, 1), jnp.float32)],
)

_acc_spec = pl.BlockSpec((NC, _RB, H), lambda i: (0, i, 0))

_fuse = pl.pallas_call(
    _fuse_body,
    grid=(_GRID,),
    in_specs=[_acc_spec, _row_spec((N, H)), _row_spec((N, 1)),
              _full((1, H)), _full((H, H))],
    out_specs=_row_spec((N, H)),
    out_shape=jax.ShapeDtypeStruct((N, H), jnp.float32),
)

_final = pl.pallas_call(
    _final_body,
    grid=(_GRID,),
    in_specs=[_acc_spec, _row_spec((N, H)), _row_spec((N, 1)),
              _full((1, H)),
              pl.BlockSpec((1, 1, _RB), lambda i: (i, 0, 0)),
              _full((H, H)), _full((1, H)), _full((H, 1)), _full((1, 1))],
    out_specs=_full((G, 1)),
    out_shape=jax.ShapeDtypeStruct((G, 1), jnp.float32),
    scratch_shapes=[pltpu.VMEM((G, H), jnp.float32),
                    pltpu.VMEM((G, 1), jnp.float32)],
    compiler_params=pltpu.CompilerParams(
        dimension_semantics=("arbitrary",)),
)


def kernel(x, edge_index, batch, Wc0, bc0, Wc1, bc1, Wc2, bc2, Wl1, bl1, Wl2, bl2):
    _sc_degree, _sc_aggregate = _sc_kernels()

    xw0 = _mm(x, Wc0)
    ei_flat = edge_index.reshape(2 * E)
    deg_parts = _sc_degree(ei_flat)
    p0, dinv = _scale(xw0, deg_parts.reshape(NC, NPAD, 1))

    acc0 = _sc_aggregate(p0, ei_flat)
    p1 = _fuse(acc0, p0, dinv, bc0.reshape(1, H), Wc1)

    acc1 = _sc_aggregate(p1, ei_flat)
    p2 = _fuse(acc1, p1, dinv, bc1.reshape(1, H), Wc2)

    acc2 = _sc_aggregate(p2, ei_flat)
    out = _final(acc2, p2, dinv, bc2.reshape(1, H),
                 batch.reshape(_GRID, 1, _RB),
                 Wl1, bl1.reshape(1, H), Wl2, bl2.reshape(1, 1))
    return out.reshape(-1)

# --- scband reference (transcript-rebuilt; emitter-appended) ---
"""Pipeline reference for scband-gcnnet-3118146257467 (READ-ONLY COPY).

The authoritative reference and input builder live on the scoring server;
editing this copy changes nothing except your own understanding.
"""

import jax, jax.numpy as jnp
import numpy as np

N = 10000
E = 320000
D = 128
H = 128
G = 64


def setup_inputs(seed: int = 0) -> dict:
    key = jax.random.key(seed)
    ks = jax.random.split(key, 16)
    x = jax.random.normal(ks[0], (N, D), dtype=jnp.float32)
    edge_index = jax.random.randint(ks[1], (2, E), 0, N, dtype=jnp.int32)
    batch = jnp.sort(jax.random.randint(ks[2], (N,), 0, G, dtype=jnp.int32))
    def lin_init(k, fan_in, fan_out):
        kw, kb = jax.random.split(k)
        W = jax.random.normal(kw, (fan_in, fan_out), dtype=jnp.float32) / np.sqrt(fan_in)
        b = jnp.zeros((fan_out,), dtype=jnp.float32)
        return W, b
    Wc0, bc0 = lin_init(ks[3], D, H)
    Wc1, bc1 = lin_init(ks[4], H, H)
    Wc2, bc2 = lin_init(ks[5], H, H)
    Wl1, bl1 = lin_init(ks[6], H, H)
    Wl2, bl2 = lin_init(ks[7], H, 1)
    return {"x": x, "edge_index": edge_index, "batch": batch,
            "Wc0": Wc0, "bc0": bc0, "Wc1": Wc1, "bc1": bc1,
            "Wc2": Wc2, "bc2": bc2, "Wl1": Wl1, "bl1": bl1,
            "Wl2": Wl2, "bl2": bl2}


def _gcn_conv(h, src, dst, dinv, W, b):
    h = h @ W
    coef = dinv[src] * dinv[dst]
    msg = h[src] * coef[:, None]
    out = jnp.zeros((N, h.shape[1]), dtype=h.dtype).at[dst].add(msg)
    return out + b


def reference(x, edge_index, batch, Wc0, bc0, Wc1, bc1, Wc2, bc2, Wl1, bl1, Wl2, bl2):
    # add self loops (GCNConv default)
    loop = jnp.arange(N, dtype=edge_index.dtype)
    src = jnp.concatenate([edge_index[0], loop])
    dst = jnp.concatenate([edge_index[1], loop])
    deg = jnp.zeros((N,), dtype=x.dtype).at[dst].add(1.0)
    dinv = jnp.where(deg > 0, deg ** -0.5, 0.0)
    h = jax.nn.relu(_gcn_conv(x, src, dst, dinv, Wc0, bc0))
    h = jax.nn.relu(_gcn_conv(h, src, dst, dinv, Wc1, bc1))
    h = jax.nn.relu(_gcn_conv(h, src, dst, dinv, Wc2, bc2))
    # global mean pool
    sums = jax.ops.segment_sum(h, batch, num_segments=G)
    counts = jax.ops.segment_sum(jnp.ones((N, 1), dtype=h.dtype), batch, num_segments=G)
    g = sums / jnp.maximum(counts, 1.0)
    # MLP head: Linear -> ReLU -> Linear (dropout=0.0)
    out = jax.nn.relu(g @ Wl1 + bl1) @ Wl2 + bl2
    return out.reshape(-1)

if __name__ == "__main__":
    import jax
    _d = setup_inputs()
    print(jax.jit(kernel)(*tuple(_d.values())))

</pallas_src>

<mosaic_0001>
#map = affine_map<(d0, d1) -> (0, 0)>
#map1 = affine_map<(d0, d1) -> (0)>
#map2 = affine_map<(d0, d1) -> (0, 0, 0)>
module attributes {stable_mosaic.version = 14 : i64} {
  func.func @_sc_aggregate_body(%arg0: i32, %arg1: i32, %arg2: memref<10000x128xf32, #tpu.memory_space<hbm>>, %arg3: memref<640000xi32, #tpu.memory_space<hbm>>, %arg4: memref<2x10000x128xf32, #tpu.memory_space<hbm>>, %arg5: memref<10000x128xf32, #tpu.memory_space<vmem_shared>>, %arg6: memref<128x128xf32, #tpu.memory_space<vmem>>, %arg7: memref<128x128xf32, #tpu.memory_space<vmem>>, %arg8: memref<104x128xf32, #tpu.memory_space<vmem>>, %arg9: memref<128xi32, #tpu.memory_space<vmem>>, %arg10: memref<128xi32, #tpu.memory_space<vmem>>, %arg11: memref<128xi32, #tpu.memory_space<vmem>>, %arg12: memref<128xi32, #tpu.memory_space<vmem>>, %arg13: memref<16xi32, #tpu.memory_space<vmem>>, %arg14: memref<16xi32, #tpu.memory_space<vmem>>, %arg15: memref<!tpu.dma_semaphore, #tpu.memory_space<semaphore_mem>>, %arg16: memref<!tpu.dma_semaphore, #tpu.memory_space<semaphore_mem>>, %arg17: memref<!tpu.dma_semaphore, #tpu.memory_space<semaphore_mem>>, %arg18: memref<!tpu.dma_semaphore, #tpu.memory_space<semaphore_mem>>, %arg19: memref<!tpu.dma_semaphore, #tpu.memory_space<semaphore_mem>>, %arg20: memref<!tpu.dma_semaphore, #tpu.memory_space<semaphore_mem>>) attributes {dimension_semantics = [#tpu.dimension_semantics<core_parallel>, #tpu.dimension_semantics<subcore_parallel>], iteration_bounds = array<i64: 2, 16>, scalar_prefetch = 0 : i64, scratch_operands = 16 : i64, tpu.core_type = #tpu.core_type<sc_vector_subcore>, window_params = [{transform_indices = #map}, {transform_indices = #map1}, {transform_indices = #map2}]} {
    %mul3A = arith.constant 16 : i32
    %mul3A_0 = arith.muli %arg0, %mul3A : i32
    %add3A = arith.addi %mul3A_0, %arg1 : i32
    %mul3A_1 = arith.constant 10000 : i32
    %mul3A_2 = arith.muli %add3A, %mul3A_1 : i32
    %add3A_3 = arith.constant 320000 : i32
    %add3A_4 = arith.addi %add3A_3, %mul3A_2 : i32
    %scan3A = arith.constant 0 : i32
    %scan3A_5 = arith.constant 0 : i32
    %scan3A_6 = arith.constant 104 : i32
    %scan3A_7 = arith.addi %scan3A_5, %scan3A_6 : i32
    %scan3A_8 = arith.constant 1 : i32
    %scan3A_9 = scf.for %scan3A_82 = %scan3A_5 to %scan3A_7 step %scan3A_8 iter_args(%scan3A_83 = %scan3A) -> (i32)  : i32 {
      %broadcast_in_dim3A = arith.constant 0.000000e+00 : f32
      %broadcast_in_dim3A_84 = vector.broadcast %broadcast_in_dim3A : f32 to vector<16xf32>
      %swap3A = arith.index_cast %scan3A_82 : i32 to index
      %swap3A_85 = arith.constant 0 : index
      %swap3A_86 = tpu.vector_load %arg8[%swap3A, %swap3A_85] {strides = array<i32>} : memref<104x128xf32, #tpu.memory_space<vmem>>, vector<1x16xf32>,
      %swap3A_87 = vector.shape_cast %swap3A_86 : vector<1x16xf32> to vector<16xf32>
      %swap3A_88 = vector.shape_cast %broadcast_in_dim3A_84 : vector<16xf32> to vector<1x16xf32>
      tpu.vector_store %arg8[%swap3A, %swap3A_85], %swap3A_88 {strides = array<i32>} : memref<104x128xf32, #tpu.memory_space<vmem>>, vector<1x16xf32>,
      %broadcast_in_dim3A_89 = arith.constant 0.000000e+00 : f32
      %broadcast_in_dim3A_90 = vector.broadcast %broadcast_in_dim3A_89 : f32 to vector<16xf32>
      %swap3A_91 = arith.index_cast %scan3A_82 : i32 to index
      %swap3A_92 = arith.constant 16 : index
      %swap3A_93 = tpu.vector_load %arg8[%swap3A_91, %swap3A_92] {strides = array<i32>} : memref<104x128xf32, #tpu.memory_space<vmem>>, vector<1x16xf32>,
      %swap3A_94 = vector.shape_cast %swap3A_93 : vector<1x16xf32> to vector<16xf32>
      %swap3A_95 = vector.shape_cast %broadcast_in_dim3A_90 : vector<16xf32> to vector<1x16xf32>
      tpu.vector_store %arg8[%swap3A_91, %swap3A_92], %swap3A_95 {strides = array<i32>} : memref<104x128xf32, #tpu.memory_space<vmem>>, vector<1x16xf32>,
      %broadcast_in_dim3A_96 = arith.constant 0.000000e+00 : f32
      %broadcast_in_dim3A_97 = vector.broadcast %broadcast_in_dim3A_96 : f32 to vector<16xf32>
      %swap3A_98 = arith.index_cast %scan3A_82 : i32 to index
      %swap3A_99 = arith.constant 32 : index
      %swap3A_100 = tpu.vector_load %arg8[%swap3A_98, %swap3A_99] {strides = array<i32>} : memref<104x128xf32, #tpu.memory_space<vmem>>, vector<1x16xf32>,
      %swap3A_101 = vector.shape_cast %swap3A_100 : vector<1x16xf32> to vector<16xf32>
      %swap3A_102 = vector.shape_cast %broadcast_in_dim3A_97 : vector<16xf32> to vector<1x16xf32>
      tpu.vector_store %arg8[%swap3A_98, %swap3A_99], %swap3A_102 {strides = array<i32>} : memref<104x128xf32, #tpu.memory_space<vmem>>, vector<1x16xf32>,
      %broadcast_in_dim3A_103 = arith.constant 0.000000e+00 : f32
      %broadcast_in_dim3A_104 = vector.broadcast %broadcast_in_dim3A_103 : f32 to vector<16xf32>
      %swap3A_105 = arith.index_cast %scan3A_82 : i32 to index
      %swap3A_106 = arith.constant 48 : index
      %swap3A_107 = tpu.vector_load %arg8[%swap3A_105, %swap3A_106] {strides = array<i32>} : memref<104x128xf32, #tpu.memory_space<vmem>>, vector<1x16xf32>,
      %swap3A_108 = vector.shape_cast %swap3A_107 : vector<1x16xf32> to vector<16xf32>
      %swap3A_109 = vector.shape_cast %broadcast_in_dim3A_104 : vector<16xf32> to vector<1x16xf32>
      tpu.vector_store %arg8[%swap3A_105, %swap3A_106], %swap3A_109 {strides = array<i32>} : memref<104x128xf32, #tpu.memory_space<vmem>>, vector<1x16xf32>,
      %broadcast_in_dim3A_110 = arith.constant 0.000000e+00 : f32
      %broadcast_in_dim3A_111 = vector.broadcast %broadcast_in_dim3A_110 : f32 to vector<16xf32>
      %swap3A_112 = arith.index_cast %scan3A_82 : i32 to index
      %swap3A_113 = arith.constant 64 : index
      %swap3A_114 = tpu.vector_load %arg8[%swap3A_112, %swap3A_113] {strides = array<i32>} : memref<104x128xf32, #tpu.memory_space<vmem>>, vector<1x16xf32>,
      %swap3A_115 = vector.shape_cast %swap3A_114 : vector<1x16xf32> to vector<16xf32>
      %swap3A_116 = vector.shape_cast %broadcast_in_dim3A_111 : vector<16xf32> to vector<1x16xf32>
      tpu.vector_store %arg8[%swap3A_112, %swap3A_113], %swap3A_116 {strides = array<i32>} : memref<104x128xf32, #tpu.memory_space<vmem>>, vector<1x16xf32>,
      %broadcast_in_dim3A_117 = arith.constant 0.000000e+00 : f32
      %broadcast_in_dim3A_118 = vector.broadcast %broadcast_in_dim3A_117 : f32 to vector<16xf32>
      %swap3A_119 = arith.index_cast %scan3A_82 : i32 to index
      %swap3A_120 = arith.constant 80 : index
      %swap3A_121 = tpu.vector_load %arg8[%swap3A_119, %swap3A_120] {strides = array<i32>} : memref<104x128xf32, #tpu.memory_space<vmem>>, vector<1x16xf32>,
      %swap3A_122 = vector.shape_cast %swap3A_121 : vector<1x16xf32> to vector<16xf32>
      %swap3A_123 = vector.shape_cast %broadcast_in_dim3A_118 : vector<16xf32> to vector<1x16xf32>
      tpu.vector_store %arg8[%swap3A_119, %swap3A_120], %swap3A_123 {strides = array<i32>} : memref<104x128xf32, #tpu.memory_space<vmem>>, vector<1x16xf32>,
      %broadcast_in_dim3A_124 = arith.constant 0.000000e+00 : f32
      %broadcast_in_dim3A_125 = vector.broadcast %broadcast_in_dim3A_124 : f32 to vector<16xf32>
      %swap3A_126 = arith.index_cast %scan3A_82 : i32 to index
      %swap3A_127 = arith.constant 96 : index
      %swap3A_128 = tpu.vector_load %arg8[%swap3A_126, %swap3A_127] {strides = array<i32>} : memref<104x128xf32, #tpu.memory_space<vmem>>, vector<1x16xf32>,
      %swap3A_129 = vector.shape_cast %swap3A_128 : vector<1x16xf32> to vector<16xf32>
      %swap3A_130 = vector.shape_cast %broadcast_in_dim3A_125 : vector<16xf32> to vector<1x16xf32>
      tpu.vector_store %arg8[%swap3A_126, %swap3A_127], %swap3A_130 {strides = array<i32>} : memref<104x128xf32, #tpu.memory_space<vmem>>, vector<1x16xf32>,
      %broadcast_in_dim3A_131 = arith.constant 0.000000e+00 : f32
      %broadcast_in_dim3A_132 = vector.broadcast %broadcast_in_dim3A_131 : f32 to vector<16xf32>
      %swap3A_133 = arith.index_cast %scan3A_82 : i32 to index
      %swap3A_134 = arith.constant 112 : index
      %swap3A_135 = tpu.vector_load %arg8[%swap3A_133, %swap3A_134] {strides = array<i32>} : memref<104x128xf32, #tpu.memory_space<vmem>>, vector<1x16xf32>,
      %swap3A_136 = vector.shape_cast %swap3A_135 : vector<1x16xf32> to vector<16xf32>
      %swap3A_137 = vector.shape_cast %broadcast_in_dim3A_132 : vector<16xf32> to vector<1x16xf32>
      tpu.vector_store %arg8[%swap3A_133, %swap3A_134], %swap3A_137 {strides = array<i32>} : memref<104x128xf32, #tpu.memory_space<vmem>>, vector<1x16xf32>,
      %scan3A_138 = arith.constant 0 : i32
      scf.yield %scan3A_138 : i32
    }
    %scan3A_10 = arith.constant 104 : i32
    %mul3A_11 = arith.constant 624 : i32
    %mul3A_12 = arith.muli %arg1, %mul3A_11 : i32
    %scan3A_13 = arith.constant 0 : i32
    %scan3A_14 = arith.constant 0 : i32
    %scan3A_15 = arith.constant 6 : i32
    %scan3A_16 = arith.addi %scan3A_14, %scan3A_15 : i32
    %scan3A_17 = arith.constant 1 : i32
    %scan3A_18 = scf.for %scan3A_82 = %scan3A_14 to %scan3A_16 step %scan3A_17 iter_args(%scan3A_83 = %scan3A_13) -> (i32)  : i32 {
      %mul3A_84 = arith.constant 104 : i32
      %mul3A_85 = arith.muli %scan3A_82, %mul3A_84 : i32
      %add3A_86 = arith.addi %mul3A_12, %mul3A_85 : i32
      "tpu.region"() ({
        %run_scoped3A = tpu.sem_alloc : memref<!tpu.dma_semaphore, #tpu.memory_space<semaphore_mem>>
        %dma_start3A_88 = arith.constant 0 : i32
        %dma_start3A_89 = tpu.memref_slice %arg5[%add3A_86, %dma_start3A_88] : memref<10000x128xf32, #tpu.memory_space<vmem_shared>> -> memref<104x128xf32, #tpu.memory_space<vmem_shared>>
        %dma_start3A_90 = arith.constant 0 : i32
        %dma_start3A_91 = tpu.memref_slice %arg5[%add3A_86, %dma_start3A_90] : memref<10000x128xf32, #tpu.memory_space<vmem_shared>> -> memref<104x128xf32, #tpu.memory_space<vmem_shared>>
        tpu.enqueue_dma source(%arg8 : memref<104x128xf32, #tpu.memory_space<vmem>>) target(%dma_start3A_91 : memref<104x128xf32, #tpu.memory_space<vmem_shared>>) target_semaphore(%run_scoped3A : memref<!tpu.dma_semaphore, #tpu.memory_space<semaphore_mem>>)
        %dma_wait3A_92 = arith.constant 0 : i32
        %dma_wait3A_93 = tpu.memref_slice %arg5[%add3A_86, %dma_wait3A_92] : memref<10000x128xf32, #tpu.memory_space<vmem_shared>> -> memref<104x128xf32, #tpu.memory_space<vmem_shared>>
        %dma_wait3A_94 = arith.constant 0 : i32
        %dma_wait3A_95 = tpu.memref_slice %arg5[%add3A_86, %dma_wait3A_94] : memref<10000x128xf32, #tpu.memory_space<vmem_shared>> -> memref<104x128xf32, #tpu.memory_space<vmem_shared>>
        tpu.wait_dma2 semaphore(%run_scoped3A : memref<!tpu.dma_semaphore, #tpu.memory_space<semaphore_mem>>) src(%arg8 : memref<104x128xf32, #tpu.memory_space<vmem>>) dst(%dma_wait3A_95 : memref<104x128xf32, #tpu.memory_space<vmem_shared>>)
        tpu.yield
      }) : () -> ()
      %scan3A_87 = arith.constant 0 : i32
      scf.yield %scan3A_87 : i32
    }
    %scan3A_19 = arith.constant 6 : i32
    %eq3A = arith.constant 15 : i32
    %eq3A_20 = arith.cmpi eq, %arg1, %eq3A : i32
    %convert_element_type3A = arith.extui %eq3A_20 : i1 to i32
    %cond3A = arith.constant 0 : i32
    %cond3A_21 = arith.cmpi ne, %convert_element_type3A, %cond3A : i32
    scf.if %cond3A_21 {
      "tpu.region"() ({
        %run_scoped3A = tpu.sem_alloc : memref<!tpu.dma_semaphore, #tpu.memory_space<semaphore_mem>>
        %dma_start3A_82 = arith.constant 0 : i32
        %dma_start3A_83 = arith.constant 0 : i32
        %dma_start3A_84 = tpu.memref_slice %arg8[%dma_start3A_82, %dma_start3A_83] : memref<104x128xf32, #tpu.memory_space<vmem>> -> memref<16x128xf32, #tpu.memory_space<vmem>>
        %dma_start3A_85 = arith.constant 9984 : i32
        %dma_start3A_86 = arith.constant 0 : i32
        %dma_start3A_87 = tpu.memref_slice %arg5[%dma_start3A_85, %dma_start3A_86] : memref<10000x128xf32, #tpu.memory_space<vmem_shared>> -> memref<16x128xf32, #tpu.memory_space<vmem_shared>>
        %dma_start3A_88 = arith.constant 9984 : i32
        %dma_start3A_89 = arith.constant 0 : i32
        %dma_start3A_90 = tpu.memref_slice %arg5[%dma_start3A_88, %dma_start3A_89] : memref<10000x128xf32, #tpu.memory_space<vmem_shared>> -> memref<16x128xf32, #tpu.memory_space<vmem_shared>>
        %dma_start3A_91 = arith.constant 0 : i32
        %dma_start3A_92 = arith.constant 0 : i32
        %dma_start3A_93 = tpu.memref_slice %arg8[%dma_start3A_91, %dma_start3A_92] : memref<104x128xf32, #tpu.memory_space<vmem>> -> memref<16x128xf32, #tpu.memory_space<vmem>>
        tpu.enqueue_dma source(%dma_start3A_93 : memref<16x128xf32, #tpu.memory_space<vmem>>) target(%dma_start3A_90 : memref<16x128xf32, #tpu.memory_space<vmem_shared>>) target_semaphore(%run_scoped3A : memref<!tpu.dma_semaphore, #tpu.memory_space<semaphore_mem>>)
        %dma_wait3A_94 = arith.constant 0 : i32
        %dma_wait3A_95 = arith.constant 0 : i32
        %dma_wait3A_96 = tpu.memref_slice %arg8[%dma_wait3A_94, %dma_wait3A_95] : memref<104x128xf32, #tpu.memory_space<vmem>> -> memref<16x128xf32, #tpu.memory_space<vmem>>
        %dma_wait3A_97 = arith.constant 9984 : i32
        %dma_wait3A_98 = arith.constant 0 : i32
        %dma_wait3A_99 = tpu.memref_slice %arg5[%dma_wait3A_97, %dma_wait3A_98] : memref<10000x128xf32, #tpu.memory_space<vmem_shared>> -> memref<16x128xf32, #tpu.memory_space<vmem_shared>>
        %dma_wait3A_100 = arith.constant 9984 : i32
        %dma_wait3A_101 = arith.constant 0 : i32
        %dma_wait3A_102 = tpu.memref_slice %arg5[%dma_wait3A_100, %dma_wait3A_101] : memref<10000x128xf32, #tpu.memory_space<vmem_shared>> -> memref<16x128xf32, #tpu.memory_space<vmem_shared>>
        %dma_wait3A_103 = arith.constant 0 : i32
        %dma_wait3A_104 = arith.constant 0 : i32
        %dma_wait3A_105 = tpu.memref_slice %arg8[%dma_wait3A_103, %dma_wait3A_104] : memref<104x128xf32, #tpu.memory_space<vmem>> -> memref<16x128xf32, #tpu.memory_space<vmem>>
        tpu.wait_dma2 semaphore(%run_scoped3A : memref<!tpu.dma_semaphore, #tpu.memory_space<semaphore_mem>>) src(%dma_wait3A_105 : memref<16x128xf32, #tpu.memory_space<vmem>>) dst(%dma_wait3A_102 : memref<16x128xf32, #tpu.memory_space<vmem_shared>>)
        tpu.yield
      }) : () -> ()
    } else {
    }
    %barrier3A = arith.constant 0 : index
    tpu.barrier barrier_id(%barrier3A)
    %add3A_22 = arith.constant 0 : i32
    %add3A_23 = arith.addi %mul3A_2, %add3A_22 : i32
    %dma_start3A = tpu.memref_slice %arg3[%add3A_23] : memref<640000xi32, #tpu.memory_space<hbm>> -> memref<128xi32, #tpu.memory_space<hbm>>
    %dma_start3A_24 = tpu.memref_slice %arg3[%add3A_23] : memref<640000xi32, #tpu.memory_space<hbm>> -> memref<128xi32, #tpu.memory_space<hbm>>
    tpu.enqueue_dma source(%dma_start3A_24 : memref<128xi32, #tpu.memory_space<hbm>>) target(%arg9 : memref<128xi32, #tpu.memory_space<vmem>>) target_semaphore(%arg17 : memref<!tpu.dma_semaphore, #tpu.memory_space<semaphore_mem>>)
    %add3A_25 = arith.constant 0 : i32
    %add3A_26 = arith.addi %add3A_4, %add3A_25 : i32
    %dma_start3A_27 = tpu.memref_slice %arg3[%add3A_26] : memref<640000xi32, #tpu.memory_space<hbm>> -> memref<128xi32, #tpu.memory_space<hbm>>
    %dma_start3A_28 = tpu.memref_slice %arg3[%add3A_26] : memref<640000xi32, #tpu.memory_space<hbm>> -> memref<128xi32, #tpu.memory_space<hbm>>
    tpu.enqueue_dma source(%dma_start3A_28 : memref<128xi32, #tpu.memory_space<hbm>>) target(%arg11 : memref<128xi32, #tpu.memory_space<vmem>>) target_semaphore(%arg17 : memref<!tpu.dma_semaphore, #tpu.memory_space<semaphore_mem>>)
    %add3A_29 = arith.constant 128 : i32
    %add3A_30 = arith.addi %mul3A_2, %add3A_29 : i32
    %dma_start3A_31 = tpu.memref_slice %arg3[%add3A_30] : memref<640000xi32, #tpu.memory_space<hbm>> -> memref<128xi32, #tpu.memory_space<hbm>>
    %dma_start3A_32 = tpu.memref_slice %arg3[%add3A_30] : memref<640000xi32, #tpu.memory_space<hbm>> -> memref<128xi32, #tpu.memory_space<hbm>>
    tpu.enqueue_dma source(%dma_start3A_32 : memref<128xi32, #tpu.memory_space<hbm>>) target(%arg10 : memref<128xi32, #tpu.memory_space<vmem>>) target_semaphore(%arg18 : memref<!tpu.dma_semaphore, #tpu.memory_space<semaphore_mem>>)
    %add3A_33 = arith.constant 128 : i32
    %add3A_34 = arith.addi %add3A_4, %add3A_33 : i32
    %dma_start3A_35 = tpu.memref_slice %arg3[%add3A_34] : memref<640000xi32, #tpu.memory_space<hbm>> -> memref<128xi32, #tpu.memory_space<hbm>>
    %dma_start3A_36 = tpu.memref_slice %arg3[%add3A_34] : memref<640000xi32, #tpu.memory_space<hbm>> -> memref<128xi32, #tpu.memory_space<hbm>>
    tpu.enqueue_dma source(%dma_start3A_36 : memref<128xi32, #tpu.memory_space<hbm>>) target(%arg12 : memref<128xi32, #tpu.memory_space<vmem>>) target_semaphore(%arg18 : memref<!tpu.dma_semaphore, #tpu.memory_space<semaphore_mem>>)
    %add3A_37 = arith.constant 0 : i32
    %add3A_38 = arith.addi %mul3A_2, %add3A_37 : i32
    %dma_wait3A = tpu.memref_slice %arg3[%add3A_38] : memref<640000xi32, #tpu.memory_space<hbm>> -> memref<128xi32, #tpu.memory_space<hbm>>
    %dma_wait3A_39 = tpu.memref_slice %arg3[%add3A_38] : memref<640000xi32, #tpu.memory_space<hbm>> -> memref<128xi32, #tpu.memory_space<hbm>>
    tpu.wait_dma2 semaphore(%arg17 : memref<!tpu.dma_semaphore, #tpu.memory_space<semaphore_mem>>) src(%dma_wait3A_39 : memref<128xi32, #tpu.memory_space<hbm>>) dst(%arg9 : memref<128xi32, #tpu.memory_space<vmem>>)
    %add3A_40 = arith.constant 0 : i32
    %add3A_41 = arith.addi %add3A_4, %add3A_40 : i32
    %dma_wait3A_42 = tpu.memref_slice %arg3[%add3A_41] : memref<640000xi32, #tpu.memory_space<hbm>> -> memref<128xi32, #tpu.memory_space<hbm>>
    %dma_wait3A_43 = tpu.memref_slice %arg3[%add3A_41] : memref<640000xi32, #tpu.memory_space<hbm>> -> memref<128xi32, #tpu.memory_space<hbm>>
    tpu.wait_dma2 semaphore(%arg17 : memref<!tpu.dma_semaphore, #tpu.memory_space<semaphore_mem>>) src(%dma_wait3A_43 : memref<128xi32, #tpu.memory_space<hbm>>) dst(%arg11 : memref<128xi32, #tpu.memory_space<vmem>>)
    %dma_start3A_44 = arith.constant 0 : i32
    %dma_start3A_45 = arith.constant 0 : i32
    %dma_start3A_46 = tpu.memref_slice %arg2[%dma_start3A_44, %dma_start3A_45] : memref<10000x128xf32, #tpu.memory_space<hbm>> -> memref<10000x128xf32, #tpu.memory_space<hbm>>
    tpu.enqueue_indirect_dma source(%dma_start3A_46 : memref<10000x128xf32, #tpu.memory_space<hbm>>) target(%arg6 : memref<128x128xf32, #tpu.memory_space<vmem>>) offsets(%arg9 : memref<128xi32, #tpu.memory_space<vmem>>) semaphore(%arg15 : memref<!tpu.dma_semaphore, #tpu.memory_space<semaphore_mem>>)
    %scan3A_47 = arith.constant 0 : i32
    %scan3A_48 = arith.constant 0 : i32
    %scan3A_49 = arith.constant 39 : i32
    %scan3A_50 = arith.addi %scan3A_48, %scan3A_49 : i32
    %scan3A_51 = arith.constant 1 : i32
    %scan3A_52 = scf.for %scan3A_82 = %scan3A_48 to %scan3A_50 step %scan3A_51 iter_args(%scan3A_83 = %scan3A_47) -> (i32)  : i32 {
      %mul3A_84 = arith.constant 2 : i32
      %mul3A_85 = arith.muli %mul3A_84, %scan3A_82 : i32
      %add3A_86 = arith.constant 1 : i32
      %add3A_87 = arith.addi %mul3A_85, %add3A_86 : i32
      %mul3A_88 = arith.constant 128 : i32
      %mul3A_89 = arith.muli %add3A_87, %mul3A_88 : i32
      %add3A_90 = arith.addi %mul3A_2, %mul3A_89 : i32
      %dma_wait3A_91 = tpu.memref_slice %arg3[%add3A_90] : memref<640000xi32, #tpu.memory_space<hbm>> -> memref<128xi32, #tpu.memory_space<hbm>>
      %dma_wait3A_92 = tpu.memref_slice %arg3[%add3A_90] : memref<640000xi32, #tpu.memory_space<hbm>> -> memref<128xi32, #tpu.memory_space<hbm>>
      tpu.wait_dma2 semaphore(%arg18 : memref<!tpu.dma_semaphore, #tpu.memory_space<semaphore_mem>>) src(%dma_wait3A_92 : memref<128xi32, #tpu.memory_space<hbm>>) dst(%arg10 : memref<128xi32, #tpu.memory_space<vmem>>)
      %mul3A_93 = arith.constant 128 : i32
      %mul3A_94 = arith.muli %add3A_87, %mul3A_93 : i32
      %add3A_95 = arith.addi %add3A_4, %mul3A_94 : i32
      %dma_wait3A_96 = tpu.memref_slice %arg3[%add3A_95] : memref<640000xi32, #tpu.memory_space<hbm>> -> memref<128xi32, #tpu.memory_space<hbm>>
      %dma_wait3A_97 = tpu.memref_slice %arg3[%add3A_95] : memref<640000xi32, #tpu.memory_space<hbm>> -> memref<128xi32, #tpu.memory_space<hbm>>
      tpu.wait_dma2 semaphore(%arg18 : memref<!tpu.dma_semaphore, #tpu.memory_space<semaphore_mem>>) src(%dma_wait3A_97 : memref<128xi32, #tpu.memory_space<hbm>>) dst(%arg12 : memref<128xi32, #tpu.memory_space<vmem>>)
      %dma_start3A_98 = arith.constant 0 : i32
      %dma_start3A_99 = arith.constant 0 : i32
      %dma_start3A_100 = tpu.memref_slice %arg2[%dma_start3A_98, %dma_start3A_99] : memref<10000x128xf32, #tpu.memory_space<hbm>> -> memref<10000x128xf32, #tpu.memory_space<hbm>>
      tpu.enqueue_indirect_dma source(%dma_start3A_100 : memref<10000x128xf32, #tpu.memory_space<hbm>>) target(%arg7 : memref<128x128xf32, #tpu.memory_space<vmem>>) offsets(%arg10 : memref<128xi32, #tpu.memory_space<vmem>>) semaphore(%arg16 : memref<!tpu.dma_semaphore, #tpu.memory_space<semaphore_mem>>)
      %dma_wait3A_101 = arith.constant 0 : i32
      %dma_wait3A_102 = arith.constant 0 : i32
      %dma_wait3A_103 = tpu.memref_slice %arg2[%dma_wait3A_101, %dma_wait3A_102] : memref<10000x128xf32, #tpu.memory_space<hbm>> -> memref<10000x128xf32, #tpu.memory_space<hbm>>
      tpu.wait_indirect_dma semaphore(%arg15 : memref<!tpu.dma_semaphore, #tpu.memory_space<semaphore_mem>>) src(%dma_wait3A_103 : memref<10000x128xf32, #tpu.memory_space<hbm>>) dst(%arg6 : memref<128x128xf32, #tpu.memory_space<vmem>>)
      %dma_start3A_104 = arith.constant 0 : i32
      %dma_start3A_105 = arith.constant 0 : i32
      %dma_start3A_106 = tpu.memref_slice %arg5[%dma_start3A_104, %dma_start3A_105] : memref<10000x128xf32, #tpu.memory_space<vmem_shared>> -> memref<10000x128xf32, #tpu.memory_space<vmem_shared>>
      tpu.enqueue_indirect_dma source(%arg6 : memref<128x128xf32, #tpu.memory_space<vmem>>) target(%dma_start3A_106 : memref<10000x128xf32, #tpu.memory_space<vmem_shared>>) offsets(%arg11 : memref<128xi32, #tpu.memory_space<vmem>>) semaphore(%arg19 : memref<!tpu.dma_semaphore, #tpu.memory_space<semaphore_mem>>) {add = true}
      %add3A_107 = arith.constant 1 : i32
      %add3A_108 = arith.addi %scan3A_82, %add3A_107 : i32
      %lt3A = arith.constant 39 : i32
      %lt3A_109 = arith.cmpi slt, %add3A_108, %lt3A : i32
      %convert_element_type3A_110 = arith.extui %lt3A_109 : i1 to i32
      %cond3A_111 = arith.constant 0 : i32
      %cond3A_112 = arith.cmpi ne, %convert_element_type3A_110, %cond3A_111 : i32
      scf.if %cond3A_112 {
        %dma_wait3A_127 = arith.constant 0 : i32
        %dma_wait3A_128 = arith.constant 0 : i32
        %dma_wait3A_129 = tpu.memref_slice %arg5[%dma_wait3A_127, %dma_wait3A_128] : memref<10000x128xf32, #tpu.memory_space<vmem_shared>> -> memref<10000x128xf32, #tpu.memory_space<vmem_shared>>
        tpu.wait_indirect_dma semaphore(%arg19 : memref<!tpu.dma_semaphore, #tpu.memory_space<semaphore_mem>>) src(%arg6 : memref<128x128xf32, #tpu.memory_space<vmem>>) dst(%dma_wait3A_129 : memref<10000x128xf32, #tpu.memory_space<vmem_shared>>)
        %add3A_130 = arith.constant 2 : i32
        %add3A_131 = arith.addi %mul3A_85, %add3A_130 : i32
        %mul3A_132 = arith.constant 128 : i32
        %mul3A_133 = arith.muli %add3A_131, %mul3A_132 : i32
        %add3A_134 = arith.addi %mul3A_2, %mul3A_133 : i32
        %dma_start3A_135 = tpu.memref_slice %arg3[%add3A_134] : memref<640000xi32, #tpu.memory_space<hbm>> -> memref<128xi32, #tpu.memory_space<hbm>>
        %dma_start3A_136 = tpu.memref_slice %arg3[%add3A_134] : memref<640000xi32, #tpu.memory_space<hbm>> -> memref<128xi32, #tpu.memory_space<hbm>>
        tpu.enqueue_dma source(%dma_start3A_136 : memref<128xi32, #tpu.memory_space<hbm>>) target(%arg9 : memref<128xi32, #tpu.memory_space<vmem>>) target_semaphore(%arg17 : memref<!tpu.dma_semaphore, #tpu.memory_space<semaphore_mem>>)
        %mul3A_137 = arith.constant 128 : i32
        %mul3A_138 = arith.muli %add3A_131, %mul3A_137 : i32
        %add3A_139 = arith.addi %add3A_4, %mul3A_138 : i32
        %dma_start3A_140 = tpu.memref_slice %arg3[%add3A_139] : memref<640000xi32, #tpu.memory_space<hbm>> -> memref<128xi32, #tpu.memory_space<hbm>>
        %dma_start3A_141 = tpu.memref_slice %arg3[%add3A_139] : memref<640000xi32, #tpu.memory_space<hbm>> -> memref<128xi32, #tpu.memory_space<hbm>>
        tpu.enqueue_dma source(%dma_start3A_141 : memref<128xi32, #tpu.memory_space<hbm>>) target(%arg11 : memref<128xi32, #tpu.memory_space<vmem>>) target_semaphore(%arg17 : memref<!tpu.dma_semaphore, #tpu.memory_space<semaphore_mem>>)
        %add3A_142 = arith.constant 2 : i32
        %add3A_143 = arith.addi %mul3A_85, %add3A_142 : i32
        %mul3A_144 = arith.constant 128 : i32
        %mul3A_145 = arith.muli %add3A_143, %mul3A_144 : i32
        %add3A_146 = arith.addi %mul3A_2, %mul3A_145 : i32
        %dma_wait3A_147 = tpu.memref_slice %arg3[%add3A_146] : memref<640000xi32, #tpu.memory_space<hbm>> -> memref<128xi32, #tpu.memory_space<hbm>>
        %dma_wait3A_148 = tpu.memref_slice %arg3[%add3A_146] : memref<640000xi32, #tpu.memory_space<hbm>> -> memref<128xi32, #tpu.memory_space<hbm>>
        tpu.wait_dma2 semaphore(%arg17 : memref<!tpu.dma_semaphore, #tpu.memory_space<semaphore_mem>>) src(%dma_wait3A_148 : memref<128xi32, #tpu.memory_space<hbm>>) dst(%arg9 : memref<128xi32, #tpu.memory_space<vmem>>)
        %mul3A_149 = arith.constant 128 : i32
        %mul3A_150 = arith.muli %add3A_143, %mul3A_149 : i32
        %add3A_151 = arith.addi %add3A_4, %mul3A_150 : i32
        %dma_wait3A_152 = tpu.memref_slice %arg3[%add3A_151] : memref<640000xi32, #tpu.memory_space<hbm>> -> memref<128xi32, #tpu.memory_space<hbm>>
        %dma_wait3A_153 = tpu.memref_slice %arg3[%add3A_151] : memref<640000xi32, #tpu.memory_space<hbm>> -> memref<128xi32, #tpu.memory_space<hbm>>
        tpu.wait_dma2 semaphore(%arg17 : memref<!tpu.dma_semaphore, #tpu.memory_space<semaphore_mem>>) src(%dma_wait3A_153 : memref<128xi32, #tpu.memory_space<hbm>>) dst(%arg11 : memref<128xi32, #tpu.memory_space<vmem>>)
        %dma_start3A_154 = arith.constant 0 : i32
        %dma_start3A_155 = arith.constant 0 : i32
        %dma_start3A_156 = tpu.memref_slice %arg2[%dma_start3A_154, %dma_start3A_155] : memref<10000x128xf32, #tpu.memory_space<hbm>> -> memref<10000x128xf32, #tpu.memory_space<hbm>>
        tpu.enqueue_indirect_dma source(%dma_start3A_156 : memref<10000x128xf32, #tpu.memory_space<hbm>>) target(%arg6 : memref<128x128xf32, #tpu.memory_space<vmem>>) offsets(%arg9 : memref<128xi32, #tpu.memory_space<vmem>>) semaphore(%arg15 : memref<!tpu.dma_semaphore, #tpu.memory_space<semaphore_mem>>)
      } else {
      }
      %dma_wait3A_113 = arith.constant 0 : i32
      %dma_wait3A_114 = arith.constant 0 : i32
      %dma_wait3A_115 = tpu.memref_slice %arg2[%dma_wait3A_113, %dma_wait3A_114] : memref<10000x128xf32, #tpu.memory_space<hbm>> -> memref<10000x128xf32, #tpu.memory_space<hbm>>
      tpu.wait_indirect_dma semaphore(%arg16 : memref<!tpu.dma_semaphore, #tpu.memory_space<semaphore_mem>>) src(%dma_wait3A_115 : memref<10000x128xf32, #tpu.memory_space<hbm>>) dst(%arg7 : memref<128x128xf32, #tpu.memory_space<vmem>>)
      %dma_start3A_116 = arith.constant 0 : i32
      %dma_start3A_117 = arith.constant 0 : i32
      %dma_start3A_118 = tpu.memref_slice %arg5[%dma_start3A_116, %dma_start3A_117] : memref<10000x128xf32, #tpu.memory_space<vmem_shared>> -> memref<10000x128xf32, #tpu.memory_space<vmem_shared>>
      tpu.enqueue_indirect_dma source(%arg7 : memref<128x128xf32, #tpu.memory_space<vmem>>) target(%dma_start3A_118 : memref<10000x128xf32, #tpu.memory_space<vmem_shared>>) offsets(%arg12 : memref<128xi32, #tpu.memory_space<vmem>>) semaphore(%arg20 : memref<!tpu.dma_semaphore, #tpu.memory_space<semaphore_mem>>) {add = true}
      %add3A_119 = arith.constant 1 : i32
      %add3A_120 = arith.addi %scan3A_82, %add3A_119 : i32
      %lt3A_121 = arith.constant 39 : i32
      %lt3A_122 = arith.cmpi slt, %add3A_120, %lt3A_121 : i32
      %convert_element_type3A_123 = arith.extui %lt3A_122 : i1 to i32
      %cond3A_124 = arith.constant 0 : i32
      %cond3A_125 = arith.cmpi ne, %convert_element_type3A_123, %cond3A_124 : i32
      scf.if %cond3A_125 {
        %dma_wait3A_127 = arith.constant 0 : i32
        %dma_wait3A_128 = arith.constant 0 : i32
        %dma_wait3A_129 = tpu.memref_slice %arg5[%dma_wait3A_127, %dma_wait3A_128] : memref<10000x128xf32, #tpu.memory_space<vmem_shared>> -> memref<10000x128xf32, #tpu.memory_space<vmem_shared>>
        tpu.wait_indirect_dma semaphore(%arg20 : memref<!tpu.dma_semaphore, #tpu.memory_space<semaphore_mem>>) src(%arg7 : memref<128x128xf32, #tpu.memory_space<vmem>>) dst(%dma_wait3A_129 : memref<10000x128xf32, #tpu.memory_space<vmem_shared>>)
        %add3A_130 = arith.constant 3 : i32
        %add3A_131 = arith.addi %mul3A_85, %add3A_130 : i32
        %mul3A_132 = arith.constant 128 : i32
        %mul3A_133 = arith.muli %add3A_131, %mul3A_132 : i32
        %add3A_134 = arith.addi %mul3A_2, %mul3A_133 : i32
        %dma_start3A_135 = tpu.memref_slice %arg3[%add3A_134] : memref<640000xi32, #tpu.memory_space<hbm>> -> memref<128xi32, #tpu.memory_space<hbm>>
        %dma_start3A_136 = tpu.memref_slice %arg3[%add3A_134] : memref<640000xi32, #tpu.memory_space<hbm>> -> memref<128xi32, #tpu.memory_space<hbm>>
        tpu.enqueue_dma source(%dma_start3A_136 : memref<128xi32, #tpu.memory_space<hbm>>) target(%arg10 : memref<128xi32, #tpu.memory_space<vmem>>) target_semaphore(%arg18 : memref<!tpu.dma_semaphore, #tpu.memory_space<semaphore_mem>>)
        %mul3A_137 = arith.constant 128 : i32
        %mul3A_138 = arith.muli %add3A_131, %mul3A_137 : i32
        %add3A_139 = arith.addi %add3A_4, %mul3A_138 : i32
        %dma_start3A_140 = tpu.memref_slice %arg3[%add3A_139] : memref<640000xi32, #tpu.memory_space<hbm>> -> memref<128xi32, #tpu.memory_space<hbm>>
        %dma_start3A_141 = tpu.memref_slice %arg3[%add3A_139] : memref<640000xi32, #tpu.memory_space<hbm>> -> memref<128xi32, #tpu.memory_space<hbm>>
        tpu.enqueue_dma source(%dma_start3A_141 : memref<128xi32, #tpu.memory_space<hbm>>) target(%arg12 : memref<128xi32, #tpu.memory_space<vmem>>) target_semaphore(%arg18 : memref<!tpu.dma_semaphore, #tpu.memory_space<semaphore_mem>>)
      } else {
      }
      %scan3A_126 = arith.constant 0 : i32
      scf.yield %scan3A_126 : i32
    }
    %scan3A_53 = arith.constant 39 : i32
    %dma_wait3A_54 = arith.constant 0 : i32
    %dma_wait3A_55 = arith.constant 0 : i32
    %dma_wait3A_56 = tpu.memref_slice %arg5[%dma_wait3A_54, %dma_wait3A_55] : memref<10000x128xf32, #tpu.memory_space<vmem_shared>> -> memref<10000x128xf32, #tpu.memory_space<vmem_shared>>
    tpu.wait_indirect_dma semaphore(%arg19 : memref<!tpu.dma_semaphore, #tpu.memory_space<semaphore_mem>>) src(%arg6 : memref<128x128xf32, #tpu.memory_space<vmem>>) dst(%dma_wait3A_56 : memref<10000x128xf32, #tpu.memory_space<vmem_shared>>)
    %dma_wait3A_57 = arith.constant 0 : i32
    %dma_wait3A_58 = arith.constant 0 : i32
    %dma_wait3A_59 = tpu.memref_slice %arg5[%dma_wait3A_57, %dma_wait3A_58] : memref<10000x128xf32, #tpu.memory_space<vmem_shared>> -> memref<10000x128xf32, #tpu.memory_space<vmem_shared>>
    tpu.wait_indirect_dma semaphore(%arg20 : memref<!tpu.dma_semaphore, #tpu.memory_space<semaphore_mem>>) src(%arg7 : memref<128x128xf32, #tpu.memory_space<vmem>>) dst(%dma_wait3A_59 : memref<10000x128xf32, #tpu.memory_space<vmem_shared>>)
    %add3A_60 = arith.constant 9984 : i32
    %add3A_61 = arith.addi %mul3A_2, %add3A_60 : i32
    "tpu.region"() ({
      %run_scoped3A = tpu.sem_alloc : memref<!tpu.dma_semaphore, #tpu.memory_space<semaphore_mem>>
      %dma_start3A_82 = tpu.memref_slice %arg3[%add3A_61] : memref<640000xi32, #tpu.memory_space<hbm>> -> memref<16xi32, #tpu.memory_space<hbm>>
      %dma_start3A_83 = tpu.memref_slice %arg3[%add3A_61] : memref<640000xi32, #tpu.memory_space<hbm>> -> memref<16xi32, #tpu.memory_space<hbm>>
      tpu.enqueue_dma source(%dma_start3A_83 : memref<16xi32, #tpu.memory_space<hbm>>) target(%arg13 : memref<16xi32, #tpu.memory_space<vmem>>) target_semaphore(%run_scoped3A : memref<!tpu.dma_semaphore, #tpu.memory_space<semaphore_mem>>)
      %dma_wait3A_84 = tpu.memref_slice %arg3[%add3A_61] : memref<640000xi32, #tpu.memory_space<hbm>> -> memref<16xi32, #tpu.memory_space<hbm>>
      %dma_wait3A_85 = tpu.memref_slice %arg3[%add3A_61] : memref<640000xi32, #tpu.memory_space<hbm>> -> memref<16xi32, #tpu.memory_space<hbm>>
      tpu.wait_dma2 semaphore(%run_scoped3A : memref<!tpu.dma_semaphore, #tpu.memory_space<semaphore_mem>>) src(%dma_wait3A_85 : memref<16xi32, #tpu.memory_space<hbm>>) dst(%arg13 : memref<16xi32, #tpu.memory_space<vmem>>)
      tpu.yield
    }) : () -> ()
    %add3A_62 = arith.constant 9984 : i32
    %add3A_63 = arith.addi %add3A_4, %add3A_62 : i32
    "tpu.region"() ({
      %run_scoped3A = tpu.sem_alloc : memref<!tpu.dma_semaphore, #tpu.memory_space<semaphore_mem>>
      %dma_start3A_82 = tpu.memref_slice %arg3[%add3A_63] : memref<640000xi32, #tpu.memory_space<hbm>> -> memref<16xi32, #tpu.memory_space<hbm>>
      %dma_start3A_83 = tpu.memref_slice %arg3[%add3A_63] : memref<640000xi32, #tpu.memory_space<hbm>> -> memref<16xi32, #tpu.memory_space<hbm>>
      tpu.enqueue_dma source(%dma_start3A_83 : memref<16xi32, #tpu.memory_space<hbm>>) target(%arg14 : memref<16xi32, #tpu.memory_space<vmem>>) target_semaphore(%run_scoped3A : memref<!tpu.dma_semaphore, #tpu.memory_space<semaphore_mem>>)
      %dma_wait3A_84 = tpu.memref_slice %arg3[%add3A_63] : memref<640000xi32, #tpu.memory_space<hbm>> -> memref<16xi32, #tpu.memory_space<hbm>>
      %dma_wait3A_85 = tpu.memref_slice %arg3[%add3A_63] : memref<640000xi32, #tpu.memory_space<hbm>> -> memref<16xi32, #tpu.memory_space<hbm>>
      tpu.wait_dma2 semaphore(%run_scoped3A : memref<!tpu.dma_semaphore, #tpu.memory_space<semaphore_mem>>) src(%dma_wait3A_85 : memref<16xi32, #tpu.memory_space<hbm>>) dst(%arg14 : memref<16xi32, #tpu.memory_space<vmem>>)
      tpu.yield
    }) : () -> ()
    %dma_start3A_64 = arith.constant 0 : i32
    %dma_start3A_65 = arith.constant 0 : i32
    %dma_start3A_66 = tpu.memref_slice %arg6[%dma_start3A_64, %dma_start3A_65] : memref<128x128xf32, #tpu.memory_space<vmem>> -> memref<16x128xf32, #tpu.memory_space<vmem>>
    %dma_start3A_67 = arith.constant 0 : i32
    %dma_start3A_68 = arith.constant 0 : i32
    %dma_start3A_69 = tpu.memref_slice %arg2[%dma_start3A_67, %dma_start3A_68] : memref<10000x128xf32, #tpu.memory_space<hbm>> -> memref<10000x128xf32, #tpu.memory_space<hbm>>
    tpu.enqueue_indirect_dma source(%dma_start3A_69 : memref<10000x128xf32, #tpu.memory_space<hbm>>) target(%dma_start3A_66 : memref<16x128xf32, #tpu.memory_space<vmem>>) offsets(%arg13 : memref<16xi32, #tpu.memory_space<vmem>>) semaphore(%arg15 : memref<!tpu.dma_semaphore, #tpu.memory_space<semaphore_mem>>)
    %dma_wait3A_70 = arith.constant 0 : i32
    %dma_wait3A_71 = arith.constant 0 : i32
    %dma_wait3A_72 = tpu.memref_slice %arg6[%dma_wait3A_70, %dma_wait3A_71] : memref<128x128xf32, #tpu.memory_space<vmem>> -> memref<16x128xf32, #tpu.memory_space<vmem>>
    %dma_wait3A_73 = arith.constant 0 : i32
    %dma_wait3A_74 = arith.constant 0 : i32
    %dma_wait3A_75 = tpu.memref_slice %arg2[%dma_wait3A_73, %dma_wait3A_74] : memref<10000x128xf32, #tpu.memory_space<hbm>> -> memref<10000x128xf32, #tpu.memory_space<hbm>>
    tpu.wait_indirect_dma semaphore(%arg15 : memref<!tpu.dma_semaphore, #tpu.memory_space<semaphore_mem>>) src(%dma_wait3A_75 : memref<10000x128xf32, #tpu.memory_space<hbm>>) dst(%dma_wait3A_72 : memref<16x128xf32, #tpu.memory_space<vmem>>)
    "tpu.region"() ({
      %run_scoped3A = tpu.sem_alloc : memref<!tpu.dma_semaphore, #tpu.memory_space<semaphore_mem>>
      %dma_start3A_82 = arith.constant 0 : i32
      %dma_start3A_83 = arith.constant 0 : i32
      %dma_start3A_84 = tpu.memref_slice %arg6[%dma_start3A_82, %dma_start3A_83] : memref<128x128xf32, #tpu.memory_space<vmem>> -> memref<16x128xf32, #tpu.memory_space<vmem>>
      %dma_start3A_85 = arith.constant 0 : i32
      %dma_start3A_86 = arith.constant 0 : i32
      %dma_start3A_87 = tpu.memref_slice %arg5[%dma_start3A_85, %dma_start3A_86] : memref<10000x128xf32, #tpu.memory_space<vmem_shared>> -> memref<10000x128xf32, #tpu.memory_space<vmem_shared>>
      tpu.enqueue_indirect_dma source(%dma_start3A_84 : memref<16x128xf32, #tpu.memory_space<vmem>>) target(%dma_start3A_87 : memref<10000x128xf32, #tpu.memory_space<vmem_shared>>) offsets(%arg14 : memref<16xi32, #tpu.memory_space<vmem>>) semaphore(%run_scoped3A : memref<!tpu.dma_semaphore, #tpu.memory_space<semaphore_mem>>) {add = true}
      %dma_wait3A_88 = arith.constant 0 : i32
      %dma_wait3A_89 = arith.constant 0 : i32
      %dma_wait3A_90 = tpu.memref_slice %arg6[%dma_wait3A_88, %dma_wait3A_89] : memref<128x128xf32, #tpu.memory_space<vmem>> -> memref<16x128xf32, #tpu.memory_space<vmem>>
      %dma_wait3A_91 = arith.constant 0 : i32
      %dma_wait3A_92 = arith.constant 0 : i32
      %dma_wait3A_93 = tpu.memref_slice %arg5[%dma_wait3A_91, %dma_wait3A_92] : memref<10000x128xf32, #tpu.memory_space<vmem_shared>> -> memref<10000x128xf32, #tpu.memory_space<vmem_shared>>
      tpu.wait_indirect_dma semaphore(%run_scoped3A : memref<!tpu.dma_semaphore, #tpu.memory_space<semaphore_mem>>) src(%dma_wait3A_90 : memref<16x128xf32, #tpu.memory_space<vmem>>) dst(%dma_wait3A_93 : memref<10000x128xf32, #tpu.memory_space<vmem_shared>>)
      tpu.yield
    }) : () -> ()
    %barrier3A_76 = arith.constant 0 : index
    tpu.barrier barrier_id(%barrier3A_76)
    "tpu.region"() ({
      %run_scoped3A = tpu.sem_alloc : memref<!tpu.dma_semaphore, #tpu.memory_space<semaphore_mem>>
      %dma_start3A_82 = arith.constant 0 : i32
      %dma_start3A_83 = tpu.memref_slice %arg4[%arg0, %mul3A_12, %dma_start3A_82] : memref<2x10000x128xf32, #tpu.memory_space<hbm>> -> memref<1x624x128xf32, #tpu.memory_space<hbm>>
      %dma_start3A_84 = tpu.memref_squeeze %dma_start3A_83 : memref<1x624x128xf32, #tpu.memory_space<hbm>> -> memref<624x128xf32, #tpu.memory_space<hbm>>
      %dma_start3A_85 = arith.constant 0 : i32
      %dma_start3A_86 = tpu.memref_slice %arg5[%mul3A_12, %dma_start3A_85] : memref<10000x128xf32, #tpu.memory_space<vmem_shared>> -> memref<624x128xf32, #tpu.memory_space<vmem_shared>>
      tpu.enqueue_dma source(%dma_start3A_86 : memref<624x128xf32, #tpu.memory_space<vmem_shared>>) target(%dma_start3A_84 : memref<624x128xf32, #tpu.memory_space<hbm>>) target_semaphore(%run_scoped3A : memref<!tpu.dma_semaphore, #tpu.memory_space<semaphore_mem>>)
      %dma_wait3A_87 = arith.constant 0 : i32
      %dma_wait3A_88 = tpu.memref_slice %arg4[%arg0, %mul3A_12, %dma_wait3A_87] : memref<2x10000x128xf32, #tpu.memory_space<hbm>> -> memref<1x624x128xf32, #tpu.memory_space<hbm>>
      %dma_wait3A_89 = tpu.memref_squeeze %dma_wait3A_88 : memref<1x624x128xf32, #tpu.memory_space<hbm>> -> memref<624x128xf32, #tpu.memory_space<hbm>>
      %dma_wait3A_90 = arith.constant 0 : i32
      %dma_wait3A_91 = tpu.memref_slice %arg5[%mul3A_12, %dma_wait3A_90] : memref<10000x128xf32, #tpu.memory_space<vmem_shared>> -> memref<624x128xf32, #tpu.memory_space<vmem_shared>>
      tpu.wait_dma2 semaphore(%run_scoped3A : memref<!tpu.dma_semaphore, #tpu.memory_space<semaphore_mem>>) src(%dma_wait3A_91 : memref<624x128xf32, #tpu.memory_space<vmem_shared>>) dst(%dma_wait3A_89 : memref<624x128xf32, #tpu.memory_space<hbm>>)
      tpu.yield
    }) : () -> ()
    %eq3A_77 = arith.constant 15 : i32
    %eq3A_78 = arith.cmpi eq, %arg1, %eq3A_77 : i32
    %convert_element_type3A_79 = arith.extui %eq3A_78 : i1 to i32
    %cond3A_80 = arith.constant 0 : i32
    %cond3A_81 = arith.cmpi ne, %convert_element_type3A_79, %cond3A_80 : i32
    scf.if %cond3A_81 {
      "tpu.region"() ({
        %run_scoped3A = tpu.sem_alloc : memref<!tpu.dma_semaphore, #tpu.memory_space<semaphore_mem>>
        %dma_start3A_82 = arith.constant 9984 : i32
        %dma_start3A_83 = arith.constant 0 : i32
        %dma_start3A_84 = tpu.memref_slice %arg4[%arg0, %dma_start3A_82, %dma_start3A_83] : memref<2x10000x128xf32, #tpu.memory_space<hbm>> -> memref<1x16x128xf32, #tpu.memory_space<hbm>>
        %dma_start3A_85 = tpu.memref_squeeze %dma_start3A_84 : memref<1x16x128xf32, #tpu.memory_space<hbm>> -> memref<16x128xf32, #tpu.memory_space<hbm>>
        %dma_start3A_86 = arith.constant 9984 : i32
        %dma_start3A_87 = arith.constant 0 : i32
        %dma_start3A_88 = tpu.memref_slice %arg5[%dma_start3A_86, %dma_start3A_87] : memref<10000x128xf32, #tpu.memory_space<vmem_shared>> -> memref<16x128xf32, #tpu.memory_space<vmem_shared>>
        tpu.enqueue_dma source(%dma_start3A_88 : memref<16x128xf32, #tpu.memory_space<vmem_shared>>) target(%dma_start3A_85 : memref<16x128xf32, #tpu.memory_space<hbm>>) target_semaphore(%run_scoped3A : memref<!tpu.dma_semaphore, #tpu.memory_space<semaphore_mem>>)
        %dma_wait3A_89 = arith.constant 9984 : i32
        %dma_wait3A_90 = arith.constant 0 : i32
        %dma_wait3A_91 = tpu.memref_slice %arg4[%arg0, %dma_wait3A_89, %dma_wait3A_90] : memref<2x10000x128xf32, #tpu.memory_space<hbm>> -> memref<1x16x128xf32, #tpu.memory_space<hbm>>
        %dma_wait3A_92 = tpu.memref_squeeze %dma_wait3A_91 : memref<1x16x128xf32, #tpu.memory_space<hbm>> -> memref<16x128xf32, #tpu.memory_space<hbm>>
        %dma_wait3A_93 = arith.constant 9984 : i32
        %dma_wait3A_94 = arith.constant 0 : i32
        %dma_wait3A_95 = tpu.memref_slice %arg5[%dma_wait3A_93, %dma_wait3A_94] : memref<10000x128xf32, #tpu.memory_space<vmem_shared>> -> memref<16x128xf32, #tpu.memory_space<vmem_shared>>
        tpu.wait_dma2 semaphore(%run_scoped3A : memref<!tpu.dma_semaphore, #tpu.memory_space<semaphore_mem>>) src(%dma_wait3A_95 : memref<16x128xf32, #tpu.memory_space<vmem_shared>>) dst(%dma_wait3A_92 : memref<16x128xf32, #tpu.memory_space<hbm>>)
        tpu.yield
      }) : () -> ()
    } else {
    }
    return
  }
}

#map = affine_map<(d0, d1) -> (0, 0)>
#map1 = affine_map<(d0, d1) -> (0)>
#map2 = affine_map<(d0, d1) -> (0, 0, 0)>
module attributes {stable_mosaic.version = 14 : i64} {
  func.func @_sc_aggregate_body(%arg0: i32, %arg1: i32, %arg2: memref<10000x128xf32, #tpu.memory_space<hbm>>, %arg3: memref<640000xi32, #tpu.memory_space<hbm>>, %arg4: memref<2x10000x128xf32, #tpu.memory_space<hbm>>, %arg5: memref<10000x128xf32, #tpu.memory_space<vmem_shared>>, %arg6: memref<128x128xf32, #tpu.memory_space<vmem>>, %arg7: memref<128x128xf32, #tpu.memory_space<vmem>>, %arg8: memref<104x128xf32, #tpu.memory_space<vmem>>, %arg9: memref<128xi32, #tpu.memory_space<vmem>>, %arg10: memref<128xi32, #tpu.memory_space<vmem>>, %arg11: memref<128xi32, #tpu.memory_space<vmem>>, %arg12: memref<128xi32, #tpu.memory_space<vmem>>, %arg13: memref<16xi32, #tpu.memory_space<vmem>>, %arg14: memref<16xi32, #tpu.memory_space<vmem>>, %arg15: memref<!tpu.dma_semaphore, #tpu.memory_space<semaphore_mem>>, %arg16: memref<!tpu.dma_semaphore, #tpu.memory_space<semaphore_mem>>, %arg17: memref<!tpu.dma_semaphore, #tpu.memory_space<semaphore_mem>>, %arg18: memref<!tpu.dma_semaphore, #tpu.memory_space<semaphore_mem>>, %arg19: memref<!tpu.dma_semaphore, #tpu.memory_space<semaphore_mem>>, %arg20: memref<!tpu.dma_semaphore, #tpu.memory_space<semaphore_mem>>) attributes {dimension_semantics = [#tpu.dimension_semantics<core_parallel>, #tpu.dimension_semantics<subcore_parallel>], iteration_bounds = array<i64: 2, 16>, scalar_prefetch = 0 : i64, scratch_operands = 16 : i64, tpu.core_type = #tpu.core_type<sc_vector_subcore>, window_params = [{transform_indices = #map}, {transform_indices = #map1}, {transform_indices = #map2}]} {
    %mul3A = arith.constant 16 : i32
    %mul3A_0 = arith.muli %arg0, %mul3A : i32
    %add3A = arith.addi %mul3A_0, %arg1 : i32
    %mul3A_1 = arith.constant 10000 : i32
    %mul3A_2 = arith.muli %add3A, %mul3A_1 : i32
    %add3A_3 = arith.constant 320000 : i32
    %add3A_4 = arith.addi %add3A_3, %mul3A_2 : i32
    %scan3A = arith.constant 0 : i32
    %scan3A_5 = arith.constant 0 : i32
    %scan3A_6 = arith.constant 104 : i32
    %scan3A_7 = arith.addi %scan3A_5, %scan3A_6 : i32
    %scan3A_8 = arith.constant 1 : i32
    %scan3A_9 = scf.for %scan3A_82 = %scan3A_5 to %scan3A_7 step %scan3A_8 iter_args(%scan3A_83 = %scan3A) -> (i32)  : i32 {
      %broadcast_in_dim3A = arith.constant 0.000000e+00 : f32
      %broadcast_in_dim3A_84 = vector.broadcast %broadcast_in_dim3A : f32 to vector<16xf32>
      %swap3A = arith.index_cast %scan3A_82 : i32 to index
      %swap3A_85 = arith.constant 0 : index
      %swap3A_86 = tpu.vector_load %arg8[%swap3A, %swap3A_85] {strides = array<i32>} : memref<104x128xf32, #tpu.memory_space<vmem>>, vector<1x16xf32>,
      %swap3A_87 = vector.shape_cast %swap3A_86 : vector<1x16xf32> to vector<16xf32>
      %swap3A_88 = vector.shape_cast %broadcast_in_dim3A_84 : vector<16xf32> to vector<1x16xf32>
      tpu.vector_store %arg8[%swap3A, %swap3A_85], %swap3A_88 {strides = array<i32>} : memref<104x128xf32, #tpu.memory_space<vmem>>, vector<1x16xf32>,
      %broadcast_in_dim3A_89 = arith.constant 0.000000e+00 : f32
      %broadcast_in_dim3A_90 = vector.broadcast %broadcast_in_dim3A_89 : f32 to vector<16xf32>
      %swap3A_91 = arith.index_cast %scan3A_82 : i32 to index
      %swap3A_92 = arith.constant 16 : index
      %swap3A_93 = tpu.vector_load %arg8[%swap3A_91, %swap3A_92] {strides = array<i32>} : memref<104x128xf32, #tpu.memory_space<vmem>>, vector<1x16xf32>,
      %swap3A_94 = vector.shape_cast %swap3A_93 : vector<1x16xf32> to vector<16xf32>
      %swap3A_95 = vector.shape_cast %broadcast_in_dim3A_90 : vector<16xf32> to vector<1x16xf32>
      tpu.vector_store %arg8[%swap3A_91, %swap3A_92], %swap3A_95 {strides = array<i32>} : memref<104x128xf32, #tpu.memory_space<vmem>>, vector<1x16xf32>,
      %broadcast_in_dim3A_96 = arith.constant 0.000000e+00 : f32
      %broadcast_in_dim3A_97 = vector.broadcast %broadcast_in_dim3A_96 : f32 to vector<16xf32>
      %swap3A_98 = arith.index_cast %scan3A_82 : i32 to index
      %swap3A_99 = arith.constant 32 : index
      %swap3A_100 = tpu.vector_load %arg8[%swap3A_98, %swap3A_99] {strides = array<i32>} : memref<104x128xf32, #tpu.memory_space<vmem>>, vector<1x16xf32>,
      %swap3A_101 = vector.shape_cast %swap3A_100 : vector<1x16xf32> to vector<16xf32>
      %swap3A_102 = vector.shape_cast %broadcast_in_dim3A_97 : vector<16xf32> to vector<1x16xf32>
      tpu.vector_store %arg8[%swap3A_98, %swap3A_99], %swap3A_102 {strides = array<i32>} : memref<104x128xf32, #tpu.memory_space<vmem>>, vector<1x16xf32>,
      %broadcast_in_dim3A_103 = arith.constant 0.000000e+00 : f32
      %broadcast_in_dim3A_104 = vector.broadcast %broadcast_in_dim3A_103 : f32 to vector<16xf32>
      %swap3A_105 = arith.index_cast %scan3A_82 : i32 to index
      %swap3A_106 = arith.constant 48 : index
      %swap3A_107 = tpu.vector_load %arg8[%swap3A_105, %swap3A_106] {strides = array<i32>} : memref<104x128xf32, #tpu.memory_space<vmem>>, vector<1x16xf32>,
      %swap3A_108 = vector.shape_cast %swap3A_107 : vector<1x16xf32> to vector<16xf32>
      %swap3A_109 = vector.shape_cast %broadcast_in_dim3A_104 : vector<16xf32> to vector<1x16xf32>
      tpu.vector_store %arg8[%swap3A_105, %swap3A_106], %swap3A_109 {strides = array<i32>} : memref<104x128xf32, #tpu.memory_space<vmem>>, vector<1x16xf32>,
      %broadcast_in_dim3A_110 = arith.constant 0.000000e+00 : f32
      %broadcast_in_dim3A_111 = vector.broadcast %broadcast_in_dim3A_110 : f32 to vector<16xf32>
      %swap3A_112 = arith.index_cast %scan3A_82 : i32 to index
      %swap3A_113 = arith.constant 64 : index
      %swap3A_114 = tpu.vector_load %arg8[%swap3A_112, %swap3A_113] {strides = array<i32>} : memref<104x128xf32, #tpu.memory_space<vmem>>, vector<1x16xf32>,
      %swap3A_115 = vector.shape_cast %swap3A_114 : vector<1x16xf32> to vector<16xf32>
      %swap3A_116 = vector.shape_cast %broadcast_in_dim3A_111 : vector<16xf32> to vector<1x16xf32>
      tpu.vector_store %arg8[%swap3A_112, %swap3A_113], %swap3A_116 {strides = array<i32>} : memref<104x128xf32, #tpu.memory_space<vmem>>, vector<1x16xf32>,
      %broadcast_in_dim3A_117 = arith.constant 0.000000e+00 : f32
      %broadcast_in_dim3A_118 = vector.broadcast %broadcast_in_dim3A_117 : f32 to vector<16xf32>
      %swap3A_119 = arith.index_cast %scan3A_82 : i32 to index
      %swap3A_120 = arith.constant 80 : index
      %swap3A_121 = tpu.vector_load %arg8[%swap3A_119, %swap3A_120] {strides = array<i32>} : memref<104x128xf32, #tpu.memory_space<vmem>>, vector<1x16xf32>,
      %swap3A_122 = vector.shape_cast %swap3A_121 : vector<1x16xf32> to vector<16xf32>
      %swap3A_123 = vector.shape_cast %broadcast_in_dim3A_118 : vector<16xf32> to vector<1x16xf32>
      tpu.vector_store %arg8[%swap3A_119, %swap3A_120], %swap3A_123 {strides = array<i32>} : memref<104x128xf32, #tpu.memory_space<vmem>>, vector<1x16xf32>,
      %broadcast_in_dim3A_124 = arith.constant 0.000000e+00 : f32
      %broadcast_in_dim3A_125 = vector.broadcast %broadcast_in_dim3A_124 : f32 to vector<16xf32>
      %swap3A_126 = arith.index_cast %scan3A_82 : i32 to index
      %swap3A_127 = arith.constant 96 : index
      %swap3A_128 = tpu.vector_load %arg8[%swap3A_126, %swap3A_127] {strides = array<i32>} : memref<104x128xf32, #tpu.memory_space<vmem>>, vector<1x16xf32>,
      %swap3A_129 = vector.shape_cast %swap3A_128 : vector<1x16xf32> to vector<16xf32>
      %swap3A_130 = vector.shape_cast %broadcast_in_dim3A_125 : vector<16xf32> to vector<1x16xf32>
      tpu.vector_store %arg8[%swap3A_126, %swap3A_127], %swap3A_130 {strides = array<i32>} : memref<104x128xf32, #tpu.memory_space<vmem>>, vector<1x16xf32>,
      %broadcast_in_dim3A_131 = arith.constant 0.000000e+00 : f32
      %broadcast_in_dim3A_132 = vector.broadcast %broadcast_in_dim3A_131 : f32 to vector<16xf32>
      %swap3A_133 = arith.index_cast %scan3A_82 : i32 to index
      %swap3A_134 = arith.constant 112 : index
      %swap3A_135 = tpu.vector_load %arg8[%swap3A_133, %swap3A_134] {strides = array<i32>} : memref<104x128xf32, #tpu.memory_space<vmem>>, vector<1x16xf32>,
      %swap3A_136 = vector.shape_cast %swap3A_135 : vector<1x16xf32> to vector<16xf32>
      %swap3A_137 = vector.shape_cast %broadcast_in_dim3A_132 : vector<16xf32> to vector<1x16xf32>
      tpu.vector_store %arg8[%swap3A_133, %swap3A_134], %swap3A_137 {strides = array<i32>} : memref<104x128xf32, #tpu.memory_space<vmem>>, vector<1x16xf32>,
      %scan3A_138 = arith.constant 0 : i32
      scf.yield %scan3A_138 : i32
    }
    %scan3A_10 = arith.constant 104 : i32
    %mul3A_11 = arith.constant 624 : i32
    %mul3A_12 = arith.muli %arg1, %mul3A_11 : i32
    %scan3A_13 = arith.constant 0 : i32
    %scan3A_14 = arith.constant 0 : i32
    %scan3A_15 = arith.constant 6 : i32
    %scan3A_16 = arith.addi %scan3A_14, %scan3A_15 : i32
    %scan3A_17 = arith.constant 1 : i32
    %scan3A_18 = scf.for %scan3A_82 = %scan3A_14 to %scan3A_16 step %scan3A_17 iter_args(%scan3A_83 = %scan3A_13) -> (i32)  : i32 {
      %mul3A_84 = arith.constant 104 : i32
      %mul3A_85 = arith.muli %scan3A_82, %mul3A_84 : i32
      %add3A_86 = arith.addi %mul3A_12, %mul3A_85 : i32
      "tpu.region"() ({
        %run_scoped3A = tpu.sem_alloc : memref<!tpu.dma_semaphore, #tpu.memory_space<semaphore_mem>>
        %dma_start3A_88 = arith.constant 0 : i32
        %dma_start3A_89 = tpu.memref_slice %arg5[%add3A_86, %dma_start3A_88] : memref<10000x128xf32, #tpu.memory_space<vmem_shared>> -> memref<104x128xf32, #tpu.memory_space<vmem_shared>>
        %dma_start3A_90 = arith.constant 0 : i32
        %dma_start3A_91 = tpu.memref_slice %arg5[%add3A_86, %dma_start3A_90] : memref<10000x128xf32, #tpu.memory_space<vmem_shared>> -> memref<104x128xf32, #tpu.memory_space<vmem_shared>>
        tpu.enqueue_dma source(%arg8 : memref<104x128xf32, #tpu.memory_space<vmem>>) target(%dma_start3A_91 : memref<104x128xf32, #tpu.memory_space<vmem_shared>>) target_semaphore(%run_scoped3A : memref<!tpu.dma_semaphore, #tpu.memory_space<semaphore_mem>>)
        %dma_wait3A_92 = arith.constant 0 : i32
        %dma_wait3A_93 = tpu.memref_slice %arg5[%add3A_86, %dma_wait3A_92] : memref<10000x128xf32, #tpu.memory_space<vmem_shared>> -> memref<104x128xf32, #tpu.memory_space<vmem_shared>>
        %dma_wait3A_94 = arith.constant 0 : i32
        %dma_wait3A_95 = tpu.memref_slice %arg5[%add3A_86, %dma_wait3A_94] : memref<10000x128xf32, #tpu.memory_space<vmem_shared>> -> memref<104x128xf32, #tpu.memory_space<vmem_shared>>
        tpu.wait_dma2 semaphore(%run_scoped3A : memref<!tpu.dma_semaphore, #tpu.memory_space<semaphore_mem>>) src(%arg8 : memref<104x128xf32, #tpu.memory_space<vmem>>) dst(%dma_wait3A_95 : memref<104x128xf32, #tpu.memory_space<vmem_shared>>)
        tpu.yield
      }) : () -> ()
      %scan3A_87 = arith.constant 0 : i32
      scf.yield %scan3A_87 : i32
    }
    %scan3A_19 = arith.constant 6 : i32
    %eq3A = arith.constant 15 : i32
    %eq3A_20 = arith.cmpi eq, %arg1, %eq3A : i32
    %convert_element_type3A = arith.extui %eq3A_20 : i1 to i32
    %cond3A = arith.constant 0 : i32
    %cond3A_21 = arith.cmpi ne, %convert_element_type3A, %cond3A : i32
    scf.if %cond3A_21 {
      "tpu.region"() ({
        %run_scoped3A = tpu.sem_alloc : memref<!tpu.dma_semaphore, #tpu.memory_space<semaphore_mem>>
        %dma_start3A_82 = arith.constant 0 : i32
        %dma_start3A_83 = arith.constant 0 : i32
        %dma_start3A_84 = tpu.memref_slice %arg8[%dma_start3A_82, %dma_start3A_83] : memref<104x128xf32, #tpu.memory_space<vmem>> -> memref<16x128xf32, #tpu.memory_space<vmem>>
        %dma_start3A_85 = arith.constant 9984 : i32
        %dma_start3A_86 = arith.constant 0 : i32
        %dma_start3A_87 = tpu.memref_slice %arg5[%dma_start3A_85, %dma_start3A_86] : memref<10000x128xf32, #tpu.memory_space<vmem_shared>> -> memref<16x128xf32, #tpu.memory_space<vmem_shared>>
        %dma_start3A_88 = arith.constant 9984 : i32
        %dma_start3A_89 = arith.constant 0 : i32
        %dma_start3A_90 = tpu.memref_slice %arg5[%dma_start3A_88, %dma_start3A_89] : memref<10000x128xf32, #tpu.memory_space<vmem_shared>> -> memref<16x128xf32, #tpu.memory_space<vmem_shared>>
        %dma_start3A_91 = arith.constant 0 : i32
        %dma_start3A_92 = arith.constant 0 : i32
        %dma_start3A_93 = tpu.memref_slice %arg8[%dma_start3A_91, %dma_start3A_92] : memref<104x128xf32, #tpu.memory_space<vmem>> -> memref<16x128xf32, #tpu.memory_space<vmem>>
        tpu.enqueue_dma source(%dma_start3A_93 : memref<16x128xf32, #tpu.memory_space<vmem>>) target(%dma_start3A_90 : memref<16x128xf32, #tpu.memory_space<vmem_shared>>) target_semaphore(%run_scoped3A : memref<!tpu.dma_semaphore, #tpu.memory_space<semaphore_mem>>)
        %dma_wait3A_94 = arith.constant 0 : i32
        %dma_wait3A_95 = arith.constant 0 : i32
        %dma_wait3A_96 = tpu.memref_slice %arg8[%dma_wait3A_94, %dma_wait3A_95] : memref<104x128xf32, #tpu.memory_space<vmem>> -> memref<16x128xf32, #tpu.memory_space<vmem>>
        %dma_wait3A_97 = arith.constant 9984 : i32
        %dma_wait3A_98 = arith.constant 0 : i32
        %dma_wait3A_99 = tpu.memref_slice %arg5[%dma_wait3A_97, %dma_wait3A_98] : memref<10000x128xf32, #tpu.memory_space<vmem_shared>> -> memref<16x128xf32, #tpu.memory_space<vmem_shared>>
        %dma_wait3A_100 = arith.constant 9984 : i32
        %dma_wait3A_101 = arith.constant 0 : i32
        %dma_wait3A_102 = tpu.memref_slice %arg5[%dma_wait3A_100, %dma_wait3A_101] : memref<10000x128xf32, #tpu.memory_space<vmem_shared>> -> memref<16x128xf32, #tpu.memory_space<vmem_shared>>
        %dma_wait3A_103 = arith.constant 0 : i32
        %dma_wait3A_104 = arith.constant 0 : i32
        %dma_wait3A_105 = tpu.memref_slice %arg8[%dma_wait3A_103, %dma_wait3A_104] : memref<104x128xf32, #tpu.memory_space<vmem>> -> memref<16x128xf32, #tpu.memory_space<vmem>>
        tpu.wait_dma2 semaphore(%run_scoped3A : memref<!tpu.dma_semaphore, #tpu.memory_space<semaphore_mem>>) src(%dma_wait3A_105 : memref<16x128xf32, #tpu.memory_space<vmem>>) dst(%dma_wait3A_102 : memref<16x128xf32, #tpu.memory_space<vmem_shared>>)
        tpu.yield
      }) : () -> ()
    } else {
    }
    %barrier3A = arith.constant 0 : index
    tpu.barrier barrier_id(%barrier3A)
    %add3A_22 = arith.constant 0 : i32
    %add3A_23 = arith.addi %mul3A_2, %add3A_22 : i32
    %dma_start3A = tpu.memref_slice %arg3[%add3A_23] : memref<640000xi32, #tpu.memory_space<hbm>> -> memref<128xi32, #tpu.memory_space<hbm>>
    %dma_start3A_24 = tpu.memref_slice %arg3[%add3A_23] : memref<640000xi32, #tpu.memory_space<hbm>> -> memref<128xi32, #tpu.memory_space<hbm>>
    tpu.enqueue_dma source(%dma_start3A_24 : memref<128xi32, #tpu.memory_space<hbm>>) target(%arg9 : memref<128xi32, #tpu.memory_space<vmem>>) target_semaphore(%arg17 : memref<!tpu.dma_semaphore, #tpu.memory_space<semaphore_mem>>)
    %add3A_25 = arith.constant 0 : i32
    %add3A_26 = arith.addi %add3A_4, %add3A_25 : i32
    %dma_start3A_27 = tpu.memref_slice %arg3[%add3A_26] : memref<640000xi32, #tpu.memory_space<hbm>> -> memref<128xi32, #tpu.memory_space<hbm>>
    %dma_start3A_28 = tpu.memref_slice %arg3[%add3A_26] : memref<640000xi32, #tpu.memory_space<hbm>> -> memref<128xi32, #tpu.memory_space<hbm>>
    tpu.enqueue_dma source(%dma_start3A_28 : memref<128xi32, #tpu.memory_space<hbm>>) target(%arg11 : memref<128xi32, #tpu.memory_space<vmem>>) target_semaphore(%arg17 : memref<!tpu.dma_semaphore, #tpu.memory_space<semaphore_mem>>)
    %add3A_29 = arith.constant 128 : i32
    %add3A_30 = arith.addi %mul3A_2, %add3A_29 : i32
    %dma_start3A_31 = tpu.memref_slice %arg3[%add3A_30] : memref<640000xi32, #tpu.memory_space<hbm>> -> memref<128xi32, #tpu.memory_space<hbm>>
    %dma_start3A_32 = tpu.memref_slice %arg3[%add3A_30] : memref<640000xi32, #tpu.memory_space<hbm>> -> memref<128xi32, #tpu.memory_space<hbm>>
    tpu.enqueue_dma source(%dma_start3A_32 : memref<128xi32, #tpu.memory_space<hbm>>) target(%arg10 : memref<128xi32, #tpu.memory_space<vmem>>) target_semaphore(%arg18 : memref<!tpu.dma_semaphore, #tpu.memory_space<semaphore_mem>>)
    %add3A_33 = arith.constant 128 : i32
    %add3A_34 = arith.addi %add3A_4, %add3A_33 : i32
    %dma_start3A_35 = tpu.memref_slice %arg3[%add3A_34] : memref<640000xi32, #tpu.memory_space<hbm>> -> memref<128xi32, #tpu.memory_space<hbm>>
    %dma_start3A_36 = tpu.memref_slice %arg3[%add3A_34] : memref<640000xi32, #tpu.memory_space<hbm>> -> memref<128xi32, #tpu.memory_space<hbm>>
    tpu.enqueue_dma source(%dma_start3A_36 : memref<128xi32, #tpu.memory_space<hbm>>) target(%arg12 : memref<128xi32, #tpu.memory_space<vmem>>) target_semaphore(%arg18 : memref<!tpu.dma_semaphore, #tpu.memory_space<semaphore_mem>>)
    %add3A_37 = arith.constant 0 : i32
    %add3A_38 = arith.addi %mul3A_2, %add3A_37 : i32
    %dma_wait3A = tpu.memref_slice %arg3[%add3A_38] : memref<640000xi32, #tpu.memory_space<hbm>> -> memref<128xi32, #tpu.memory_space<hbm>>
    %dma_wait3A_39 = tpu.memref_slice %arg3[%add3A_38] : memref<640000xi32, #tpu.memory_space<hbm>> -> memref<128xi32, #tpu.memory_space<hbm>>
    tpu.wait_dma2 semaphore(%arg17 : memref<!tpu.dma_semaphore, #tpu.memory_space<semaphore_mem>>) src(%dma_wait3A_39 : memref<128xi32, #tpu.memory_space<hbm>>) dst(%arg9 : memref<128xi32, #tpu.memory_space<vmem>>)
    %add3A_40 = arith.constant 0 : i32
    %add3A_41 = arith.addi %add3A_4, %add3A_40 : i32
    %dma_wait3A_42 = tpu.memref_slice %arg3[%add3A_41] : memref<640000xi32, #tpu.memory_space<hbm>> -> memref<128xi32, #tpu.memory_space<hbm>>
    %dma_wait3A_43 = tpu.memref_slice %arg3[%add3A_41] : memref<640000xi32, #tpu.memory_space<hbm>> -> memref<128xi32, #tpu.memory_space<hbm>>
    tpu.wait_dma2 semaphore(%arg17 : memref<!tpu.dma_semaphore, #tpu.memory_space<semaphore_mem>>) src(%dma_wait3A_43 : memref<128xi32, #tpu.memory_space<hbm>>) dst(%arg11 : memref<128xi32, #tpu.memory_space<vmem>>)
    %dma_start3A_44 = arith.constant 0 : i32
    %dma_start3A_45 = arith.constant 0 : i32
    %dma_start3A_46 = tpu.memref_slice %arg2[%dma_start3A_44, %dma_start3A_45] : memref<10000x128xf32, #tpu.memory_space<hbm>> -> memref<10000x128xf32, #tpu.memory_space<hbm>>
    tpu.enqueue_indirect_dma source(%dma_start3A_46 : memref<10000x128xf32, #tpu.memory_space<hbm>>) target(%arg6 : memref<128x128xf32, #tpu.memory_space<vmem>>) offsets(%arg9 : memref<128xi32, #tpu.memory_space<vmem>>) semaphore(%arg15 : memref<!tpu.dma_semaphore, #tpu.memory_space<semaphore_mem>>)
    %scan3A_47 = arith.constant 0 : i32
    %scan3A_48 = arith.constant 0 : i32
    %scan3A_49 = arith.constant 39 : i32
    %scan3A_50 = arith.addi %scan3A_48, %scan3A_49 : i32
    %scan3A_51 = arith.constant 1 : i32
    %scan3A_52 = scf.for %scan3A_82 = %scan3A_48 to %scan3A_50 step %scan3A_51 iter_args(%scan3A_83 = %scan3A_47) -> (i32)  : i32 {
      %mul3A_84 = arith.constant 2 : i32
      %mul3A_85 = arith.muli %mul3A_84, %scan3A_82 : i32
      %add3A_86 = arith.constant 1 : i32
      %add3A_87 = arith.addi %mul3A_85, %add3A_86 : i32
      %mul3A_88 = arith.constant 128 : i32
      %mul3A_89 = arith.muli %add3A_87, %mul3A_88 : i32
      %add3A_90 = arith.addi %mul3A_2, %mul3A_89 : i32
      %dma_wait3A_91 = tpu.memref_slice %arg3[%add3A_90] : memref<640000xi32, #tpu.memory_space<hbm>> -> memref<128xi32, #tpu.memory_space<hbm>>
      %dma_wait3A_92 = tpu.memref_slice %arg3[%add3A_90] : memref<640000xi32, #tpu.memory_space<hbm>> -> memref<128xi32, #tpu.memory_space<hbm>>
      tpu.wait_dma2 semaphore(%arg18 : memref<!tpu.dma_semaphore, #tpu.memory_space<semaphore_mem>>) src(%dma_wait3A_92 : memref<128xi32, #tpu.memory_space<hbm>>) dst(%arg10 : memref<128xi32, #tpu.memory_space<vmem>>)
      %mul3A_93 = arith.constant 128 : i32
      %mul3A_94 = arith.muli %add3A_87, %mul3A_93 : i32
      %add3A_95 = arith.addi %add3A_4, %mul3A_94 : i32
      %dma_wait3A_96 = tpu.memref_slice %arg3[%add3A_95] : memref<640000xi32, #tpu.memory_space<hbm>> -> memref<128xi32, #tpu.memory_space<hbm>>
      %dma_wait3A_97 = tpu.memref_slice %arg3[%add3A_95] : memref<640000xi32, #tpu.memory_space<hbm>> -> memref<128xi32, #tpu.memory_space<hbm>>
      tpu.wait_dma2 semaphore(%arg18 : memref<!tpu.dma_semaphore, #tpu.memory_space<semaphore_mem>>) src(%dma_wait3A_97 : memref<128xi32, #tpu.memory_space<hbm>>) dst(%arg12 : memref<128xi32, #tpu.memory_space<vmem>>)
      %dma_start3A_98 = arith.constant 0 : i32
      %dma_start3A_99 = arith.constant 0 : i32
      %dma_start3A_100 = tpu.memref_slice %arg2[%dma_start3A_98, %dma_start3A_99] : memref<10000x128xf32, #tpu.memory_space<hbm>> -> memref<10000x128xf32, #tpu.memory_space<hbm>>
      tpu.enqueue_indirect_dma source(%dma_start3A_100 : memref<10000x128xf32, #tpu.memory_space<hbm>>) target(%arg7 : memref<128x128xf32, #tpu.memory_space<vmem>>) offsets(%arg10 : memref<128xi32, #tpu.memory_space<vmem>>) semaphore(%arg16 : memref<!tpu.dma_semaphore, #tpu.memory_space<semaphore_mem>>)
      %dma_wait3A_101 = arith.constant 0 : i32
      %dma_wait3A_102 = arith.constant 0 : i32
      %dma_wait3A_103 = tpu.memref_slice %arg2[%dma_wait3A_101, %dma_wait3A_102] : memref<10000x128xf32, #tpu.memory_space<hbm>> -> memref<10000x128xf32, #tpu.memory_space<hbm>>
      tpu.wait_indirect_dma semaphore(%arg15 : memref<!tpu.dma_semaphore, #tpu.memory_space<semaphore_mem>>) src(%dma_wait3A_103 : memref<10000x128xf32, #tpu.memory_space<hbm>>) dst(%arg6 : memref<128x128xf32, #tpu.memory_space<vmem>>)
      %dma_start3A_104 = arith.constant 0 : i32
      %dma_start3A_105 = arith.constant 0 : i32
      %dma_start3A_106 = tpu.memref_slice %arg5[%dma_start3A_104, %dma_start3A_105] : memref<10000x128xf32, #tpu.memory_space<vmem_shared>> -> memref<10000x128xf32, #tpu.memory_space<vmem_shared>>
      tpu.enqueue_indirect_dma source(%arg6 : memref<128x128xf32, #tpu.memory_space<vmem>>) target(%dma_start3A_106 : memref<10000x128xf32, #tpu.memory_space<vmem_shared>>) offsets(%arg11 : memref<128xi32, #tpu.memory_space<vmem>>) semaphore(%arg19 : memref<!tpu.dma_semaphore, #tpu.memory_space<semaphore_mem>>) {add = true}
      %add3A_107 = arith.constant 1 : i32
      %add3A_108 = arith.addi %scan3A_82, %add3A_107 : i32
      %lt3A = arith.constant 39 : i32
      %lt3A_109 = arith.cmpi slt, %add3A_108, %lt3A : i32
      %convert_element_type3A_110 = arith.extui %lt3A_109 : i1 to i32
      %cond3A_111 = arith.constant 0 : i32
      %cond3A_112 = arith.cmpi ne, %convert_element_type3A_110, %cond3A_111 : i32
      scf.if %cond3A_112 {
        %dma_wait3A_127 = arith.constant 0 : i32
        %dma_wait3A_128 = arith.constant 0 : i32
        %dma_wait3A_129 = tpu.memref_slice %arg5[%dma_wait3A_127, %dma_wait3A_128] : memref<10000x128xf32, #tpu.memory_space<vmem_shared>> -> memref<10000x128xf32, #tpu.memory_space<vmem_shared>>
        tpu.wait_indirect_dma semaphore(%arg19 : memref<!tpu.dma_semaphore, #tpu.memory_space<semaphore_mem>>) src(%arg6 : memref<128x128xf32, #tpu.memory_space<vmem>>) dst(%dma_wait3A_129 : memref<10000x128xf32, #tpu.memory_space<vmem_shared>>)
        %add3A_130 = arith.constant 2 : i32
        %add3A_131 = arith.addi %mul3A_85, %add3A_130 : i32
        %mul3A_132 = arith.constant 128 : i32
        %mul3A_133 = arith.muli %add3A_131, %mul3A_132 : i32
        %add3A_134 = arith.addi %mul3A_2, %mul3A_133 : i32
        %dma_start3A_135 = tpu.memref_slice %arg3[%add3A_134] : memref<640000xi32, #tpu.memory_space<hbm>> -> memref<128xi32, #tpu.memory_space<hbm>>
        %dma_start3A_136 = tpu.memref_slice %arg3[%add3A_134] : memref<640000xi32, #tpu.memory_space<hbm>> -> memref<128xi32, #tpu.memory_space<hbm>>
        tpu.enqueue_dma source(%dma_start3A_136 : memref<128xi32, #tpu.memory_space<hbm>>) target(%arg9 : memref<128xi32, #tpu.memory_space<vmem>>) target_semaphore(%arg17 : memref<!tpu.dma_semaphore, #tpu.memory_space<semaphore_mem>>)
        %mul3A_137 = arith.constant 128 : i32
        %mul3A_138 = arith.muli %add3A_131, %mul3A_137 : i32
        %add3A_139 = arith.addi %add3A_4, %mul3A_138 : i32
        %dma_start3A_140 = tpu.memref_slice %arg3[%add3A_139] : memref<640000xi32, #tpu.memory_space<hbm>> -> memref<128xi32, #tpu.memory_space<hbm>>
        %dma_start3A_141 = tpu.memref_slice %arg3[%add3A_139] : memref<640000xi32, #tpu.memory_space<hbm>> -> memref<128xi32, #tpu.memory_space<hbm>>
        tpu.enqueue_dma source(%dma_start3A_141 : memref<128xi32, #tpu.memory_space<hbm>>) target(%arg11 : memref<128xi32, #tpu.memory_space<vmem>>) target_semaphore(%arg17 : memref<!tpu.dma_semaphore, #tpu.memory_space<semaphore_mem>>)
        %add3A_142 = arith.constant 2 : i32
        %add3A_143 = arith.addi %mul3A_85, %add3A_142 : i32
        %mul3A_144 = arith.constant 128 : i32
        %mul3A_145 = arith.muli %add3A_143, %mul3A_144 : i32
        %add3A_146 = arith.addi %mul3A_2, %mul3A_145 : i32
        %dma_wait3A_147 = tpu.memref_slice %arg3[%add3A_146] : memref<640000xi32, #tpu.memory_space<hbm>> -> memref<128xi32, #tpu.memory_space<hbm>>
        %dma_wait3A_148 = tpu.memref_slice %arg3[%add3A_146] : memref<640000xi32, #tpu.memory_space<hbm>> -> memref<128xi32, #tpu.memory_space<hbm>>
        tpu.wait_dma2 semaphore(%arg17 : memref<!tpu.dma_semaphore, #tpu.memory_space<semaphore_mem>>) src(%dma_wait3A_148 : memref<128xi32, #tpu.memory_space<hbm>>) dst(%arg9 : memref<128xi32, #tpu.memory_space<vmem>>)
        %mul3A_149 = arith.constant 128 : i32
        %mul3A_150 = arith.muli %add3A_143, %mul3A_149 : i32
        %add3A_151 = arith.addi %add3A_4, %mul3A_150 : i32
        %dma_wait3A_152 = tpu.memref_slice %arg3[%add3A_151] : memref<640000xi32, #tpu.memory_space<hbm>> -> memref<128xi32, #tpu.memory_space<hbm>>
        %dma_wait3A_153 = tpu.memref_slice %arg3[%add3A_151] : memref<640000xi32, #tpu.memory_space<hbm>> -> memref<128xi32, #tpu.memory_space<hbm>>
        tpu.wait_dma2 semaphore(%arg17 : memref<!tpu.dma_semaphore, #tpu.memory_space<semaphore_mem>>) src(%dma_wait3A_153 : memref<128xi32, #tpu.memory_space<hbm>>) dst(%arg11 : memref<128xi32, #tpu.memory_space<vmem>>)
        %dma_start3A_154 = arith.constant 0 : i32
        %dma_start3A_155 = arith.constant 0 : i32
        %dma_start3A_156 = tpu.memref_slice %arg2[%dma_start3A_154, %dma_start3A_155] : memref<10000x128xf32, #tpu.memory_space<hbm>> -> memref<10000x128xf32, #tpu.memory_space<hbm>>
        tpu.enqueue_indirect_dma source(%dma_start3A_156 : memref<10000x128xf32, #tpu.memory_space<hbm>>) target(%arg6 : memref<128x128xf32, #tpu.memory_space<vmem>>) offsets(%arg9 : memref<128xi32, #tpu.memory_space<vmem>>) semaphore(%arg15 : memref<!tpu.dma_semaphore, #tpu.memory_space<semaphore_mem>>)
      } else {
      }
      %dma_wait3A_113 = arith.constant 0 : i32
      %dma_wait3A_114 = arith.constant 0 : i32
      %dma_wait3A_115 = tpu.memref_slice %arg2[%dma_wait3A_113, %dma_wait3A_114] : memref<10000x128xf32, #tpu.memory_space<hbm>> -> memref<10000x128xf32, #tpu.memory_space<hbm>>
      tpu.wait_indirect_dma semaphore(%arg16 : memref<!tpu.dma_semaphore, #tpu.memory_space<semaphore_mem>>) src(%dma_wait3A_115 : memref<10000x128xf32, #tpu.memory_space<hbm>>) dst(%arg7 : memref<128x128xf32, #tpu.memory_space<vmem>>)
      %dma_start3A_116 = arith.constant 0 : i32
      %dma_start3A_117 = arith.constant 0 : i32
      %dma_start3A_118 = tpu.memref_slice %arg5[%dma_start3A_116, %dma_start3A_117] : memref<10000x128xf32, #tpu.memory_space<vmem_shared>> -> memref<10000x128xf32, #tpu.memory_space<vmem_shared>>
      tpu.enqueue_indirect_dma source(%arg7 : memref<128x128xf32, #tpu.memory_space<vmem>>) target(%dma_start3A_118 : memref<10000x128xf32, #tpu.memory_space<vmem_shared>>) offsets(%arg12 : memref<128xi32, #tpu.memory_space<vmem>>) semaphore(%arg20 : memref<!tpu.dma_semaphore, #tpu.memory_space<semaphore_mem>>) {add = true}
      %add3A_119 = arith.constant 1 : i32
      %add3A_120 = arith.addi %scan3A_82, %add3A_119 : i32
      %lt3A_121 = arith.constant 39 : i32
      %lt3A_122 = arith.cmpi slt, %add3A_120, %lt3A_121 : i32
      %convert_element_type3A_123 = arith.extui %lt3A_122 : i1 to i32
      %cond3A_124 = arith.constant 0 : i32
      %cond3A_125 = arith.cmpi ne, %convert_element_type3A_123, %cond3A_124 : i32
      scf.if %cond3A_125 {
        %dma_wait3A_127 = arith.constant 0 : i32
        %dma_wait3A_128 = arith.constant 0 : i32
        %dma_wait3A_129 = tpu.memref_slice %arg5[%dma_wait3A_127, %dma_wait3A_128] : memref<10000x128xf32, #tpu.memory_space<vmem_shared>> -> memref<10000x128xf32, #tpu.memory_space<vmem_shared>>
        tpu.wait_indirect_dma semaphore(%arg20 : memref<!tpu.dma_semaphore, #tpu.memory_space<semaphore_mem>>) src(%arg7 : memref<128x128xf32, #tpu.memory_space<vmem>>) dst(%dma_wait3A_129 : memref<10000x128xf32, #tpu.memory_space<vmem_shared>>)
        %add3A_130 = arith.constant 3 : i32
        %add3A_131 = arith.addi %mul3A_85, %add3A_130 : i32
        %mul3A_132 = arith.constant 128 : i32
        %mul3A_133 = arith.muli %add3A_131, %mul3A_132 : i32
        %add3A_134 = arith.addi %mul3A_2, %mul3A_133 : i32
        %dma_start3A_135 = tpu.memref_slice %arg3[%add3A_134] : memref<640000xi32, #tpu.memory_space<hbm>> -> memref<128xi32, #tpu.memory_space<hbm>>
        %dma_start3A_136 = tpu.memref_slice %arg3[%add3A_134] : memref<640000xi32, #tpu.memory_space<hbm>> -> memref<128xi32, #tpu.memory_space<hbm>>
        tpu.enqueue_dma source(%dma_start3A_136 : memref<128xi32, #tpu.memory_space<hbm>>) target(%arg10 : memref<128xi32, #tpu.memory_space<vmem>>) target_semaphore(%arg18 : memref<!tpu.dma_semaphore, #tpu.memory_space<semaphore_mem>>)
        %mul3A_137 = arith.constant 128 : i32
        %mul3A_138 = arith.muli %add3A_131, %mul3A_137 : i32
        %add3A_139 = arith.addi %add3A_4, %mul3A_138 : i32
        %dma_start3A_140 = tpu.memref_slice %arg3[%add3A_139] : memref<640000xi32, #tpu.memory_space<hbm>> -> memref<128xi32, #tpu.memory_space<hbm>>
        %dma_start3A_141 = tpu.memref_slice %arg3[%add3A_139] : memref<640000xi32, #tpu.memory_space<hbm>> -> memref<128xi32, #tpu.memory_space<hbm>>
        tpu.enqueue_dma source(%dma_start3A_141 : memref<128xi32, #tpu.memory_space<hbm>>) target(%arg12 : memref<128xi32, #tpu.memory_space<vmem>>) target_semaphore(%arg18 : memref<!tpu.dma_semaphore, #tpu.memory_space<semaphore_mem>>)
      } else {
      }
      %scan3A_126 = arith.constant 0 : i32
      scf.yield %scan3A_126 : i32
    }
    %scan3A_53 = arith.constant 39 : i32
    %dma_wait3A_54 = arith.constant 0 : i32
    %dma_wait3A_55 = arith.constant 0 : i32
    %dma_wait3A_56 = tpu.memref_slice %arg5[%dma_wait3A_54, %dma_wait3A_55] : memref<10000x128xf32, #tpu.memory_space<vmem_shared>> -> memref<10000x128xf32, #tpu.memory_space<vmem_shared>>
    tpu.wait_indirect_dma semaphore(%arg19 : memref<!tpu.dma_semaphore, #tpu.memory_space<semaphore_mem>>) src(%arg6 : memref<128x128xf32, #tpu.memory_space<vmem>>) dst(%dma_wait3A_56 : memref<10000x128xf32, #tpu.memory_space<vmem_shared>>)
    %dma_wait3A_57 = arith.constant 0 : i32
    %dma_wait3A_58 = arith.constant 0 : i32
    %dma_wait3A_59 = tpu.memref_slice %arg5[%dma_wait3A_57, %dma_wait3A_58] : memref<10000x128xf32, #tpu.memory_space<vmem_shared>> -> memref<10000x128xf32, #tpu.memory_space<vmem_shared>>
    tpu.wait_indirect_dma semaphore(%arg20 : memref<!tpu.dma_semaphore, #tpu.memory_space<semaphore_mem>>) src(%arg7 : memref<128x128xf32, #tpu.memory_space<vmem>>) dst(%dma_wait3A_59 : memref<10000x128xf32, #tpu.memory_space<vmem_shared>>)
    %add3A_60 = arith.constant 9984 : i32
    %add3A_61 = arith.addi %mul3A_2, %add3A_60 : i32
    "tpu.region"() ({
      %run_scoped3A = tpu.sem_alloc : memref<!tpu.dma_semaphore, #tpu.memory_space<semaphore_mem>>
      %dma_start3A_82 = tpu.memref_slice %arg3[%add3A_61] : memref<640000xi32, #tpu.memory_space<hbm>> -> memref<16xi32, #tpu.memory_space<hbm>>
      %dma_start3A_83 = tpu.memref_slice %arg3[%add3A_61] : memref<640000xi32, #tpu.memory_space<hbm>> -> memref<16xi32, #tpu.memory_space<hbm>>
      tpu.enqueue_dma source(%dma_start3A_83 : memref<16xi32, #tpu.memory_space<hbm>>) target(%arg13 : memref<16xi32, #tpu.memory_space<vmem>>) target_semaphore(%run_scoped3A : memref<!tpu.dma_semaphore, #tpu.memory_space<semaphore_mem>>)
      %dma_wait3A_84 = tpu.memref_slice %arg3[%add3A_61] : memref<640000xi32, #tpu.memory_space<hbm>> -> memref<16xi32, #tpu.memory_space<hbm>>
      %dma_wait3A_85 = tpu.memref_slice %arg3[%add3A_61] : memref<640000xi32, #tpu.memory_space<hbm>> -> memref<16xi32, #tpu.memory_space<hbm>>
      tpu.wait_dma2 semaphore(%run_scoped3A : memref<!tpu.dma_semaphore, #tpu.memory_space<semaphore_mem>>) src(%dma_wait3A_85 : memref<16xi32, #tpu.memory_space<hbm>>) dst(%arg13 : memref<16xi32, #tpu.memory_space<vmem>>)
      tpu.yield
    }) : () -> ()
    %add3A_62 = arith.constant 9984 : i32
    %add3A_63 = arith.addi %add3A_4, %add3A_62 : i32
    "tpu.region"() ({
      %run_scoped3A = tpu.sem_alloc : memref<!tpu.dma_semaphore, #tpu.memory_space<semaphore_mem>>
      %dma_start3A_82 = tpu.memref_slice %arg3[%add3A_63] : memref<640000xi32, #tpu.memory_space<hbm>> -> memref<16xi32, #tpu.memory_space<hbm>>
      %dma_start3A_83 = tpu.memref_slice %arg3[%add3A_63] : memref<640000xi32, #tpu.memory_space<hbm>> -> memref<16xi32, #tpu.memory_space<hbm>>
      tpu.enqueue_dma source(%dma_start3A_83 : memref<16xi32, #tpu.memory_space<hbm>>) target(%arg14 : memref<16xi32, #tpu.memory_space<vmem>>) target_semaphore(%run_scoped3A : memref<!tpu.dma_semaphore, #tpu.memory_space<semaphore_mem>>)
      %dma_wait3A_84 = tpu.memref_slice %arg3[%add3A_63] : memref<640000xi32, #tpu.memory_space<hbm>> -> memref<16xi32, #tpu.memory_space<hbm>>
      %dma_wait3A_85 = tpu.memref_slice %arg3[%add3A_63] : memref<640000xi32, #tpu.memory_space<hbm>> -> memref<16xi32, #tpu.memory_space<hbm>>
      tpu.wait_dma2 semaphore(%run_scoped3A : memref<!tpu.dma_semaphore, #tpu.memory_space<semaphore_mem>>) src(%dma_wait3A_85 : memref<16xi32, #tpu.memory_space<hbm>>) dst(%arg14 : memref<16xi32, #tpu.memory_space<vmem>>)
      tpu.yield
    }) : () -> ()
    %dma_start3A_64 = arith.constant 0 : i32
    %dma_start3A_65 = arith.constant 0 : i32
    %dma_start3A_66 = tpu.memref_slice %arg6[%dma_start3A_64, %dma_start3A_65] : memref<128x128xf32, #tpu.memory_space<vmem>> -> memref<16x128xf32, #tpu.memory_space<vmem>>
    %dma_start3A_67 = arith.constant 0 : i32
    %dma_start3A_68 = arith.constant 0 : i32
    %dma_start3A_69 = tpu.memref_slice %arg2[%dma_start3A_67, %dma_start3A_68] : memref<10000x128xf32, #tpu.memory_space<hbm>> -> memref<10000x128xf32, #tpu.memory_space<hbm>>
    tpu.enqueue_indirect_dma source(%dma_start3A_69 : memref<10000x128xf32, #tpu.memory_space<hbm>>) target(%dma_start3A_66 : memref<16x128xf32, #tpu.memory_space<vmem>>) offsets(%arg13 : memref<16xi32, #tpu.memory_space<vmem>>) semaphore(%arg15 : memref<!tpu.dma_semaphore, #tpu.memory_space<semaphore_mem>>)
    %dma_wait3A_70 = arith.constant 0 : i32
    %dma_wait3A_71 = arith.constant 0 : i32
    %dma_wait3A_72 = tpu.memref_slice %arg6[%dma_wait3A_70, %dma_wait3A_71] : memref<128x128xf32, #tpu.memory_space<vmem>> -> memref<16x128xf32, #tpu.memory_space<vmem>>
    %dma_wait3A_73 = arith.constant 0 : i32
    %dma_wait3A_74 = arith.constant 0 : i32
    %dma_wait3A_75 = tpu.memref_slice %arg2[%dma_wait3A_73, %dma_wait3A_74] : memref<10000x128xf32, #tpu.memory_space<hbm>> -> memref<10000x128xf32, #tpu.memory_space<hbm>>
    tpu.wait_indirect_dma semaphore(%arg15 : memref<!tpu.dma_semaphore, #tpu.memory_space<semaphore_mem>>) src(%dma_wait3A_75 : memref<10000x128xf32, #tpu.memory_space<hbm>>) dst(%dma_wait3A_72 : memref<16x128xf32, #tpu.memory_space<vmem>>)
    "tpu.region"() ({
      %run_scoped3A = tpu.sem_alloc : memref<!tpu.dma_semaphore, #tpu.memory_space<semaphore_mem>>
      %dma_start3A_82 = arith.constant 0 : i32
      %dma_start3A_83 = arith.constant 0 : i32
      %dma_start3A_84 = tpu.memref_slice %arg6[%dma_start3A_82, %dma_start3A_83] : memref<128x128xf32, #tpu.memory_space<vmem>> -> memref<16x128xf32, #tpu.memory_space<vmem>>
      %dma_start3A_85 = arith.constant 0 : i32
      %dma_start3A_86 = arith.constant 0 : i32
      %dma_start3A_87 = tpu.memref_slice %arg5[%dma_start3A_85, %dma_start3A_86] : memref<10000x128xf32, #tpu.memory_space<vmem_shared>> -> memref<10000x128xf32, #tpu.memory_space<vmem_shared>>
      tpu.enqueue_indirect_dma source(%dma_start3A_84 : memref<16x128xf32, #tpu.memory_space<vmem>>) target(%dma_start3A_87 : memref<10000x128xf32, #tpu.memory_space<vmem_shared>>) offsets(%arg14 : memref<16xi32, #tpu.memory_space<vmem>>) semaphore(%run_scoped3A : memref<!tpu.dma_semaphore, #tpu.memory_space<semaphore_mem>>) {add = true}
      %dma_wait3A_88 = arith.constant 0 : i32
      %dma_wait3A_89 = arith.constant 0 : i32
      %dma_wait3A_90 = tpu.memref_slice %arg6[%dma_wait3A_88, %dma_wait3A_89] : memref<128x128xf32, #tpu.memory_space<vmem>> -> memref<16x128xf32, #tpu.memory_space<vmem>>
      %dma_wait3A_91 = arith.constant 0 : i32
      %dma_wait3A_92 = arith.constant 0 : i32
      %dma_wait3A_93 = tpu.memref_slice %arg5[%dma_wait3A_91, %dma_wait3A_92] : memref<10000x128xf32, #tpu.memory_space<vmem_shared>> -> memref<10000x128xf32, #tpu.memory_space<vmem_shared>>
      tpu.wait_indirect_dma semaphore(%run_scoped3A : memref<!tpu.dma_semaphore, #tpu.memory_space<semaphore_mem>>) src(%dma_wait3A_90 : memref<16x128xf32, #tpu.memory_space<vmem>>) dst(%dma_wait3A_93 : memref<10000x128xf32, #tpu.memory_space<vmem_shared>>)
      tpu.yield
    }) : () -> ()
    %barrier3A_76 = arith.constant 0 : index
    tpu.barrier barrier_id(%barrier3A_76)
    "tpu.region"() ({
      %run_scoped3A = tpu.sem_alloc : memref<!tpu.dma_semaphore, #tpu.memory_space<semaphore_mem>>
      %dma_start3A_82 = arith.constant 0 : i32
      %dma_start3A_83 = tpu.memref_slice %arg4[%arg0, %mul3A_12, %dma_start3A_82] : memref<2x10000x128xf32, #tpu.memory_space<hbm>> -> memref<1x624x128xf32, #tpu.memory_space<hbm>>
      %dma_start3A_84 = tpu.memref_squeeze %dma_start3A_83 : memref<1x624x128xf32, #tpu.memory_space<hbm>> -> memref<624x128xf32, #tpu.memory_space<hbm>>
      %dma_start3A_85 = arith.constant 0 : i32
      %dma_start3A_86 = tpu.memref_slice %arg5[%mul3A_12, %dma_start3A_85] : memref<10000x128xf32, #tpu.memory_space<vmem_shared>> -> memref<624x128xf32, #tpu.memory_space<vmem_shared>>
      tpu.enqueue_dma source(%dma_start3A_86 : memref<624x128xf32, #tpu.memory_space<vmem_shared>>) target(%dma_start3A_84 : memref<624x128xf32, #tpu.memory_space<hbm>>) target_semaphore(%run_scoped3A : memref<!tpu.dma_semaphore, #tpu.memory_space<semaphore_mem>>)
      %dma_wait3A_87 = arith.constant 0 : i32
      %dma_wait3A_88 = tpu.memref_slice %arg4[%arg0, %mul3A_12, %dma_wait3A_87] : memref<2x10000x128xf32, #tpu.memory_space<hbm>> -> memref<1x624x128xf32, #tpu.memory_space<hbm>>
      %dma_wait3A_89 = tpu.memref_squeeze %dma_wait3A_88 : memref<1x624x128xf32, #tpu.memory_space<hbm>> -> memref<624x128xf32, #tpu.memory_space<hbm>>
      %dma_wait3A_90 = arith.constant 0 : i32
      %dma_wait3A_91 = tpu.memref_slice %arg5[%mul3A_12, %dma_wait3A_90] : memref<10000x128xf32, #tpu.memory_space<vmem_shared>> -> memref<624x128xf32, #tpu.memory_space<vmem_shared>>
      tpu.wait_dma2 semaphore(%run_scoped3A : memref<!tpu.dma_semaphore, #tpu.memory_space<semaphore_mem>>) src(%dma_wait3A_91 : memref<624x128xf32, #tpu.memory_space<vmem_shared>>) dst(%dma_wait3A_89 : memref<624x128xf32, #tpu.memory_space<hbm>>)
      tpu.yield
    }) : () -> ()
    %eq3A_77 = arith.constant 15 : i32
    %eq3A_78 = arith.cmpi eq, %arg1, %eq3A_77 : i32
    %convert_element_type3A_79 = arith.extui %eq3A_78 : i1 to i32
    %cond3A_80 = arith.constant 0 : i32
    %cond3A_81 = arith.cmpi ne, %convert_element_type3A_79, %cond3A_80 : i32
    scf.if %cond3A_81 {
      "tpu.region"() ({
        %run_scoped3A = tpu.sem_alloc : memref<!tpu.dma_semaphore, #tpu.memory_space<semaphore_mem>>
        %dma_start3A_82 = arith.constant 9984 : i32
        %dma_start3A_83 = arith.constant 0 : i32
        %dma_start3A_84 = tpu.memref_slice %arg4[%arg0, %dma_start3A_82, %dma_start3A_83] : memref<2x10000x128xf32, #tpu.memory_space<hbm>> -> memref<1x16x128xf32, #tpu.memory_space<hbm>>
        %dma_start3A_85 = tpu.memref_squeeze %dma_start3A_84 : memref<1x16x128xf32, #tpu.memory_space<hbm>> -> memref<16x128xf32, #tpu.memory_space<hbm>>
        %dma_start3A_86 = arith.constant 9984 : i32
        %dma_start3A_87 = arith.constant 0 : i32
        %dma_start3A_88 = tpu.memref_slice %arg5[%dma_start3A_86, %dma_start3A_87] : memref<10000x128xf32, #tpu.memory_space<vmem_shared>> -> memref<16x128xf32, #tpu.memory_space<vmem_shared>>
        tpu.enqueue_dma source(%dma_start3A_88 : memref<16x128xf32, #tpu.memory_space<vmem_shared>>) target(%dma_start3A_85 : memref<16x128xf32, #tpu.memory_space<hbm>>) target_semaphore(%run_scoped3A : memref<!tpu.dma_semaphore, #tpu.memory_space<semaphore_mem>>)
        %dma_wait3A_89 = arith.constant 9984 : i32
        %dma_wait3A_90 = arith.constant 0 : i32
        %dma_wait3A_91 = tpu.memref_slice %arg4[%arg0, %dma_wait3A_89, %dma_wait3A_90] : memref<2x10000x128xf32, #tpu.memory_space<hbm>> -> memref<1x16x128xf32, #tpu.memory_space<hbm>>
        %dma_wait3A_92 = tpu.memref_squeeze %dma_wait3A_91 : memref<1x16x128xf32, #tpu.memory_space<hbm>> -> memref<16x128xf32, #tpu.memory_space<hbm>>
        %dma_wait3A_93 = arith.constant 9984 : i32
        %dma_wait3A_94 = arith.constant 0 : i32
        %dma_wait3A_95 = tpu.memref_slice %arg5[%dma_wait3A_93, %dma_wait3A_94] : memref<10000x128xf32, #tpu.memory_space<vmem_shared>> -> memref<16x128xf32, #tpu.memory_space<vmem_shared>>
        tpu.wait_dma2 semaphore(%run_scoped3A : memref<!tpu.dma_semaphore, #tpu.memory_space<semaphore_mem>>) src(%dma_wait3A_95 : memref<16x128xf32, #tpu.memory_space<vmem_shared>>) dst(%dma_wait3A_92 : memref<16x128xf32, #tpu.memory_space<hbm>>)
        tpu.yield
      }) : () -> ()
    } else {
    }
    return
  }
}

#map = affine_map<(d0, d1) -> (0)>
#map1 = affine_map<(d0, d1) -> (0, 0)>
module attributes {stable_mosaic.version = 14 : i64} {
  func.func @_sc_degree_body(%arg0: i32, %arg1: i32, %arg2: memref<640000xi32, #tpu.memory_space<hbm>>, %arg3: memref<2x10240xf32, #tpu.memory_space<hbm>>, %arg4: memref<10240xf32, #tpu.memory_space<vmem_shared>>, %arg5: memref<640xf32, #tpu.memory_space<vmem>>, %arg6: memref<128xf32, #tpu.memory_space<vmem>>, %arg7: memref<2x128xi32, #tpu.memory_space<vmem>>, %arg8: memref<16xi32, #tpu.memory_space<vmem>>, %arg9: memref<!tpu.dma_semaphore, #tpu.memory_space<semaphore_mem>>, %arg10: memref<!tpu.dma_semaphore, #tpu.memory_space<semaphore_mem>>, %arg11: memref<!tpu.dma_semaphore, #tpu.memory_space<semaphore_mem>>, %arg12: memref<!tpu.dma_semaphore, #tpu.memory_space<semaphore_mem>>) attributes {dimension_semantics = [#tpu.dimension_semantics<core_parallel>, #tpu.dimension_semantics<subcore_parallel>], iteration_bounds = array<i64: 2, 16>, scalar_prefetch = 0 : i64, scratch_operands = 9 : i64, tpu.core_type = #tpu.core_type<sc_vector_subcore>, window_params = [{transform_indices = #map}, {transform_indices = #map1}]} {
    %mul3A = arith.constant 16 : i32
    %mul3A_0 = arith.muli %arg0, %mul3A : i32
    %add3A = arith.addi %mul3A_0, %arg1 : i32
    %mul3A_1 = arith.constant 10000 : i32
    %mul3A_2 = arith.muli %add3A, %mul3A_1 : i32
    %add3A_3 = arith.constant 320000 : i32
    %add3A_4 = arith.addi %add3A_3, %mul3A_2 : i32
    %scan3A = arith.constant 0 : i32
    %scan3A_5 = arith.constant 0 : i32
    %scan3A_6 = arith.constant 5 : i32
    %scan3A_7 = arith.addi %scan3A_5, %scan3A_6 : i32
    %scan3A_8 = arith.constant 1 : i32
    %scan3A_9 = scf.for %scan3A_107 = %scan3A_5 to %scan3A_7 step %scan3A_8 iter_args(%scan3A_108 = %scan3A) -> (i32)  : i32 {
      %broadcast_in_dim3A_109 = arith.constant 0.000000e+00 : f32
      %broadcast_in_dim3A_110 = vector.broadcast %broadcast_in_dim3A_109 : f32 to vector<16xf32>
      %mul3A_111 = arith.constant 128 : i32
      %mul3A_112 = arith.muli %scan3A_107, %mul3A_111 : i32
      %add3A_113 = arith.constant 0 : i32
      %add3A_114 = arith.addi %mul3A_112, %add3A_113 : i32
      %swap3A_115 = arith.index_cast %add3A_114 : i32 to index
      %swap3A_116 = tpu.vector_load %arg5[%swap3A_115] {strides = array<i32>} : memref<640xf32, #tpu.memory_space<vmem>>, vector<16xf32>,
      %swap3A_117 = vector.shape_cast %swap3A_116 : vector<16xf32> to vector<16xf32>
      %swap3A_118 = vector.shape_cast %broadcast_in_dim3A_110 : vector<16xf32> to vector<16xf32>
      tpu.vector_store %arg5[%swap3A_115], %swap3A_118 {strides = array<i32>} : memref<640xf32, #tpu.memory_space<vmem>>, vector<16xf32>,
      %broadcast_in_dim3A_119 = arith.constant 0.000000e+00 : f32
      %broadcast_in_dim3A_120 = vector.broadcast %broadcast_in_dim3A_119 : f32 to vector<16xf32>
      %mul3A_121 = arith.constant 128 : i32
      %mul3A_122 = arith.muli %scan3A_107, %mul3A_121 : i32
      %add3A_123 = arith.constant 16 : i32
      %add3A_124 = arith.addi %mul3A_122, %add3A_123 : i32
      %swap3A_125 = arith.index_cast %add3A_124 : i32 to index
      %swap3A_126 = tpu.vector_load %arg5[%swap3A_125] {strides = array<i32>} : memref<640xf32, #tpu.memory_space<vmem>>, vector<16xf32>,
      %swap3A_127 = vector.shape_cast %swap3A_126 : vector<16xf32> to vector<16xf32>
      %swap3A_128 = vector.shape_cast %broadcast_in_dim3A_120 : vector<16xf32> to vector<16xf32>
      tpu.vector_store %arg5[%swap3A_125], %swap3A_128 {strides = array<i32>} : memref<640xf32, #tpu.memory_space<vmem>>, vector<16xf32>,
      %broadcast_in_dim3A_129 = arith.constant 0.000000e+00 : f32
      %broadcast_in_dim3A_130 = vector.broadcast %broadcast_in_dim3A_129 : f32 to vector<16xf32>
      %mul3A_131 = arith.constant 128 : i32
      %mul3A_132 = arith.muli %scan3A_107, %mul3A_131 : i32
      %add3A_133 = arith.constant 32 : i32
      %add3A_134 = arith.addi %mul3A_132, %add3A_133 : i32
      %swap3A_135 = arith.index_cast %add3A_134 : i32 to index
      %swap3A_136 = tpu.vector_load %arg5[%swap3A_135] {strides = array<i32>} : memref<640xf32, #tpu.memory_space<vmem>>, vector<16xf32>,
      %swap3A_137 = vector.shape_cast %swap3A_136 : vector<16xf32> to vector<16xf32>
      %swap3A_138 = vector.shape_cast %broadcast_in_dim3A_130 : vector<16xf32> to vector<16xf32>
      tpu.vector_store %arg5[%swap3A_135], %swap3A_138 {strides = array<i32>} : memref<640xf32, #tpu.memory_space<vmem>>, vector<16xf32>,
      %broadcast_in_dim3A_139 = arith.constant 0.000000e+00 : f32
      %broadcast_in_dim3A_140 = vector.broadcast %broadcast_in_dim3A_139 : f32 to vector<16xf32>
      %mul3A_141 = arith.constant 128 : i32
      %mul3A_142 = arith.muli %scan3A_107, %mul3A_141 : i32
      %add3A_143 = arith.constant 48 : i32
      %add3A_144 = arith.addi %mul3A_142, %add3A_143 : i32
      %swap3A_145 = arith.index_cast %add3A_144 : i32 to index
      %swap3A_146 = tpu.vector_load %arg5[%swap3A_145] {strides = array<i32>} : memref<640xf32, #tpu.memory_space<vmem>>, vector<16xf32>,
      %swap3A_147 = vector.shape_cast %swap3A_146 : vector<16xf32> to vector<16xf32>
      %swap3A_148 = vector.shape_cast %broadcast_in_dim3A_140 : vector<16xf32> to vector<16xf32>
      tpu.vector_store %arg5[%swap3A_145], %swap3A_148 {strides = array<i32>} : memref<640xf32, #tpu.memory_space<vmem>>, vector<16xf32>,
      %broadcast_in_dim3A_149 = arith.constant 0.000000e+00 : f32
      %broadcast_in_dim3A_150 = vector.broadcast %broadcast_in_dim3A_149 : f32 to vector<16xf32>
      %mul3A_151 = arith.constant 128 : i32
      %mul3A_152 = arith.muli %scan3A_107, %mul3A_151 : i32
      %add3A_153 = arith.constant 64 : i32
      %add3A_154 = arith.addi %mul3A_152, %add3A_153 : i32
      %swap3A_155 = arith.index_cast %add3A_154 : i32 to index
      %swap3A_156 = tpu.vector_load %arg5[%swap3A_155] {strides = array<i32>} : memref<640xf32, #tpu.memory_space<vmem>>, vector<16xf32>,
      %swap3A_157 = vector.shape_cast %swap3A_156 : vector<16xf32> to vector<16xf32>
      %swap3A_158 = vector.shape_cast %broadcast_in_dim3A_150 : vector<16xf32> to vector<16xf32>
      tpu.vector_store %arg5[%swap3A_155], %swap3A_158 {strides = array<i32>} : memref<640xf32, #tpu.memory_space<vmem>>, vector<16xf32>,
      %broadcast_in_dim3A_159 = arith.constant 0.000000e+00 : f32
      %broadcast_in_dim3A_160 = vector.broadcast %broadcast_in_dim3A_159 : f32 to vector<16xf32>
      %mul3A_161 = arith.constant 128 : i32
      %mul3A_162 = arith.muli %scan3A_107, %mul3A_161 : i32
      %add3A_163 = arith.constant 80 : i32
      %add3A_164 = arith.addi %mul3A_162, %add3A_163 : i32
      %swap3A_165 = arith.index_cast %add3A_164 : i32 to index
      %swap3A_166 = tpu.vector_load %arg5[%swap3A_165] {strides = array<i32>} : memref<640xf32, #tpu.memory_space<vmem>>, vector<16xf32>,
      %swap3A_167 = vector.shape_cast %swap3A_166 : vector<16xf32> to vector<16xf32>
      %swap3A_168 = vector.shape_cast %broadcast_in_dim3A_160 : vector<16xf32> to vector<16xf32>
      tpu.vector_store %arg5[%swap3A_165], %swap3A_168 {strides = array<i32>} : memref<640xf32, #tpu.memory_space<vmem>>, vector<16xf32>,
      %broadcast_in_dim3A_169 = arith.constant 0.000000e+00 : f32
      %broadcast_in_dim3A_170 = vector.broadcast %broadcast_in_dim3A_169 : f32 to vector<16xf32>
      %mul3A_171 = arith.constant 128 : i32
      %mul3A_172 = arith.muli %scan3A_107, %mul3A_171 : i32
      %add3A_173 = arith.constant 96 : i32
      %add3A_174 = arith.addi %mul3A_172, %add3A_173 : i32
      %swap3A_175 = arith.index_cast %add3A_174 : i32 to index
      %swap3A_176 = tpu.vector_load %arg5[%swap3A_175] {strides = array<i32>} : memref<640xf32, #tpu.memory_space<vmem>>, vector<16xf32>,
      %swap3A_177 = vector.shape_cast %swap3A_176 : vector<16xf32> to vector<16xf32>
      %swap3A_178 = vector.shape_cast %broadcast_in_dim3A_170 : vector<16xf32> to vector<16xf32>
      tpu.vector_store %arg5[%swap3A_175], %swap3A_178 {strides = array<i32>} : memref<640xf32, #tpu.memory_space<vmem>>, vector<16xf32>,
      %broadcast_in_dim3A_179 = arith.constant 0.000000e+00 : f32
      %broadcast_in_dim3A_180 = vector.broadcast %broadcast_in_dim3A_179 : f32 to vector<16xf32>
      %mul3A_181 = arith.constant 128 : i32
      %mul3A_182 = arith.muli %scan3A_107, %mul3A_181 : i32
      %add3A_183 = arith.constant 112 : i32
      %add3A_184 = arith.addi %mul3A_182, %add3A_183 : i32
      %swap3A_185 = arith.index_cast %add3A_184 : i32 to index
      %swap3A_186 = tpu.vector_load %arg5[%swap3A_185] {strides = array<i32>} : memref<640xf32, #tpu.memory_space<vmem>>, vector<16xf32>,
      %swap3A_187 = vector.shape_cast %swap3A_186 : vector<16xf32> to vector<16xf32>
      %swap3A_188 = vector.shape_cast %broadcast_in_dim3A_180 : vector<16xf32> to vector<16xf32>
      tpu.vector_store %arg5[%swap3A_185], %swap3A_188 {strides = array<i32>} : memref<640xf32, #tpu.memory_space<vmem>>, vector<16xf32>,
      %scan3A_189 = arith.constant 0 : i32
      scf.yield %scan3A_189 : i32
    }
    %scan3A_10 = arith.constant 5 : i32
    %broadcast_in_dim3A = arith.constant 1.000000e+00 : f32
    %broadcast_in_dim3A_11 = vector.broadcast %broadcast_in_dim3A : f32 to vector<16xf32>
    %swap3A = arith.constant 0 : index
    %swap3A_12 = tpu.vector_load %arg6[%swap3A] {strides = array<i32>} : memref<128xf32, #tpu.memory_space<vmem>>, vector<16xf32>,
    %swap3A_13 = vector.shape_cast %swap3A_12 : vector<16xf32> to vector<16xf32>
    %swap3A_14 = vector.shape_cast %broadcast_in_dim3A_11 : vector<16xf32> to vector<16xf32>
    tpu.vector_store %arg6[%swap3A], %swap3A_14 {strides = array<i32>} : memref<128xf32, #tpu.memory_space<vmem>>, vector<16xf32>,
    %broadcast_in_dim3A_15 = arith.constant 1.000000e+00 : f32
    %broadcast_in_dim3A_16 = vector.broadcast %broadcast_in_dim3A_15 : f32 to vector<16xf32>
    %swap3A_17 = arith.constant 16 : index
    %swap3A_18 = tpu.vector_load %arg6[%swap3A_17] {strides = array<i32>} : memref<128xf32, #tpu.memory_space<vmem>>, vector<16xf32>,
    %swap3A_19 = vector.shape_cast %swap3A_18 : vector<16xf32> to vector<16xf32>
    %swap3A_20 = vector.shape_cast %broadcast_in_dim3A_16 : vector<16xf32> to vector<16xf32>
    tpu.vector_store %arg6[%swap3A_17], %swap3A_20 {strides = array<i32>} : memref<128xf32, #tpu.memory_space<vmem>>, vector<16xf32>,
    %broadcast_in_dim3A_21 = arith.constant 1.000000e+00 : f32
    %broadcast_in_dim3A_22 = vector.broadcast %broadcast_in_dim3A_21 : f32 to vector<16xf32>
    %swap3A_23 = arith.constant 32 : index
    %swap3A_24 = tpu.vector_load %arg6[%swap3A_23] {strides = array<i32>} : memref<128xf32, #tpu.memory_space<vmem>>, vector<16xf32>,
    %swap3A_25 = vector.shape_cast %swap3A_24 : vector<16xf32> to vector<16xf32>
    %swap3A_26 = vector.shape_cast %broadcast_in_dim3A_22 : vector<16xf32> to vector<16xf32>
    tpu.vector_store %arg6[%swap3A_23], %swap3A_26 {strides = array<i32>} : memref<128xf32, #tpu.memory_space<vmem>>, vector<16xf32>,
    %broadcast_in_dim3A_27 = arith.constant 1.000000e+00 : f32
    %broadcast_in_dim3A_28 = vector.broadcast %broadcast_in_dim3A_27 : f32 to vector<16xf32>
    %swap3A_29 = arith.constant 48 : index
    %swap3A_30 = tpu.vector_load %arg6[%swap3A_29] {strides = array<i32>} : memref<128xf32, #tpu.memory_space<vmem>>, vector<16xf32>,
    %swap3A_31 = vector.shape_cast %swap3A_30 : vector<16xf32> to vector<16xf32>
    %swap3A_32 = vector.shape_cast %broadcast_in_dim3A_28 : vector<16xf32> to vector<16xf32>
    tpu.vector_store %arg6[%swap3A_29], %swap3A_32 {strides = array<i32>} : memref<128xf32, #tpu.memory_space<vmem>>, vector<16xf32>,
    %broadcast_in_dim3A_33 = arith.constant 1.000000e+00 : f32
    %broadcast_in_dim3A_34 = vector.broadcast %broadcast_in_dim3A_33 : f32 to vector<16xf32>
    %swap3A_35 = arith.constant 64 : index
    %swap3A_36 = tpu.vector_load %arg6[%swap3A_35] {strides = array<i32>} : memref<128xf32, #tpu.memory_space<vmem>>, vector<16xf32>,
    %swap3A_37 = vector.shape_cast %swap3A_36 : vector<16xf32> to vector<16xf32>
    %swap3A_38 = vector.shape_cast %broadcast_in_dim3A_34 : vector<16xf32> to vector<16xf32>
    tpu.vector_store %arg6[%swap3A_35], %swap3A_38 {strides = array<i32>} : memref<128xf32, #tpu.memory_space<vmem>>, vector<16xf32>,
    %broadcast_in_dim3A_39 = arith.constant 1.000000e+00 : f32
    %broadcast_in_dim3A_40 = vector.broadcast %broadcast_in_dim3A_39 : f32 to vector<16xf32>
    %swap3A_41 = arith.constant 80 : index
    %swap3A_42 = tpu.vector_load %arg6[%swap3A_41] {strides = array<i32>} : memref<128xf32, #tpu.memory_space<vmem>>, vector<16xf32>,
    %swap3A_43 = vector.shape_cast %swap3A_42 : vector<16xf32> to vector<16xf32>
    %swap3A_44 = vector.shape_cast %broadcast_in_dim3A_40 : vector<16xf32> to vector<16xf32>
    tpu.vector_store %arg6[%swap3A_41], %swap3A_44 {strides = array<i32>} : memref<128xf32, #tpu.memory_space<vmem>>, vector<16xf32>,
    %broadcast_in_dim3A_45 = arith.constant 1.000000e+00 : f32
    %broadcast_in_dim3A_46 = vector.broadcast %broadcast_in_dim3A_45 : f32 to vector<16xf32>
    %swap3A_47 = arith.constant 96 : index
    %swap3A_48 = tpu.vector_load %arg6[%swap3A_47] {strides = array<i32>} : memref<128xf32, #tpu.memory_space<vmem>>, vector<16xf32>,
    %swap3A_49 = vector.shape_cast %swap3A_48 : vector<16xf32> to vector<16xf32>
    %swap3A_50 = vector.shape_cast %broadcast_in_dim3A_46 : vector<16xf32> to vector<16xf32>
    tpu.vector_store %arg6[%swap3A_47], %swap3A_50 {strides = array<i32>} : memref<128xf32, #tpu.memory_space<vmem>>, vector<16xf32>,
    %broadcast_in_dim3A_51 = arith.constant 1.000000e+00 : f32
    %broadcast_in_dim3A_52 = vector.broadcast %broadcast_in_dim3A_51 : f32 to vector<16xf32>
    %swap3A_53 = arith.constant 112 : index
    %swap3A_54 = tpu.vector_load %arg6[%swap3A_53] {strides = array<i32>} : memref<128xf32, #tpu.memory_space<vmem>>, vector<16xf32>,
    %swap3A_55 = vector.shape_cast %swap3A_54 : vector<16xf32> to vector<16xf32>
    %swap3A_56 = vector.shape_cast %broadcast_in_dim3A_52 : vector<16xf32> to vector<16xf32>
    tpu.vector_store %arg6[%swap3A_53], %swap3A_56 {strides = array<i32>} : memref<128xf32, #tpu.memory_space<vmem>>, vector<16xf32>,
    %mul3A_57 = arith.constant 640 : i32
    %mul3A_58 = arith.muli %arg1, %mul3A_57 : i32
    "tpu.region"() ({
      %run_scoped3A = tpu.sem_alloc : memref<!tpu.dma_semaphore, #tpu.memory_space<semaphore_mem>>
      %dma_start3A_107 = tpu.memref_slice %arg4[%mul3A_58] : memref<10240xf32, #tpu.memory_space<vmem_shared>> -> memref<640xf32, #tpu.memory_space<vmem_shared>>
      %dma_start3A_108 = tpu.memref_slice %arg4[%mul3A_58] : memref<10240xf32, #tpu.memory_space<vmem_shared>> -> memref<640xf32, #tpu.memory_space<vmem_shared>>
      tpu.enqueue_dma source(%arg5 : memref<640xf32, #tpu.memory_space<vmem>>) target(%dma_start3A_108 : memref<640xf32, #tpu.memory_space<vmem_shared>>) target_semaphore(%run_scoped3A : memref<!tpu.dma_semaphore, #tpu.memory_space<semaphore_mem>>)
      %dma_wait3A_109 = tpu.memref_slice %arg4[%mul3A_58] : memref<10240xf32, #tpu.memory_space<vmem_shared>> -> memref<640xf32, #tpu.memory_space<vmem_shared>>
      %dma_wait3A_110 = tpu.memref_slice %arg4[%mul3A_58] : memref<10240xf32, #tpu.memory_space<vmem_shared>> -> memref<640xf32, #tpu.memory_space<vmem_shared>>
      tpu.wait_dma2 semaphore(%run_scoped3A : memref<!tpu.dma_semaphore, #tpu.memory_space<semaphore_mem>>) src(%arg5 : memref<640xf32, #tpu.memory_space<vmem>>) dst(%dma_wait3A_110 : memref<640xf32, #tpu.memory_space<vmem_shared>>)
      tpu.yield
    }) : () -> ()
    %barrier3A = arith.constant 0 : index
    tpu.barrier barrier_id(%barrier3A)
    %add3A_59 = arith.constant 0 : i32
    %add3A_60 = arith.addi %add3A_4, %add3A_59 : i32
    %dma_start3A = arith.constant 0 : i32
    %dma_start3A_61 = arith.constant 0 : i32
    %dma_start3A_62 = tpu.memref_slice %arg7[%dma_start3A, %dma_start3A_61] : memref<2x128xi32, #tpu.memory_space<vmem>> -> memref<1x128xi32, #tpu.memory_space<vmem>>
    %dma_start3A_63 = tpu.memref_squeeze %dma_start3A_62 : memref<1x128xi32, #tpu.memory_space<vmem>> -> memref<128xi32, #tpu.memory_space<vmem>>
    %dma_start3A_64 = tpu.memref_slice %arg2[%add3A_60] : memref<640000xi32, #tpu.memory_space<hbm>> -> memref<128xi32, #tpu.memory_space<hbm>>
    %dma_start3A_65 = arith.constant 0 : i32
    %dma_start3A_66 = tpu.memref_slice %arg7[%dma_start3A, %dma_start3A_65] : memref<2x128xi32, #tpu.memory_space<vmem>> -> memref<1x128xi32, #tpu.memory_space<vmem>>
    %dma_start3A_67 = tpu.memref_squeeze %dma_start3A_66 : memref<1x128xi32, #tpu.memory_space<vmem>> -> memref<128xi32, #tpu.memory_space<vmem>>
    %dma_start3A_68 = tpu.memref_slice %arg2[%add3A_60] : memref<640000xi32, #tpu.memory_space<hbm>> -> memref<128xi32, #tpu.memory_space<hbm>>
    tpu.enqueue_dma source(%dma_start3A_68 : memref<128xi32, #tpu.memory_space<hbm>>) target(%dma_start3A_67 : memref<128xi32, #tpu.memory_space<vmem>>) target_semaphore(%arg9 : memref<!tpu.dma_semaphore, #tpu.memory_space<semaphore_mem>>)
    %add3A_69 = arith.constant 128 : i32
    %add3A_70 = arith.addi %add3A_4, %add3A_69 : i32
    %dma_start3A_71 = arith.constant 1 : i32
    %dma_start3A_72 = arith.constant 0 : i32
    %dma_start3A_73 = tpu.memref_slice %arg7[%dma_start3A_71, %dma_start3A_72] : memref<2x128xi32, #tpu.memory_space<vmem>> -> memref<1x128xi32, #tpu.memory_space<vmem>>
    %dma_start3A_74 = tpu.memref_squeeze %dma_start3A_73 : memref<1x128xi32, #tpu.memory_space<vmem>> -> memref<128xi32, #tpu.memory_space<vmem>>
    %dma_start3A_75 = tpu.memref_slice %arg2[%add3A_70] : memref<640000xi32, #tpu.memory_space<hbm>> -> memref<128xi32, #tpu.memory_space<hbm>>
    %dma_start3A_76 = arith.constant 0 : i32
    %dma_start3A_77 = tpu.memref_slice %arg7[%dma_start3A_71, %dma_start3A_76] : memref<2x128xi32, #tpu.memory_space<vmem>> -> memref<1x128xi32, #tpu.memory_space<vmem>>
    %dma_start3A_78 = tpu.memref_squeeze %dma_start3A_77 : memref<1x128xi32, #tpu.memory_space<vmem>> -> memref<128xi32, #tpu.memory_space<vmem>>
    %dma_start3A_79 = tpu.memref_slice %arg2[%add3A_70] : memref<640000xi32, #tpu.memory_space<hbm>> -> memref<128xi32, #tpu.memory_space<hbm>>
    tpu.enqueue_dma source(%dma_start3A_79 : memref<128xi32, #tpu.memory_space<hbm>>) target(%dma_start3A_78 : memref<128xi32, #tpu.memory_space<vmem>>) target_semaphore(%arg10 : memref<!tpu.dma_semaphore, #tpu.memory_space<semaphore_mem>>)
    %scan3A_80 = arith.constant 0 : i32
    %scan3A_81 = arith.constant 1 : i32
    %scan3A_82 = arith.constant 0 : i32
    %scan3A_83 = arith.constant 0 : i32
    %scan3A_84 = arith.constant 39 : i32
    %scan3A_85 = arith.addi %scan3A_83, %scan3A_84 : i32
    %scan3A_86 = arith.constant 1 : i32
    %scan3A_87 = scf.for %scan3A_107 = %scan3A_83 to %scan3A_85 step %scan3A_86 iter_args(%scan3A_108 = %scan3A_82) -> (i32)  : i32 {
      %mul3A_109 = arith.constant 2 : i32
      %mul3A_110 = arith.muli %mul3A_109, %scan3A_107 : i32
      %mul3A_111 = arith.constant 128 : i32
      %mul3A_112 = arith.muli %mul3A_110, %mul3A_111 : i32
      %add3A_113 = arith.addi %add3A_4, %mul3A_112 : i32
      %dma_wait3A_114 = arith.constant 0 : i32
      %dma_wait3A_115 = tpu.memref_slice %arg7[%scan3A_80, %dma_wait3A_114] : memref<2x128xi32, #tpu.memory_space<vmem>> -> memref<1x128xi32, #tpu.memory_space<vmem>>
      %dma_wait3A_116 = tpu.memref_squeeze %dma_wait3A_115 : memref<1x128xi32, #tpu.memory_space<vmem>> -> memref<128xi32, #tpu.memory_space<vmem>>
      %dma_wait3A_117 = tpu.memref_slice %arg2[%add3A_113] : memref<640000xi32, #tpu.memory_space<hbm>> -> memref<128xi32, #tpu.memory_space<hbm>>
      %dma_wait3A_118 = arith.constant 0 : i32
      %dma_wait3A_119 = tpu.memref_slice %arg7[%scan3A_80, %dma_wait3A_118] : memref<2x128xi32, #tpu.memory_space<vmem>> -> memref<1x128xi32, #tpu.memory_space<vmem>>
      %dma_wait3A_120 = tpu.memref_squeeze %dma_wait3A_119 : memref<1x128xi32, #tpu.memory_space<vmem>> -> memref<128xi32, #tpu.memory_space<vmem>>
      %dma_wait3A_121 = tpu.memref_slice %arg2[%add3A_113] : memref<640000xi32, #tpu.memory_space<hbm>> -> memref<128xi32, #tpu.memory_space<hbm>>
      tpu.wait_dma2 semaphore(%arg9 : memref<!tpu.dma_semaphore, #tpu.memory_space<semaphore_mem>>) src(%dma_wait3A_121 : memref<128xi32, #tpu.memory_space<hbm>>) dst(%dma_wait3A_120 : memref<128xi32, #tpu.memory_space<vmem>>)
      %dma_start3A_122 = arith.constant 0 : i32
      %dma_start3A_123 = tpu.memref_slice %arg7[%scan3A_80, %dma_start3A_122] : memref<2x128xi32, #tpu.memory_space<vmem>> -> memref<1x128xi32, #tpu.memory_space<vmem>>
      %dma_start3A_124 = tpu.memref_squeeze %dma_start3A_123 : memref<1x128xi32, #tpu.memory_space<vmem>> -> memref<128xi32, #tpu.memory_space<vmem>>
      %dma_start3A_125 = arith.constant 0 : i32
      %dma_start3A_126 = tpu.memref_slice %arg4[%dma_start3A_125] : memref<10240xf32, #tpu.memory_space<vmem_shared>> -> memref<10240xf32, #tpu.memory_space<vmem_shared>>
      tpu.enqueue_indirect_dma source(%arg6 : memref<128xf32, #tpu.memory_space<vmem>>) target(%dma_start3A_126 : memref<10240xf32, #tpu.memory_space<vmem_shared>>) offsets(%dma_start3A_124 : memref<128xi32, #tpu.memory_space<vmem>>) semaphore(%arg11 : memref<!tpu.dma_semaphore, #tpu.memory_space<semaphore_mem>>) {add = true}
      %add3A_127 = arith.constant 1 : i32
      %add3A_128 = arith.addi %scan3A_107, %add3A_127 : i32
      %lt3A = arith.constant 39 : i32
      %lt3A_129 = arith.cmpi slt, %add3A_128, %lt3A : i32
      %convert_element_type3A = arith.extui %lt3A_129 : i1 to i32
      %cond3A = arith.constant 0 : i32
      %cond3A_130 = arith.cmpi ne, %convert_element_type3A, %cond3A : i32
      scf.if %cond3A_130 {
        %dma_wait3A_157 = arith.constant 0 : i32
        %dma_wait3A_158 = tpu.memref_slice %arg7[%scan3A_80, %dma_wait3A_157] : memref<2x128xi32, #tpu.memory_space<vmem>> -> memref<1x128xi32, #tpu.memory_space<vmem>>
        %dma_wait3A_159 = tpu.memref_squeeze %dma_wait3A_158 : memref<1x128xi32, #tpu.memory_space<vmem>> -> memref<128xi32, #tpu.memory_space<vmem>>
        %dma_wait3A_160 = arith.constant 0 : i32
        %dma_wait3A_161 = tpu.memref_slice %arg4[%dma_wait3A_160] : memref<10240xf32, #tpu.memory_space<vmem_shared>> -> memref<10240xf32, #tpu.memory_space<vmem_shared>>
        tpu.wait_indirect_dma semaphore(%arg11 : memref<!tpu.dma_semaphore, #tpu.memory_space<semaphore_mem>>) src(%arg6 : memref<128xf32, #tpu.memory_space<vmem>>) dst(%dma_wait3A_161 : memref<10240xf32, #tpu.memory_space<vmem_shared>>)
        %add3A_162 = arith.constant 2 : i32
        %add3A_163 = arith.addi %mul3A_110, %add3A_162 : i32
        %mul3A_164 = arith.constant 128 : i32
        %mul3A_165 = arith.muli %add3A_163, %mul3A_164 : i32
        %add3A_166 = arith.addi %add3A_4, %mul3A_165 : i32
        %dma_start3A_167 = arith.constant 0 : i32
        %dma_start3A_168 = tpu.memref_slice %arg7[%scan3A_80, %dma_start3A_167] : memref<2x128xi32, #tpu.memory_space<vmem>> -> memref<1x128xi32, #tpu.memory_space<vmem>>
        %dma_start3A_169 = tpu.memref_squeeze %dma_start3A_168 : memref<1x128xi32, #tpu.memory_space<vmem>> -> memref<128xi32, #tpu.memory_space<vmem>>
        %dma_start3A_170 = tpu.memref_slice %arg2[%add3A_166] : memref<640000xi32, #tpu.memory_space<hbm>> -> memref<128xi32, #tpu.memory_space<hbm>>
        %dma_start3A_171 = arith.constant 0 : i32
        %dma_start3A_172 = tpu.memref_slice %arg7[%scan3A_80, %dma_start3A_171] : memref<2x128xi32, #tpu.memory_space<vmem>> -> memref<1x128xi32, #tpu.memory_space<vmem>>
        %dma_start3A_173 = tpu.memref_squeeze %dma_start3A_172 : memref<1x128xi32, #tpu.memory_space<vmem>> -> memref<128xi32, #tpu.memory_space<vmem>>
        %dma_start3A_174 = tpu.memref_slice %arg2[%add3A_166] : memref<640000xi32, #tpu.memory_space<hbm>> -> memref<128xi32, #tpu.memory_space<hbm>>
        tpu.enqueue_dma source(%dma_start3A_174 : memref<128xi32, #tpu.memory_space<hbm>>) target(%dma_start3A_173 : memref<128xi32, #tpu.memory_space<vmem>>) target_semaphore(%arg9 : memref<!tpu.dma_semaphore, #tpu.memory_space<semaphore_mem>>)
      } else {
      }
      %add3A_131 = arith.constant 1 : i32
      %add3A_132 = arith.addi %mul3A_110, %add3A_131 : i32
      %mul3A_133 = arith.constant 128 : i32
      %mul3A_134 = arith.muli %add3A_132, %mul3A_133 : i32
      %add3A_135 = arith.addi %add3A_4, %mul3A_134 : i32
      %dma_wait3A_136 = arith.constant 0 : i32
      %dma_wait3A_137 = tpu.memref_slice %arg7[%scan3A_81, %dma_wait3A_136] : memref<2x128xi32, #tpu.memory_space<vmem>> -> memref<1x128xi32, #tpu.memory_space<vmem>>
      %dma_wait3A_138 = tpu.memref_squeeze %dma_wait3A_137 : memref<1x128xi32, #tpu.memory_space<vmem>> -> memref<128xi32, #tpu.memory_space<vmem>>
      %dma_wait3A_139 = tpu.memref_slice %arg2[%add3A_135] : memref<640000xi32, #tpu.memory_space<hbm>> -> memref<128xi32, #tpu.memory_space<hbm>>
      %dma_wait3A_140 = arith.constant 0 : i32
      %dma_wait3A_141 = tpu.memref_slice %arg7[%scan3A_81, %dma_wait3A_140] : memref<2x128xi32, #tpu.memory_space<vmem>> -> memref<1x128xi32, #tpu.memory_space<vmem>>
      %dma_wait3A_142 = tpu.memref_squeeze %dma_wait3A_141 : memref<1x128xi32, #tpu.memory_space<vmem>> -> memref<128xi32, #tpu.memory_space<vmem>>
      %dma_wait3A_143 = tpu.memref_slice %arg2[%add3A_135] : memref<640000xi32, #tpu.memory_space<hbm>> -> memref<128xi32, #tpu.memory_space<hbm>>
      tpu.wait_dma2 semaphore(%arg10 : memref<!tpu.dma_semaphore, #tpu.memory_space<semaphore_mem>>) src(%dma_wait3A_143 : memref<128xi32, #tpu.memory_space<hbm>>) dst(%dma_wait3A_142 : memref<128xi32, #tpu.memory_space<vmem>>)
      %dma_start3A_144 = arith.constant 0 : i32
      %dma_start3A_145 = tpu.memref_slice %arg7[%scan3A_81, %dma_start3A_144] : memref<2x128xi32, #tpu.memory_space<vmem>> -> memref<1x128xi32, #tpu.memory_space<vmem>>
      %dma_start3A_146 = tpu.memref_squeeze %dma_start3A_145 : memref<1x128xi32, #tpu.memory_space<vmem>> -> memref<128xi32, #tpu.memory_space<vmem>>
      %dma_start3A_147 = arith.constant 0 : i32
      %dma_start3A_148 = tpu.memref_slice %arg4[%dma_start3A_147] : memref<10240xf32, #tpu.memory_space<vmem_shared>> -> memref<10240xf32, #tpu.memory_space<vmem_shared>>
      tpu.enqueue_indirect_dma source(%arg6 : memref<128xf32, #tpu.memory_space<vmem>>) target(%dma_start3A_148 : memref<10240xf32, #tpu.memory_space<vmem_shared>>) offsets(%dma_start3A_146 : memref<128xi32, #tpu.memory_space<vmem>>) semaphore(%arg12 : memref<!tpu.dma_semaphore, #tpu.memory_space<semaphore_mem>>) {add = true}
      %add3A_149 = arith.constant 1 : i32
      %add3A_150 = arith.addi %scan3A_107, %add3A_149 : i32
      %lt3A_151 = arith.constant 39 : i32
      %lt3A_152 = arith.cmpi slt, %add3A_150, %lt3A_151 : i32
      %convert_element_type3A_153 = arith.extui %lt3A_152 : i1 to i32
      %cond3A_154 = arith.constant 0 : i32
      %cond3A_155 = arith.cmpi ne, %convert_element_type3A_153, %cond3A_154 : i32
      scf.if %cond3A_155 {
        %dma_wait3A_157 = arith.constant 0 : i32
        %dma_wait3A_158 = tpu.memref_slice %arg7[%scan3A_81, %dma_wait3A_157] : memref<2x128xi32, #tpu.memory_space<vmem>> -> memref<1x128xi32, #tpu.memory_space<vmem>>
        %dma_wait3A_159 = tpu.memref_squeeze %dma_wait3A_158 : memref<1x128xi32, #tpu.memory_space<vmem>> -> memref<128xi32, #tpu.memory_space<vmem>>
        %dma_wait3A_160 = arith.constant 0 : i32
        %dma_wait3A_161 = tpu.memref_slice %arg4[%dma_wait3A_160] : memref<10240xf32, #tpu.memory_space<vmem_shared>> -> memref<10240xf32, #tpu.memory_space<vmem_shared>>
        tpu.wait_indirect_dma semaphore(%arg12 : memref<!tpu.dma_semaphore, #tpu.memory_space<semaphore_mem>>) src(%arg6 : memref<128xf32, #tpu.memory_space<vmem>>) dst(%dma_wait3A_161 : memref<10240xf32, #tpu.memory_space<vmem_shared>>)
        %add3A_162 = arith.constant 3 : i32
        %add3A_163 = arith.addi %mul3A_110, %add3A_162 : i32
        %mul3A_164 = arith.constant 128 : i32
        %mul3A_165 = arith.muli %add3A_163, %mul3A_164 : i32
        %add3A_166 = arith.addi %add3A_4, %mul3A_165 : i32
        %dma_start3A_167 = arith.constant 0 : i32
        %dma_start3A_168 = tpu.memref_slice %arg7[%scan3A_81, %dma_start3A_167] : memref<2x128xi32, #tpu.memory_space<vmem>> -> memref<1x128xi32, #tpu.memory_space<vmem>>
        %dma_start3A_169 = tpu.memref_squeeze %dma_start3A_168 : memref<1x128xi32, #tpu.memory_space<vmem>> -> memref<128xi32, #tpu.memory_space<vmem>>
        %dma_start3A_170 = tpu.memref_slice %arg2[%add3A_166] : memref<640000xi32, #tpu.memory_space<hbm>> -> memref<128xi32, #tpu.memory_space<hbm>>
        %dma_start3A_171 = arith.constant 0 : i32
        %dma_start3A_172 = tpu.memref_slice %arg7[%scan3A_81, %dma_start3A_171] : memref<2x128xi32, #tpu.memory_space<vmem>> -> memref<1x128xi32, #tpu.memory_space<vmem>>
        %dma_start3A_173 = tpu.memref_squeeze %dma_start3A_172 : memref<1x128xi32, #tpu.memory_space<vmem>> -> memref<128xi32, #tpu.memory_space<vmem>>
        %dma_start3A_174 = tpu.memref_slice %arg2[%add3A_166] : memref<640000xi32, #tpu.memory_space<hbm>> -> memref<128xi32, #tpu.memory_space<hbm>>
        tpu.enqueue_dma source(%dma_start3A_174 : memref<128xi32, #tpu.memory_space<hbm>>) target(%dma_start3A_173 : memref<128xi32, #tpu.memory_space<vmem>>) target_semaphore(%arg10 : memref<!tpu.dma_semaphore, #tpu.memory_space<semaphore_mem>>)
      } else {
      }
      %scan3A_156 = arith.constant 0 : i32
      scf.yield %scan3A_156 : i32
    }
    %scan3A_88 = arith.constant 39 : i32
    %dma_wait3A = arith.constant 0 : i32
    %dma_wait3A_89 = arith.constant 0 : i32
    %dma_wait3A_90 = tpu.memref_slice %arg7[%dma_wait3A, %dma_wait3A_89] : memref<2x128xi32, #tpu.memory_space<vmem>> -> memref<1x128xi32, #tpu.memory_space<vmem>>
    %dma_wait3A_91 = tpu.memref_squeeze %dma_wait3A_90 : memref<1x128xi32, #tpu.memory_space<vmem>> -> memref<128xi32, #tpu.memory_space<vmem>>
    %dma_wait3A_92 = arith.constant 0 : i32
    %dma_wait3A_93 = tpu.memref_slice %arg4[%dma_wait3A_92] : memref<10240xf32, #tpu.memory_space<vmem_shared>> -> memref<10240xf32, #tpu.memory_space<vmem_shared>>
    tpu.wait_indirect_dma semaphore(%arg11 : memref<!tpu.dma_semaphore, #tpu.memory_space<semaphore_mem>>) src(%arg6 : memref<128xf32, #tpu.memory_space<vmem>>) dst(%dma_wait3A_93 : memref<10240xf32, #tpu.memory_space<vmem_shared>>)
    %dma_wait3A_94 = arith.constant 1 : i32
    %dma_wait3A_95 = arith.constant 0 : i32
    %dma_wait3A_96 = tpu.memref_slice %arg7[%dma_wait3A_94, %dma_wait3A_95] : memref<2x128xi32, #tpu.memory_space<vmem>> -> memref<1x128xi32, #tpu.memory_space<vmem>>
    %dma_wait3A_97 = tpu.memref_squeeze %dma_wait3A_96 : memref<1x128xi32, #tpu.memory_space<vmem>> -> memref<128xi32, #tpu.memory_space<vmem>>
    %dma_wait3A_98 = arith.constant 0 : i32
    %dma_wait3A_99 = tpu.memref_slice %arg4[%dma_wait3A_98] : memref<10240xf32, #tpu.memory_space<vmem_shared>> -> memref<10240xf32, #tpu.memory_space<vmem_shared>>
    tpu.wait_indirect_dma semaphore(%arg12 : memref<!tpu.dma_semaphore, #tpu.memory_space<semaphore_mem>>) src(%arg6 : memref<128xf32, #tpu.memory_space<vmem>>) dst(%dma_wait3A_99 : memref<10240xf32, #tpu.memory_space<vmem_shared>>)
    %add3A_100 = arith.constant 9984 : i32
    %add3A_101 = arith.addi %add3A_4, %add3A_100 : i32
    "tpu.region"() ({
      %run_scoped3A = tpu.sem_alloc : memref<!tpu.dma_semaphore, #tpu.memory_space<semaphore_mem>>
      %dma_start3A_107 = tpu.memref_slice %arg2[%add3A_101] : memref<640000xi32, #tpu.memory_space<hbm>> -> memref<16xi32, #tpu.memory_space<hbm>>
      %dma_start3A_108 = tpu.memref_slice %arg2[%add3A_101] : memref<640000xi32, #tpu.memory_space<hbm>> -> memref<16xi32, #tpu.memory_space<hbm>>
      tpu.enqueue_dma source(%dma_start3A_108 : memref<16xi32, #tpu.memory_space<hbm>>) target(%arg8 : memref<16xi32, #tpu.memory_space<vmem>>) target_semaphore(%run_scoped3A : memref<!tpu.dma_semaphore, #tpu.memory_space<semaphore_mem>>)
      %dma_wait3A_109 = tpu.memref_slice %arg2[%add3A_101] : memref<640000xi32, #tpu.memory_space<hbm>> -> memref<16xi32, #tpu.memory_space<hbm>>
      %dma_wait3A_110 = tpu.memref_slice %arg2[%add3A_101] : memref<640000xi32, #tpu.memory_space<hbm>> -> memref<16xi32, #tpu.memory_space<hbm>>
      tpu.wait_dma2 semaphore(%run_scoped3A : memref<!tpu.dma_semaphore, #tpu.memory_space<semaphore_mem>>) src(%dma_wait3A_110 : memref<16xi32, #tpu.memory_space<hbm>>) dst(%arg8 : memref<16xi32, #tpu.memory_space<vmem>>)
      tpu.yield
    }) : () -> ()
    "tpu.region"() ({
      %run_scoped3A = tpu.sem_alloc : memref<!tpu.dma_semaphore, #tpu.memory_space<semaphore_mem>>
      %dma_start3A_107 = arith.constant 0 : i32
      %dma_start3A_108 = tpu.memref_slice %arg6[%dma_start3A_107] : memref<128xf32, #tpu.memory_space<vmem>> -> memref<16xf32, #tpu.memory_space<vmem>>
      %dma_start3A_109 = arith.constant 0 : i32
      %dma_start3A_110 = tpu.memref_slice %arg4[%dma_start3A_109] : memref<10240xf32, #tpu.memory_space<vmem_shared>> -> memref<10240xf32, #tpu.memory_space<vmem_shared>>
      tpu.enqueue_indirect_dma source(%dma_start3A_108 : memref<16xf32, #tpu.memory_space<vmem>>) target(%dma_start3A_110 : memref<10240xf32, #tpu.memory_space<vmem_shared>>) offsets(%arg8 : memref<16xi32, #tpu.memory_space<vmem>>) semaphore(%run_scoped3A : memref<!tpu.dma_semaphore, #tpu.memory_space<semaphore_mem>>) {add = true}
      %dma_wait3A_111 = arith.constant 0 : i32
      %dma_wait3A_112 = tpu.memref_slice %arg6[%dma_wait3A_111] : memref<128xf32, #tpu.memory_space<vmem>> -> memref<16xf32, #tpu.memory_space<vmem>>
      %dma_wait3A_113 = arith.constant 0 : i32
      %dma_wait3A_114 = tpu.memref_slice %arg4[%dma_wait3A_113] : memref<10240xf32, #tpu.memory_space<vmem_shared>> -> memref<10240xf32, #tpu.memory_space<vmem_shared>>
      tpu.wait_indirect_dma semaphore(%run_scoped3A : memref<!tpu.dma_semaphore, #tpu.memory_space<semaphore_mem>>) src(%dma_wait3A_112 : memref<16xf32, #tpu.memory_space<vmem>>) dst(%dma_wait3A_114 : memref<10240xf32, #tpu.memory_space<vmem_shared>>)
      tpu.yield
    }) : () -> ()
    %barrier3A_102 = arith.constant 0 : index
    tpu.barrier barrier_id(%barrier3A_102)
    %mul3A_103 = arith.constant 640 : i32
    %mul3A_104 = arith.muli %arg1, %mul3A_103 : i32
    %mul3A_105 = arith.constant 640 : i32
    %mul3A_106 = arith.muli %arg1, %mul3A_105 : i32
    "tpu.region"() ({
      %run_scoped3A = tpu.sem_alloc : memref<!tpu.dma_semaphore, #tpu.memory_space<semaphore_mem>>
      %dma_start3A_107 = tpu.memref_slice %arg3[%arg0, %mul3A_106] : memref<2x10240xf32, #tpu.memory_space<hbm>> -> memref<1x640xf32, #tpu.memory_space<hbm>>
      %dma_start3A_108 = tpu.memref_squeeze %dma_start3A_107 : memref<1x640xf32, #tpu.memory_space<hbm>> -> memref<640xf32, #tpu.memory_space<hbm>>
      %dma_start3A_109 = tpu.memref_slice %arg4[%mul3A_104] : memref<10240xf32, #tpu.memory_space<vmem_shared>> -> memref<640xf32, #tpu.memory_space<vmem_shared>>
      tpu.enqueue_dma source(%dma_start3A_109 : memref<640xf32, #tpu.memory_space<vmem_shared>>) target(%dma_start3A_108 : memref<640xf32, #tpu.memory_space<hbm>>) target_semaphore(%run_scoped3A : memref<!tpu.dma_semaphore, #tpu.memory_space<semaphore_mem>>)
      %dma_wait3A_110 = tpu.memref_slice %arg3[%arg0, %mul3A_106] : memref<2x10240xf32, #tpu.memory_space<hbm>> -> memref<1x640xf32, #tpu.memory_space<hbm>>
      %dma_wait3A_111 = tpu.memref_squeeze %dma_wait3A_110 : memref<1x640xf32, #tpu.memory_space<hbm>> -> memref<640xf32, #tpu.memory_space<hbm>>
      %dma_wait3A_112 = tpu.memref_slice %arg4[%mul3A_104] : memref<10240xf32, #tpu.memory_space<vmem_shared>> -> memref<640xf32, #tpu.memory_space<vmem_shared>>
      tpu.wait_dma2 semaphore(%run_scoped3A : memref<!tpu.dma_semaphore, #tpu.memory_space<semaphore_mem>>) src(%dma_wait3A_112 : memref<640xf32, #tpu.memory_space<vmem_shared>>) dst(%dma_wait3A_111 : memref<640xf32, #tpu.memory_space<hbm>>)
      tpu.yield
    }) : () -> ()
    return
  }
}

#map = affine_map<(d0, d1) -> (0, 0)>
#map1 = affine_map<(d0, d1) -> (0)>
#map2 = affine_map<(d0, d1) -> (0, 0, 0)>
module attributes {stable_mosaic.version = 14 : i64} {
  func.func @_sc_aggregate_body(%arg0: i32, %arg1: i32, %arg2: memref<10000x128xf32, #tpu.memory_space<hbm>>, %arg3: memref<640000xi32, #tpu.memory_space<hbm>>, %arg4: memref<2x10000x128xf32, #tpu.memory_space<hbm>>, %arg5: memref<10000x128xf32, #tpu.memory_space<vmem_shared>>, %arg6: memref<128x128xf32, #tpu.memory_space<vmem>>, %arg7: memref<128x128xf32, #tpu.memory_space<vmem>>, %arg8: memref<104x128xf32, #tpu.memory_space<vmem>>, %arg9: memref<128xi32, #tpu.memory_space<vmem>>, %arg10: memref<128xi32, #tpu.memory_space<vmem>>, %arg11: memref<128xi32, #tpu.memory_space<vmem>>, %arg12: memref<128xi32, #tpu.memory_space<vmem>>, %arg13: memref<16xi32, #tpu.memory_space<vmem>>, %arg14: memref<16xi32, #tpu.memory_space<vmem>>, %arg15: memref<!tpu.dma_semaphore, #tpu.memory_space<semaphore_mem>>, %arg16: memref<!tpu.dma_semaphore, #tpu.memory_space<semaphore_mem>>, %arg17: memref<!tpu.dma_semaphore, #tpu.memory_space<semaphore_mem>>, %arg18: memref<!tpu.dma_semaphore, #tpu.memory_space<semaphore_mem>>, %arg19: memref<!tpu.dma_semaphore, #tpu.memory_space<semaphore_mem>>, %arg20: memref<!tpu.dma_semaphore, #tpu.memory_space<semaphore_mem>>) attributes {dimension_semantics = [#tpu.dimension_semantics<core_parallel>, #tpu.dimension_semantics<subcore_parallel>], iteration_bounds = array<i64: 2, 16>, scalar_prefetch = 0 : i64, scratch_operands = 16 : i64, tpu.core_type = #tpu.core_type<sc_vector_subcore>, window_params = [{transform_indices = #map}, {transform_indices = #map1}, {transform_indices = #map2}]} {
    %mul3A = arith.constant 16 : i32
    %mul3A_0 = arith.muli %arg0, %mul3A : i32
    %add3A = arith.addi %mul3A_0, %arg1 : i32
    %mul3A_1 = arith.constant 10000 : i32
    %mul3A_2 = arith.muli %add3A, %mul3A_1 : i32
    %add3A_3 = arith.constant 320000 : i32
    %add3A_4 = arith.addi %add3A_3, %mul3A_2 : i32
    %scan3A = arith.constant 0 : i32
    %scan3A_5 = arith.constant 0 : i32
    %scan3A_6 = arith.constant 104 : i32
    %scan3A_7 = arith.addi %scan3A_5, %scan3A_6 : i32
    %scan3A_8 = arith.constant 1 : i32
    %scan3A_9 = scf.for %scan3A_82 = %scan3A_5 to %scan3A_7 step %scan3A_8 iter_args(%scan3A_83 = %scan3A) -> (i32)  : i32 {
      %broadcast_in_dim3A = arith.constant 0.000000e+00 : f32
      %broadcast_in_dim3A_84 = vector.broadcast %broadcast_in_dim3A : f32 to vector<16xf32>
      %swap3A = arith.index_cast %scan3A_82 : i32 to index
      %swap3A_85 = arith.constant 0 : index
      %swap3A_86 = tpu.vector_load %arg8[%swap3A, %swap3A_85] {strides = array<i32>} : memref<104x128xf32, #tpu.memory_space<vmem>>, vector<1x16xf32>,
      %swap3A_87 = vector.shape_cast %swap3A_86 : vector<1x16xf32> to vector<16xf32>
      %swap3A_88 = vector.shape_cast %broadcast_in_dim3A_84 : vector<16xf32> to vector<1x16xf32>
      tpu.vector_store %arg8[%swap3A, %swap3A_85], %swap3A_88 {strides = array<i32>} : memref<104x128xf32, #tpu.memory_space<vmem>>, vector<1x16xf32>,
      %broadcast_in_dim3A_89 = arith.constant 0.000000e+00 : f32
      %broadcast_in_dim3A_90 = vector.broadcast %broadcast_in_dim3A_89 : f32 to vector<16xf32>
      %swap3A_91 = arith.index_cast %scan3A_82 : i32 to index
      %swap3A_92 = arith.constant 16 : index
      %swap3A_93 = tpu.vector_load %arg8[%swap3A_91, %swap3A_92] {strides = array<i32>} : memref<104x128xf32, #tpu.memory_space<vmem>>, vector<1x16xf32>,
      %swap3A_94 = vector.shape_cast %swap3A_93 : vector<1x16xf32> to vector<16xf32>
      %swap3A_95 = vector.shape_cast %broadcast_in_dim3A_90 : vector<16xf32> to vector<1x16xf32>
      tpu.vector_store %arg8[%swap3A_91, %swap3A_92], %swap3A_95 {strides = array<i32>} : memref<104x128xf32, #tpu.memory_space<vmem>>, vector<1x16xf32>,
      %broadcast_in_dim3A_96 = arith.constant 0.000000e+00 : f32
      %broadcast_in_dim3A_97 = vector.broadcast %broadcast_in_dim3A_96 : f32 to vector<16xf32>
      %swap3A_98 = arith.index_cast %scan3A_82 : i32 to index
      %swap3A_99 = arith.constant 32 : index
      %swap3A_100 = tpu.vector_load %arg8[%swap3A_98, %swap3A_99] {strides = array<i32>} : memref<104x128xf32, #tpu.memory_space<vmem>>, vector<1x16xf32>,
      %swap3A_101 = vector.shape_cast %swap3A_100 : vector<1x16xf32> to vector<16xf32>
      %swap3A_102 = vector.shape_cast %broadcast_in_dim3A_97 : vector<16xf32> to vector<1x16xf32>
      tpu.vector_store %arg8[%swap3A_98, %swap3A_99], %swap3A_102 {strides = array<i32>} : memref<104x128xf32, #tpu.memory_space<vmem>>, vector<1x16xf32>,
      %broadcast_in_dim3A_103 = arith.constant 0.000000e+00 : f32
      %broadcast_in_dim3A_104 = vector.broadcast %broadcast_in_dim3A_103 : f32 to vector<16xf32>
      %swap3A_105 = arith.index_cast %scan3A_82 : i32 to index
      %swap3A_106 = arith.constant 48 : index
      %swap3A_107 = tpu.vector_load %arg8[%swap3A_105, %swap3A_106] {strides = array<i32>} : memref<104x128xf32, #tpu.memory_space<vmem>>, vector<1x16xf32>,
      %swap3A_108 = vector.shape_cast %swap3A_107 : vector<1x16xf32> to vector<16xf32>
      %swap3A_109 = vector.shape_cast %broadcast_in_dim3A_104 : vector<16xf32> to vector<1x16xf32>
      tpu.vector_store %arg8[%swap3A_105, %swap3A_106], %swap3A_109 {strides = array<i32>} : memref<104x128xf32, #tpu.memory_space<vmem>>, vector<1x16xf32>,
      %broadcast_in_dim3A_110 = arith.constant 0.000000e+00 : f32
      %broadcast_in_dim3A_111 = vector.broadcast %broadcast_in_dim3A_110 : f32 to vector<16xf32>
      %swap3A_112 = arith.index_cast %scan3A_82 : i32 to index
      %swap3A_113 = arith.constant 64 : index
      %swap3A_114 = tpu.vector_load %arg8[%swap3A_112, %swap3A_113] {strides = array<i32>} : memref<104x128xf32, #tpu.memory_space<vmem>>, vector<1x16xf32>,
      %swap3A_115 = vector.shape_cast %swap3A_114 : vector<1x16xf32> to vector<16xf32>
      %swap3A_116 = vector.shape_cast %broadcast_in_dim3A_111 : vector<16xf32> to vector<1x16xf32>
      tpu.vector_store %arg8[%swap3A_112, %swap3A_113], %swap3A_116 {strides = array<i32>} : memref<104x128xf32, #tpu.memory_space<vmem>>, vector<1x16xf32>,
      %broadcast_in_dim3A_117 = arith.constant 0.000000e+00 : f32
      %broadcast_in_dim3A_118 = vector.broadcast %broadcast_in_dim3A_117 : f32 to vector<16xf32>
      %swap3A_119 = arith.index_cast %scan3A_82 : i32 to index
      %swap3A_120 = arith.constant 80 : index
      %swap3A_121 = tpu.vector_load %arg8[%swap3A_119, %swap3A_120] {strides = array<i32>} : memref<104x128xf32, #tpu.memory_space<vmem>>, vector<1x16xf32>,
      %swap3A_122 = vector.shape_cast %swap3A_121 : vector<1x16xf32> to vector<16xf32>
      %swap3A_123 = vector.shape_cast %broadcast_in_dim3A_118 : vector<16xf32> to vector<1x16xf32>
      tpu.vector_store %arg8[%swap3A_119, %swap3A_120], %swap3A_123 {strides = array<i32>} : memref<104x128xf32, #tpu.memory_space<vmem>>, vector<1x16xf32>,
      %broadcast_in_dim3A_124 = arith.constant 0.000000e+00 : f32
      %broadcast_in_dim3A_125 = vector.broadcast %broadcast_in_dim3A_124 : f32 to vector<16xf32>
      %swap3A_126 = arith.index_cast %scan3A_82 : i32 to index
      %swap3A_127 = arith.constant 96 : index
      %swap3A_128 = tpu.vector_load %arg8[%swap3A_126, %swap3A_127] {strides = array<i32>} : memref<104x128xf32, #tpu.memory_space<vmem>>, vector<1x16xf32>,
      %swap3A_129 = vector.shape_cast %swap3A_128 : vector<1x16xf32> to vector<16xf32>
      %swap3A_130 = vector.shape_cast %broadcast_in_dim3A_125 : vector<16xf32> to vector<1x16xf32>
      tpu.vector_store %arg8[%swap3A_126, %swap3A_127], %swap3A_130 {strides = array<i32>} : memref<104x128xf32, #tpu.memory_space<vmem>>, vector<1x16xf32>,
      %broadcast_in_dim3A_131 = arith.constant 0.000000e+00 : f32
      %broadcast_in_dim3A_132 = vector.broadcast %broadcast_in_dim3A_131 : f32 to vector<16xf32>
      %swap3A_133 = arith.index_cast %scan3A_82 : i32 to index
      %swap3A_134 = arith.constant 112 : index
      %swap3A_135 = tpu.vector_load %arg8[%swap3A_133, %swap3A_134] {strides = array<i32>} : memref<104x128xf32, #tpu.memory_space<vmem>>, vector<1x16xf32>,
      %swap3A_136 = vector.shape_cast %swap3A_135 : vector<1x16xf32> to vector<16xf32>
      %swap3A_137 = vector.shape_cast %broadcast_in_dim3A_132 : vector<16xf32> to vector<1x16xf32>
      tpu.vector_store %arg8[%swap3A_133, %swap3A_134], %swap3A_137 {strides = array<i32>} : memref<104x128xf32, #tpu.memory_space<vmem>>, vector<1x16xf32>,
      %scan3A_138 = arith.constant 0 : i32
      scf.yield %scan3A_138 : i32
    }
    %scan3A_10 = arith.constant 104 : i32
    %mul3A_11 = arith.constant 624 : i32
    %mul3A_12 = arith.muli %arg1, %mul3A_11 : i32
    %scan3A_13 = arith.constant 0 : i32
    %scan3A_14 = arith.constant 0 : i32
    %scan3A_15 = arith.constant 6 : i32
    %scan3A_16 = arith.addi %scan3A_14, %scan3A_15 : i32
    %scan3A_17 = arith.constant 1 : i32
    %scan3A_18 = scf.for %scan3A_82 = %scan3A_14 to %scan3A_16 step %scan3A_17 iter_args(%scan3A_83 = %scan3A_13) -> (i32)  : i32 {
      %mul3A_84 = arith.constant 104 : i32
      %mul3A_85 = arith.muli %scan3A_82, %mul3A_84 : i32
      %add3A_86 = arith.addi %mul3A_12, %mul3A_85 : i32
      "tpu.region"() ({
        %run_scoped3A = tpu.sem_alloc : memref<!tpu.dma_semaphore, #tpu.memory_space<semaphore_mem>>
        %dma_start3A_88 = arith.constant 0 : i32
        %dma_start3A_89 = tpu.memref_slice %arg5[%add3A_86, %dma_start3A_88] : memref<10000x128xf32, #tpu.memory_space<vmem_shared>> -> memref<104x128xf32, #tpu.memory_space<vmem_shared>>
        %dma_start3A_90 = arith.constant 0 : i32
        %dma_start3A_91 = tpu.memref_slice %arg5[%add3A_86, %dma_start3A_90] : memref<10000x128xf32, #tpu.memory_space<vmem_shared>> -> memref<104x128xf32, #tpu.memory_space<vmem_shared>>
        tpu.enqueue_dma source(%arg8 : memref<104x128xf32, #tpu.memory_space<vmem>>) target(%dma_start3A_91 : memref<104x128xf32, #tpu.memory_space<vmem_shared>>) target_semaphore(%run_scoped3A : memref<!tpu.dma_semaphore, #tpu.memory_space<semaphore_mem>>)
        %dma_wait3A_92 = arith.constant 0 : i32
        %dma_wait3A_93 = tpu.memref_slice %arg5[%add3A_86, %dma_wait3A_92] : memref<10000x128xf32, #tpu.memory_space<vmem_shared>> -> memref<104x128xf32, #tpu.memory_space<vmem_shared>>
        %dma_wait3A_94 = arith.constant 0 : i32
        %dma_wait3A_95 = tpu.memref_slice %arg5[%add3A_86, %dma_wait3A_94] : memref<10000x128xf32, #tpu.memory_space<vmem_shared>> -> memref<104x128xf32, #tpu.memory_space<vmem_shared>>
        tpu.wait_dma2 semaphore(%run_scoped3A : memref<!tpu.dma_semaphore, #tpu.memory_space<semaphore_mem>>) src(%arg8 : memref<104x128xf32, #tpu.memory_space<vmem>>) dst(%dma_wait3A_95 : memref<104x128xf32, #tpu.memory_space<vmem_shared>>)
        tpu.yield
      }) : () -> ()
      %scan3A_87 = arith.constant 0 : i32
      scf.yield %scan3A_87 : i32
    }
    %scan3A_19 = arith.constant 6 : i32
    %eq3A = arith.constant 15 : i32
    %eq3A_20 = arith.cmpi eq, %arg1, %eq3A : i32
    %convert_element_type3A = arith.extui %eq3A_20 : i1 to i32
    %cond3A = arith.constant 0 : i32
    %cond3A_21 = arith.cmpi ne, %convert_element_type3A, %cond3A : i32
    scf.if %cond3A_21 {
      "tpu.region"() ({
        %run_scoped3A = tpu.sem_alloc : memref<!tpu.dma_semaphore, #tpu.memory_space<semaphore_mem>>
        %dma_start3A_82 = arith.constant 0 : i32
        %dma_start3A_83 = arith.constant 0 : i32
        %dma_start3A_84 = tpu.memref_slice %arg8[%dma_start3A_82, %dma_start3A_83] : memref<104x128xf32, #tpu.memory_space<vmem>> -> memref<16x128xf32, #tpu.memory_space<vmem>>
        %dma_start3A_85 = arith.constant 9984 : i32
        %dma_start3A_86 = arith.constant 0 : i32
        %dma_start3A_87 = tpu.memref_slice %arg5[%dma_start3A_85, %dma_start3A_86] : memref<10000x128xf32, #tpu.memory_space<vmem_shared>> -> memref<16x128xf32, #tpu.memory_space<vmem_shared>>
        %dma_start3A_88 = arith.constant 9984 : i32
        %dma_start3A_89 = arith.constant 0 : i32
        %dma_start3A_90 = tpu.memref_slice %arg5[%dma_start3A_88, %dma_start3A_89] : memref<10000x128xf32, #tpu.memory_space<vmem_shared>> -> memref<16x128xf32, #tpu.memory_space<vmem_shared>>
        %dma_start3A_91 = arith.constant 0 : i32
        %dma_start3A_92 = arith.constant 0 : i32
        %dma_start3A_93 = tpu.memref_slice %arg8[%dma_start3A_91, %dma_start3A_92] : memref<104x128xf32, #tpu.memory_space<vmem>> -> memref<16x128xf32, #tpu.memory_space<vmem>>
        tpu.enqueue_dma source(%dma_start3A_93 : memref<16x128xf32, #tpu.memory_space<vmem>>) target(%dma_start3A_90 : memref<16x128xf32, #tpu.memory_space<vmem_shared>>) target_semaphore(%run_scoped3A : memref<!tpu.dma_semaphore, #tpu.memory_space<semaphore_mem>>)
        %dma_wait3A_94 = arith.constant 0 : i32
        %dma_wait3A_95 = arith.constant 0 : i32
        %dma_wait3A_96 = tpu.memref_slice %arg8[%dma_wait3A_94, %dma_wait3A_95] : memref<104x128xf32, #tpu.memory_space<vmem>> -> memref<16x128xf32, #tpu.memory_space<vmem>>
        %dma_wait3A_97 = arith.constant 9984 : i32
        %dma_wait3A_98 = arith.constant 0 : i32
        %dma_wait3A_99 = tpu.memref_slice %arg5[%dma_wait3A_97, %dma_wait3A_98] : memref<10000x128xf32, #tpu.memory_space<vmem_shared>> -> memref<16x128xf32, #tpu.memory_space<vmem_shared>>
        %dma_wait3A_100 = arith.constant 9984 : i32
        %dma_wait3A_101 = arith.constant 0 : i32
        %dma_wait3A_102 = tpu.memref_slice %arg5[%dma_wait3A_100, %dma_wait3A_101] : memref<10000x128xf32, #tpu.memory_space<vmem_shared>> -> memref<16x128xf32, #tpu.memory_space<vmem_shared>>
        %dma_wait3A_103 = arith.constant 0 : i32
        %dma_wait3A_104 = arith.constant 0 : i32
        %dma_wait3A_105 = tpu.memref_slice %arg8[%dma_wait3A_103, %dma_wait3A_104] : memref<104x128xf32, #tpu.memory_space<vmem>> -> memref<16x128xf32, #tpu.memory_space<vmem>>
        tpu.wait_dma2 semaphore(%run_scoped3A : memref<!tpu.dma_semaphore, #tpu.memory_space<semaphore_mem>>) src(%dma_wait3A_105 : memref<16x128xf32, #tpu.memory_space<vmem>>) dst(%dma_wait3A_102 : memref<16x128xf32, #tpu.memory_space<vmem_shared>>)
        tpu.yield
      }) : () -> ()
    } else {
    }
    %barrier3A = arith.constant 0 : index
    tpu.barrier barrier_id(%barrier3A)
    %add3A_22 = arith.constant 0 : i32
    %add3A_23 = arith.addi %mul3A_2, %add3A_22 : i32
    %dma_start3A = tpu.memref_slice %arg3[%add3A_23] : memref<640000xi32, #tpu.memory_space<hbm>> -> memref<128xi32, #tpu.memory_space<hbm>>
    %dma_start3A_24 = tpu.memref_slice %arg3[%add3A_23] : memref<640000xi32, #tpu.memory_space<hbm>> -> memref<128xi32, #tpu.memory_space<hbm>>
    tpu.enqueue_dma source(%dma_start3A_24 : memref<128xi32, #tpu.memory_space<hbm>>) target(%arg9 : memref<128xi32, #tpu.memory_space<vmem>>) target_semaphore(%arg17 : memref<!tpu.dma_semaphore, #tpu.memory_space<semaphore_mem>>)
    %add3A_25 = arith.constant 0 : i32
    %add3A_26 = arith.addi %add3A_4, %add3A_25 : i32
    %dma_start3A_27 = tpu.memref_slice %arg3[%add3A_26] : memref<640000xi32, #tpu.memory_space<hbm>> -> memref<128xi32, #tpu.memory_space<hbm>>
    %dma_start3A_28 = tpu.memref_slice %arg3[%add3A_26] : memref<640000xi32, #tpu.memory_space<hbm>> -> memref<128xi32, #tpu.memory_space<hbm>>
    tpu.enqueue_dma source(%dma_start3A_28 : memref<128xi32, #tpu.memory_space<hbm>>) target(%arg11 : memref<128xi32, #tpu.memory_space<vmem>>) target_semaphore(%arg17 : memref<!tpu.dma_semaphore, #tpu.memory_space<semaphore_mem>>)
    %add3A_29 = arith.constant 128 : i32
    %add3A_30 = arith.addi %mul3A_2, %add3A_29 : i32
    %dma_start3A_31 = tpu.memref_slice %arg3[%add3A_30] : memref<640000xi32, #tpu.memory_space<hbm>> -> memref<128xi32, #tpu.memory_space<hbm>>
    %dma_start3A_32 = tpu.memref_slice %arg3[%add3A_30] : memref<640000xi32, #tpu.memory_space<hbm>> -> memref<128xi32, #tpu.memory_space<hbm>>
    tpu.enqueue_dma source(%dma_start3A_32 : memref<128xi32, #tpu.memory_space<hbm>>) target(%arg10 : memref<128xi32, #tpu.memory_space<vmem>>) target_semaphore(%arg18 : memref<!tpu.dma_semaphore, #tpu.memory_space<semaphore_mem>>)
    %add3A_33 = arith.constant 128 : i32
    %add3A_34 = arith.addi %add3A_4, %add3A_33 : i32
    %dma_start3A_35 = tpu.memref_slice %arg3[%add3A_34] : memref<640000xi32, #tpu.memory_space<hbm>> -> memref<128xi32, #tpu.memory_space<hbm>>
    %dma_start3A_36 = tpu.memref_slice %arg3[%add3A_34] : memref<640000xi32, #tpu.memory_space<hbm>> -> memref<128xi32, #tpu.memory_space<hbm>>
    tpu.enqueue_dma source(%dma_start3A_36 : memref<128xi32, #tpu.memory_space<hbm>>) target(%arg12 : memref<128xi32, #tpu.memory_space<vmem>>) target_semaphore(%arg18 : memref<!tpu.dma_semaphore, #tpu.memory_space<semaphore_mem>>)
    %add3A_37 = arith.constant 0 : i32
    %add3A_38 = arith.addi %mul3A_2, %add3A_37 : i32
    %dma_wait3A = tpu.memref_slice %arg3[%add3A_38] : memref<640000xi32, #tpu.memory_space<hbm>> -> memref<128xi32, #tpu.memory_space<hbm>>
    %dma_wait3A_39 = tpu.memref_slice %arg3[%add3A_38] : memref<640000xi32, #tpu.memory_space<hbm>> -> memref<128xi32, #tpu.memory_space<hbm>>
    tpu.wait_dma2 semaphore(%arg17 : memref<!tpu.dma_semaphore, #tpu.memory_space<semaphore_mem>>) src(%dma_wait3A_39 : memref<128xi32, #tpu.memory_space<hbm>>) dst(%arg9 : memref<128xi32, #tpu.memory_space<vmem>>)
    %add3A_40 = arith.constant 0 : i32
    %add3A_41 = arith.addi %add3A_4, %add3A_40 : i32
    %dma_wait3A_42 = tpu.memref_slice %arg3[%add3A_41] : memref<640000xi32, #tpu.memory_space<hbm>> -> memref<128xi32, #tpu.memory_space<hbm>>
    %dma_wait3A_43 = tpu.memref_slice %arg3[%add3A_41] : memref<640000xi32, #tpu.memory_space<hbm>> -> memref<128xi32, #tpu.memory_space<hbm>>
    tpu.wait_dma2 semaphore(%arg17 : memref<!tpu.dma_semaphore, #tpu.memory_space<semaphore_mem>>) src(%dma_wait3A_43 : memref<128xi32, #tpu.memory_space<hbm>>) dst(%arg11 : memref<128xi32, #tpu.memory_space<vmem>>)
    %dma_start3A_44 = arith.constant 0 : i32
    %dma_start3A_45 = arith.constant 0 : i32
    %dma_start3A_46 = tpu.memref_slice %arg2[%dma_start3A_44, %dma_start3A_45] : memref<10000x128xf32, #tpu.memory_space<hbm>> -> memref<10000x128xf32, #tpu.memory_space<hbm>>
    tpu.enqueue_indirect_dma source(%dma_start3A_46 : memref<10000x128xf32, #tpu.memory_space<hbm>>) target(%arg6 : memref<128x128xf32, #tpu.memory_space<vmem>>) offsets(%arg9 : memref<128xi32, #tpu.memory_space<vmem>>) semaphore(%arg15 : memref<!tpu.dma_semaphore, #tpu.memory_space<semaphore_mem>>)
    %scan3A_47 = arith.constant 0 : i32
    %scan3A_48 = arith.constant 0 : i32
    %scan3A_49 = arith.constant 39 : i32
    %scan3A_50 = arith.addi %scan3A_48, %scan3A_49 : i32
    %scan3A_51 = arith.constant 1 : i32
    %scan3A_52 = scf.for %scan3A_82 = %scan3A_48 to %scan3A_50 step %scan3A_51 iter_args(%scan3A_83 = %scan3A_47) -> (i32)  : i32 {
      %mul3A_84 = arith.constant 2 : i32
      %mul3A_85 = arith.muli %mul3A_84, %scan3A_82 : i32
      %add3A_86 = arith.constant 1 : i32
      %add3A_87 = arith.addi %mul3A_85, %add3A_86 : i32
      %mul3A_88 = arith.constant 128 : i32
      %mul3A_89 = arith.muli %add3A_87, %mul3A_88 : i32
      %add3A_90 = arith.addi %mul3A_2, %mul3A_89 : i32
      %dma_wait3A_91 = tpu.memref_slice %arg3[%add3A_90] : memref<640000xi32, #tpu.memory_space<hbm>> -> memref<128xi32, #tpu.memory_space<hbm>>
      %dma_wait3A_92 = tpu.memref_slice %arg3[%add3A_90] : memref<640000xi32, #tpu.memory_space<hbm>> -> memref<128xi32, #tpu.memory_space<hbm>>
      tpu.wait_dma2 semaphore(%arg18 : memref<!tpu.dma_semaphore, #tpu.memory_space<semaphore_mem>>) src(%dma_wait3A_92 : memref<128xi32, #tpu.memory_space<hbm>>) dst(%arg10 : memref<128xi32, #tpu.memory_space<vmem>>)
      %mul3A_93 = arith.constant 128 : i32
      %mul3A_94 = arith.muli %add3A_87, %mul3A_93 : i32
      %add3A_95 = arith.addi %add3A_4, %mul3A_94 : i32
      %dma_wait3A_96 = tpu.memref_slice %arg3[%add3A_95] : memref<640000xi32, #tpu.memory_space<hbm>> -> memref<128xi32, #tpu.memory_space<hbm>>
      %dma_wait3A_97 = tpu.memref_slice %arg3[%add3A_95] : memref<640000xi32, #tpu.memory_space<hbm>> -> memref<128xi32, #tpu.memory_space<hbm>>
      tpu.wait_dma2 semaphore(%arg18 : memref<!tpu.dma_semaphore, #tpu.memory_space<semaphore_mem>>) src(%dma_wait3A_97 : memref<128xi32, #tpu.memory_space<hbm>>) dst(%arg12 : memref<128xi32, #tpu.memory_space<vmem>>)
      %dma_start3A_98 = arith.constant 0 : i32
      %dma_start3A_99 = arith.constant 0 : i32
      %dma_start3A_100 = tpu.memref_slice %arg2[%dma_start3A_98, %dma_start3A_99] : memref<10000x128xf32, #tpu.memory_space<hbm>> -> memref<10000x128xf32, #tpu.memory_space<hbm>>
      tpu.enqueue_indirect_dma source(%dma_start3A_100 : memref<10000x128xf32, #tpu.memory_space<hbm>>) target(%arg7 : memref<128x128xf32, #tpu.memory_space<vmem>>) offsets(%arg10 : memref<128xi32, #tpu.memory_space<vmem>>) semaphore(%arg16 : memref<!tpu.dma_semaphore, #tpu.memory_space<semaphore_mem>>)
      %dma_wait3A_101 = arith.constant 0 : i32
      %dma_wait3A_102 = arith.constant 0 : i32
      %dma_wait3A_103 = tpu.memref_slice %arg2[%dma_wait3A_101, %dma_wait3A_102] : memref<10000x128xf32, #tpu.memory_space<hbm>> -> memref<10000x128xf32, #tpu.memory_space<hbm>>
      tpu.wait_indirect_dma semaphore(%arg15 : memref<!tpu.dma_semaphore, #tpu.memory_space<semaphore_mem>>) src(%dma_wait3A_103 : memref<10000x128xf32, #tpu.memory_space<hbm>>) dst(%arg6 : memref<128x128xf32, #tpu.memory_space<vmem>>)
      %dma_start3A_104 = arith.constant 0 : i32
      %dma_start3A_105 = arith.constant 0 : i32
      %dma_start3A_106 = tpu.memref_slice %arg5[%dma_start3A_104, %dma_start3A_105] : memref<10000x128xf32, #tpu.memory_space<vmem_shared>> -> memref<10000x128xf32, #tpu.memory_space<vmem_shared>>
      tpu.enqueue_indirect_dma source(%arg6 : memref<128x128xf32, #tpu.memory_space<vmem>>) target(%dma_start3A_106 : memref<10000x128xf32, #tpu.memory_space<vmem_shared>>) offsets(%arg11 : memref<128xi32, #tpu.memory_space<vmem>>) semaphore(%arg19 : memref<!tpu.dma_semaphore, #tpu.memory_space<semaphore_mem>>) {add = true}
      %add3A_107 = arith.constant 1 : i32
      %add3A_108 = arith.addi %scan3A_82, %add3A_107 : i32
      %lt3A = arith.constant 39 : i32
      %lt3A_109 = arith.cmpi slt, %add3A_108, %lt3A : i32
      %convert_element_type3A_110 = arith.extui %lt3A_109 : i1 to i32
      %cond3A_111 = arith.constant 0 : i32
      %cond3A_112 = arith.cmpi ne, %convert_element_type3A_110, %cond3A_111 : i32
      scf.if %cond3A_112 {
        %dma_wait3A_127 = arith.constant 0 : i32
        %dma_wait3A_128 = arith.constant 0 : i32
        %dma_wait3A_129 = tpu.memref_slice %arg5[%dma_wait3A_127, %dma_wait3A_128] : memref<10000x128xf32, #tpu.memory_space<vmem_shared>> -> memref<10000x128xf32, #tpu.memory_space<vmem_shared>>
        tpu.wait_indirect_dma semaphore(%arg19 : memref<!tpu.dma_semaphore, #tpu.memory_space<semaphore_mem>>) src(%arg6 : memref<128x128xf32, #tpu.memory_space<vmem>>) dst(%dma_wait3A_129 : memref<10000x128xf32, #tpu.memory_space<vmem_shared>>)
        %add3A_130 = arith.constant 2 : i32
        %add3A_131 = arith.addi %mul3A_85, %add3A_130 : i32
        %mul3A_132 = arith.constant 128 : i32
        %mul3A_133 = arith.muli %add3A_131, %mul3A_132 : i32
        %add3A_134 = arith.addi %mul3A_2, %mul3A_133 : i32
        %dma_start3A_135 = tpu.memref_slice %arg3[%add3A_134] : memref<640000xi32, #tpu.memory_space<hbm>> -> memref<128xi32, #tpu.memory_space<hbm>>
        %dma_start3A_136 = tpu.memref_slice %arg3[%add3A_134] : memref<640000xi32, #tpu.memory_space<hbm>> -> memref<128xi32, #tpu.memory_space<hbm>>
        tpu.enqueue_dma source(%dma_start3A_136 : memref<128xi32, #tpu.memory_space<hbm>>) target(%arg9 : memref<128xi32, #tpu.memory_space<vmem>>) target_semaphore(%arg17 : memref<!tpu.dma_semaphore, #tpu.memory_space<semaphore_mem>>)
        %mul3A_137 = arith.constant 128 : i32
        %mul3A_138 = arith.muli %add3A_131, %mul3A_137 : i32
        %add3A_139 = arith.addi %add3A_4, %mul3A_138 : i32
        %dma_start3A_140 = tpu.memref_slice %arg3[%add3A_139] : memref<640000xi32, #tpu.memory_space<hbm>> -> memref<128xi32, #tpu.memory_space<hbm>>
        %dma_start3A_141 = tpu.memref_slice %arg3[%add3A_139] : memref<640000xi32, #tpu.memory_space<hbm>> -> memref<128xi32, #tpu.memory_space<hbm>>
        tpu.enqueue_dma source(%dma_start3A_141 : memref<128xi32, #tpu.memory_space<hbm>>) target(%arg11 : memref<128xi32, #tpu.memory_space<vmem>>) target_semaphore(%arg17 : memref<!tpu.dma_semaphore, #tpu.memory_space<semaphore_mem>>)
        %add3A_142 = arith.constant 2 : i32
        %add3A_143 = arith.addi %mul3A_85, %add3A_142 : i32
        %mul3A_144 = arith.constant 128 : i32
        %mul3A_145 = arith.muli %add3A_143, %mul3A_144 : i32
        %add3A_146 = arith.addi %mul3A_2, %mul3A_145 : i32
        %dma_wait3A_147 = tpu.memref_slice %arg3[%add3A_146] : memref<640000xi32, #tpu.memory_space<hbm>> -> memref<128xi32, #tpu.memory_space<hbm>>
        %dma_wait3A_148 = tpu.memref_slice %arg3[%add3A_146] : memref<640000xi32, #tpu.memory_space<hbm>> -> memref<128xi32, #tpu.memory_space<hbm>>
        tpu.wait_dma2 semaphore(%arg17 : memref<!tpu.dma_semaphore, #tpu.memory_space<semaphore_mem>>) src(%dma_wait3A_148 : memref<128xi32, #tpu.memory_space<hbm>>) dst(%arg9 : memref<128xi32, #tpu.memory_space<vmem>>)
        %mul3A_149 = arith.constant 128 : i32
        %mul3A_150 = arith.muli %add3A_143, %mul3A_149 : i32
        %add3A_151 = arith.addi %add3A_4, %mul3A_150 : i32
        %dma_wait3A_152 = tpu.memref_slice %arg3[%add3A_151] : memref<640000xi32, #tpu.memory_space<hbm>> -> memref<128xi32, #tpu.memory_space<hbm>>
        %dma_wait3A_153 = tpu.memref_slice %arg3[%add3A_151] : memref<640000xi32, #tpu.memory_space<hbm>> -> memref<128xi32, #tpu.memory_space<hbm>>
        tpu.wait_dma2 semaphore(%arg17 : memref<!tpu.dma_semaphore, #tpu.memory_space<semaphore_mem>>) src(%dma_wait3A_153 : memref<128xi32, #tpu.memory_space<hbm>>) dst(%arg11 : memref<128xi32, #tpu.memory_space<vmem>>)
        %dma_start3A_154 = arith.constant 0 : i32
        %dma_start3A_155 = arith.constant 0 : i32
        %dma_start3A_156 = tpu.memref_slice %arg2[%dma_start3A_154, %dma_start3A_155] : memref<10000x128xf32, #tpu.memory_space<hbm>> -> memref<10000x128xf32, #tpu.memory_space<hbm>>
        tpu.enqueue_indirect_dma source(%dma_start3A_156 : memref<10000x128xf32, #tpu.memory_space<hbm>>) target(%arg6 : memref<128x128xf32, #tpu.memory_space<vmem>>) offsets(%arg9 : memref<128xi32, #tpu.memory_space<vmem>>) semaphore(%arg15 : memref<!tpu.dma_semaphore, #tpu.memory_space<semaphore_mem>>)
      } else {
      }
      %dma_wait3A_113 = arith.constant 0 : i32
      %dma_wait3A_114 = arith.constant 0 : i32
      %dma_wait3A_115 = tpu.memref_slice %arg2[%dma_wait3A_113, %dma_wait3A_114] : memref<10000x128xf32, #tpu.memory_space<hbm>> -> memref<10000x128xf32, #tpu.memory_space<hbm>>
      tpu.wait_indirect_dma semaphore(%arg16 : memref<!tpu.dma_semaphore, #tpu.memory_space<semaphore_mem>>) src(%dma_wait3A_115 : memref<10000x128xf32, #tpu.memory_space<hbm>>) dst(%arg7 : memref<128x128xf32, #tpu.memory_space<vmem>>)
      %dma_start3A_116 = arith.constant 0 : i32
      %dma_start3A_117 = arith.constant 0 : i32
      %dma_start3A_118 = tpu.memref_slice %arg5[%dma_start3A_116, %dma_start3A_117] : memref<10000x128xf32, #tpu.memory_space<vmem_shared>> -> memref<10000x128xf32, #tpu.memory_space<vmem_shared>>
      tpu.enqueue_indirect_dma source(%arg7 : memref<128x128xf32, #tpu.memory_space<vmem>>) target(%dma_start3A_118 : memref<10000x128xf32, #tpu.memory_space<vmem_shared>>) offsets(%arg12 : memref<128xi32, #tpu.memory_space<vmem>>) semaphore(%arg20 : memref<!tpu.dma_semaphore, #tpu.memory_space<semaphore_mem>>) {add = true}
      %add3A_119 = arith.constant 1 : i32
      %add3A_120 = arith.addi %scan3A_82, %add3A_119 : i32
      %lt3A_121 = arith.constant 39 : i32
      %lt3A_122 = arith.cmpi slt, %add3A_120, %lt3A_121 : i32
      %convert_element_type3A_123 = arith.extui %lt3A_122 : i1 to i32
      %cond3A_124 = arith.constant 0 : i32
      %cond3A_125 = arith.cmpi ne, %convert_element_type3A_123, %cond3A_124 : i32
      scf.if %cond3A_125 {
        %dma_wait3A_127 = arith.constant 0 : i32
        %dma_wait3A_128 = arith.constant 0 : i32
        %dma_wait3A_129 = tpu.memref_slice %arg5[%dma_wait3A_127, %dma_wait3A_128] : memref<10000x128xf32, #tpu.memory_space<vmem_shared>> -> memref<10000x128xf32, #tpu.memory_space<vmem_shared>>
        tpu.wait_indirect_dma semaphore(%arg20 : memref<!tpu.dma_semaphore, #tpu.memory_space<semaphore_mem>>) src(%arg7 : memref<128x128xf32, #tpu.memory_space<vmem>>) dst(%dma_wait3A_129 : memref<10000x128xf32, #tpu.memory_space<vmem_shared>>)
        %add3A_130 = arith.constant 3 : i32
        %add3A_131 = arith.addi %mul3A_85, %add3A_130 : i32
        %mul3A_132 = arith.constant 128 : i32
        %mul3A_133 = arith.muli %add3A_131, %mul3A_132 : i32
        %add3A_134 = arith.addi %mul3A_2, %mul3A_133 : i32
        %dma_start3A_135 = tpu.memref_slice %arg3[%add3A_134] : memref<640000xi32, #tpu.memory_space<hbm>> -> memref<128xi32, #tpu.memory_space<hbm>>
        %dma_start3A_136 = tpu.memref_slice %arg3[%add3A_134] : memref<640000xi32, #tpu.memory_space<hbm>> -> memref<128xi32, #tpu.memory_space<hbm>>
        tpu.enqueue_dma source(%dma_start3A_136 : memref<128xi32, #tpu.memory_space<hbm>>) target(%arg10 : memref<128xi32, #tpu.memory_space<vmem>>) target_semaphore(%arg18 : memref<!tpu.dma_semaphore, #tpu.memory_space<semaphore_mem>>)
        %mul3A_137 = arith.constant 128 : i32
        %mul3A_138 = arith.muli %add3A_131, %mul3A_137 : i32
        %add3A_139 = arith.addi %add3A_4, %mul3A_138 : i32
        %dma_start3A_140 = tpu.memref_slice %arg3[%add3A_139] : memref<640000xi32, #tpu.memory_space<hbm>> -> memref<128xi32, #tpu.memory_space<hbm>>
        %dma_start3A_141 = tpu.memref_slice %arg3[%add3A_139] : memref<640000xi32, #tpu.memory_space<hbm>> -> memref<128xi32, #tpu.memory_space<hbm>>
        tpu.enqueue_dma source(%dma_start3A_141 : memref<128xi32, #tpu.memory_space<hbm>>) target(%arg12 : memref<128xi32, #tpu.memory_space<vmem>>) target_semaphore(%arg18 : memref<!tpu.dma_semaphore, #tpu.memory_space<semaphore_mem>>)
      } else {
      }
      %scan3A_126 = arith.constant 0 : i32
      scf.yield %scan3A_126 : i32
    }
    %scan3A_53 = arith.constant 39 : i32
    %dma_wait3A_54 = arith.constant 0 : i32
    %dma_wait3A_55 = arith.constant 0 : i32
    %dma_wait3A_56 = tpu.memref_slice %arg5[%dma_wait3A_54, %dma_wait3A_55] : memref<10000x128xf32, #tpu.memory_space<vmem_shared>> -> memref<10000x128xf32, #tpu.memory_space<vmem_shared>>
    tpu.wait_indirect_dma semaphore(%arg19 : memref<!tpu.dma_semaphore, #tpu.memory_space<semaphore_mem>>) src(%arg6 : memref<128x128xf32, #tpu.memory_space<vmem>>) dst(%dma_wait3A_56 : memref<10000x128xf32, #tpu.memory_space<vmem_shared>>)
    %dma_wait3A_57 = arith.constant 0 : i32
    %dma_wait3A_58 = arith.constant 0 : i32
    %dma_wait3A_59 = tpu.memref_slice %arg5[%dma_wait3A_57, %dma_wait3A_58] : memref<10000x128xf32, #tpu.memory_space<vmem_shared>> -> memref<10000x128xf32, #tpu.memory_space<vmem_shared>>
    tpu.wait_indirect_dma semaphore(%arg20 : memref<!tpu.dma_semaphore, #tpu.memory_space<semaphore_mem>>) src(%arg7 : memref<128x128xf32, #tpu.memory_space<vmem>>) dst(%dma_wait3A_59 : memref<10000x128xf32, #tpu.memory_space<vmem_shared>>)
    %add3A_60 = arith.constant 9984 : i32
    %add3A_61 = arith.addi %mul3A_2, %add3A_60 : i32
    "tpu.region"() ({
      %run_scoped3A = tpu.sem_alloc : memref<!tpu.dma_semaphore, #tpu.memory_space<semaphore_mem>>
      %dma_start3A_82 = tpu.memref_slice %arg3[%add3A_61] : memref<640000xi32, #tpu.memory_space<hbm>> -> memref<16xi32, #tpu.memory_space<hbm>>
      %dma_start3A_83 = tpu.memref_slice %arg3[%add3A_61] : memref<640000xi32, #tpu.memory_space<hbm>> -> memref<16xi32, #tpu.memory_space<hbm>>
      tpu.enqueue_dma source(%dma_start3A_83 : memref<16xi32, #tpu.memory_space<hbm>>) target(%arg13 : memref<16xi32, #tpu.memory_space<vmem>>) target_semaphore(%run_scoped3A : memref<!tpu.dma_semaphore, #tpu.memory_space<semaphore_mem>>)
      %dma_wait3A_84 = tpu.memref_slice %arg3[%add3A_61] : memref<640000xi32, #tpu.memory_space<hbm>> -> memref<16xi32, #tpu.memory_space<hbm>>
      %dma_wait3A_85 = tpu.memref_slice %arg3[%add3A_61] : memref<640000xi32, #tpu.memory_space<hbm>> -> memref<16xi32, #tpu.memory_space<hbm>>
      tpu.wait_dma2 semaphore(%run_scoped3A : memref<!tpu.dma_semaphore, #tpu.memory_space<semaphore_mem>>) src(%dma_wait3A_85 : memref<16xi32, #tpu.memory_space<hbm>>) dst(%arg13 : memref<16xi32, #tpu.memory_space<vmem>>)
      tpu.yield
    }) : () -> ()
    %add3A_62 = arith.constant 9984 : i32
    %add3A_63 = arith.addi %add3A_4, %add3A_62 : i32
    "tpu.region"() ({
      %run_scoped3A = tpu.sem_alloc : memref<!tpu.dma_semaphore, #tpu.memory_space<semaphore_mem>>
      %dma_start3A_82 = tpu.memref_slice %arg3[%add3A_63] : memref<640000xi32, #tpu.memory_space<hbm>> -> memref<16xi32, #tpu.memory_space<hbm>>
      %dma_start3A_83 = tpu.memref_slice %arg3[%add3A_63] : memref<640000xi32, #tpu.memory_space<hbm>> -> memref<16xi32, #tpu.memory_space<hbm>>
      tpu.enqueue_dma source(%dma_start3A_83 : memref<16xi32, #tpu.memory_space<hbm>>) target(%arg14 : memref<16xi32, #tpu.memory_space<vmem>>) target_semaphore(%run_scoped3A : memref<!tpu.dma_semaphore, #tpu.memory_space<semaphore_mem>>)
      %dma_wait3A_84 = tpu.memref_slice %arg3[%add3A_63] : memref<640000xi32, #tpu.memory_space<hbm>> -> memref<16xi32, #tpu.memory_space<hbm>>
      %dma_wait3A_85 = tpu.memref_slice %arg3[%add3A_63] : memref<640000xi32, #tpu.memory_space<hbm>> -> memref<16xi32, #tpu.memory_space<hbm>>
      tpu.wait_dma2 semaphore(%run_scoped3A : memref<!tpu.dma_semaphore, #tpu.memory_space<semaphore_mem>>) src(%dma_wait3A_85 : memref<16xi32, #tpu.memory_space<hbm>>) dst(%arg14 : memref<16xi32, #tpu.memory_space<vmem>>)
      tpu.yield
    }) : () -> ()
    %dma_start3A_64 = arith.constant 0 : i32
    %dma_start3A_65 = arith.constant 0 : i32
    %dma_start3A_66 = tpu.memref_slice %arg6[%dma_start3A_64, %dma_start3A_65] : memref<128x128xf32, #tpu.memory_space<vmem>> -> memref<16x128xf32, #tpu.memory_space<vmem>>
    %dma_start3A_67 = arith.constant 0 : i32
    %dma_start3A_68 = arith.constant 0 : i32
    %dma_start3A_69 = tpu.memref_slice %arg2[%dma_start3A_67, %dma_start3A_68] : memref<10000x128xf32, #tpu.memory_space<hbm>> -> memref<10000x128xf32, #tpu.memory_space<hbm>>
    tpu.enqueue_indirect_dma source(%dma_start3A_69 : memref<10000x128xf32, #tpu.memory_space<hbm>>) target(%dma_start3A_66 : memref<16x128xf32, #tpu.memory_space<vmem>>) offsets(%arg13 : memref<16xi32, #tpu.memory_space<vmem>>) semaphore(%arg15 : memref<!tpu.dma_semaphore, #tpu.memory_space<semaphore_mem>>)
    %dma_wait3A_70 = arith.constant 0 : i32
    %dma_wait3A_71 = arith.constant 0 : i32
    %dma_wait3A_72 = tpu.memref_slice %arg6[%dma_wait3A_70, %dma_wait3A_71] : memref<128x128xf32, #tpu.memory_space<vmem>> -> memref<16x128xf32, #tpu.memory_space<vmem>>
    %dma_wait3A_73 = arith.constant 0 : i32
    %dma_wait3A_74 = arith.constant 0 : i32
    %dma_wait3A_75 = tpu.memref_slice %arg2[%dma_wait3A_73, %dma_wait3A_74] : memref<10000x128xf32, #tpu.memory_space<hbm>> -> memref<10000x128xf32, #tpu.memory_space<hbm>>
    tpu.wait_indirect_dma semaphore(%arg15 : memref<!tpu.dma_semaphore, #tpu.memory_space<semaphore_mem>>) src(%dma_wait3A_75 : memref<10000x128xf32, #tpu.memory_space<hbm>>) dst(%dma_wait3A_72 : memref<16x128xf32, #tpu.memory_space<vmem>>)
    "tpu.region"() ({
      %run_scoped3A = tpu.sem_alloc : memref<!tpu.dma_semaphore, #tpu.memory_space<semaphore_mem>>
      %dma_start3A_82 = arith.constant 0 : i32
      %dma_start3A_83 = arith.constant 0 : i32
      %dma_start3A_84 = tpu.memref_slice %arg6[%dma_start3A_82, %dma_start3A_83] : memref<128x128xf32, #tpu.memory_space<vmem>> -> memref<16x128xf32, #tpu.memory_space<vmem>>
      %dma_start3A_85 = arith.constant 0 : i32
      %dma_start3A_86 = arith.constant 0 : i32
      %dma_start3A_87 = tpu.memref_slice %arg5[%dma_start3A_85, %dma_start3A_86] : memref<10000x128xf32, #tpu.memory_space<vmem_shared>> -> memref<10000x128xf32, #tpu.memory_space<vmem_shared>>
      tpu.enqueue_indirect_dma source(%dma_start3A_84 : memref<16x128xf32, #tpu.memory_space<vmem>>) target(%dma_start3A_87 : memref<10000x128xf32, #tpu.memory_space<vmem_shared>>) offsets(%arg14 : memref<16xi32, #tpu.memory_space<vmem>>) semaphore(%run_scoped3A : memref<!tpu.dma_semaphore, #tpu.memory_space<semaphore_mem>>) {add = true}
      %dma_wait3A_88 = arith.constant 0 : i32
      %dma_wait3A_89 = arith.constant 0 : i32
      %dma_wait3A_90 = tpu.memref_slice %arg6[%dma_wait3A_88, %dma_wait3A_89] : memref<128x128xf32, #tpu.memory_space<vmem>> -> memref<16x128xf32, #tpu.memory_space<vmem>>
      %dma_wait3A_91 = arith.constant 0 : i32
      %dma_wait3A_92 = arith.constant 0 : i32
      %dma_wait3A_93 = tpu.memref_slice %arg5[%dma_wait3A_91, %dma_wait3A_92] : memref<10000x128xf32, #tpu.memory_space<vmem_shared>> -> memref<10000x128xf32, #tpu.memory_space<vmem_shared>>
      tpu.wait_indirect_dma semaphore(%run_scoped3A : memref<!tpu.dma_semaphore, #tpu.memory_space<semaphore_mem>>) src(%dma_wait3A_90 : memref<16x128xf32, #tpu.memory_space<vmem>>) dst(%dma_wait3A_93 : memref<10000x128xf32, #tpu.memory_space<vmem_shared>>)
      tpu.yield
    }) : () -> ()
    %barrier3A_76 = arith.constant 0 : index
    tpu.barrier barrier_id(%barrier3A_76)
    "tpu.region"() ({
      %run_scoped3A = tpu.sem_alloc : memref<!tpu.dma_semaphore, #tpu.memory_space<semaphore_mem>>
      %dma_start3A_82 = arith.constant 0 : i32
      %dma_start3A_83 = tpu.memref_slice %arg4[%arg0, %mul3A_12, %dma_start3A_82] : memref<2x10000x128xf32, #tpu.memory_space<hbm>> -> memref<1x624x128xf32, #tpu.memory_space<hbm>>
      %dma_start3A_84 = tpu.memref_squeeze %dma_start3A_83 : memref<1x624x128xf32, #tpu.memory_space<hbm>> -> memref<624x128xf32, #tpu.memory_space<hbm>>
      %dma_start3A_85 = arith.constant 0 : i32
      %dma_start3A_86 = tpu.memref_slice %arg5[%mul3A_12, %dma_start3A_85] : memref<10000x128xf32, #tpu.memory_space<vmem_shared>> -> memref<624x128xf32, #tpu.memory_space<vmem_shared>>
      tpu.enqueue_dma source(%dma_start3A_86 : memref<624x128xf32, #tpu.memory_space<vmem_shared>>) target(%dma_start3A_84 : memref<624x128xf32, #tpu.memory_space<hbm>>) target_semaphore(%run_scoped3A : memref<!tpu.dma_semaphore, #tpu.memory_space<semaphore_mem>>)
      %dma_wait3A_87 = arith.constant 0 : i32
      %dma_wait3A_88 = tpu.memref_slice %arg4[%arg0, %mul3A_12, %dma_wait3A_87] : memref<2x10000x128xf32, #tpu.memory_space<hbm>> -> memref<1x624x128xf32, #tpu.memory_space<hbm>>
      %dma_wait3A_89 = tpu.memref_squeeze %dma_wait3A_88 : memref<1x624x128xf32, #tpu.memory_space<hbm>> -> memref<624x128xf32, #tpu.memory_space<hbm>>
      %dma_wait3A_90 = arith.constant 0 : i32
      %dma_wait3A_91 = tpu.memref_slice %arg5[%mul3A_12, %dma_wait3A_90] : memref<10000x128xf32, #tpu.memory_space<vmem_shared>> -> memref<624x128xf32, #tpu.memory_space<vmem_shared>>
      tpu.wait_dma2 semaphore(%run_scoped3A : memref<!tpu.dma_semaphore, #tpu.memory_space<semaphore_mem>>) src(%dma_wait3A_91 : memref<624x128xf32, #tpu.memory_space<vmem_shared>>) dst(%dma_wait3A_89 : memref<624x128xf32, #tpu.memory_space<hbm>>)
      tpu.yield
    }) : () -> ()
    %eq3A_77 = arith.constant 15 : i32
    %eq3A_78 = arith.cmpi eq, %arg1, %eq3A_77 : i32
    %convert_element_type3A_79 = arith.extui %eq3A_78 : i1 to i32
    %cond3A_80 = arith.constant 0 : i32
    %cond3A_81 = arith.cmpi ne, %convert_element_type3A_79, %cond3A_80 : i32
    scf.if %cond3A_81 {
      "tpu.region"() ({
        %run_scoped3A = tpu.sem_alloc : memref<!tpu.dma_semaphore, #tpu.memory_space<semaphore_mem>>
        %dma_start3A_82 = arith.constant 9984 : i32
        %dma_start3A_83 = arith.constant 0 : i32
        %dma_start3A_84 = tpu.memref_slice %arg4[%arg0, %dma_start3A_82, %dma_start3A_83] : memref<2x10000x128xf32, #tpu.memory_space<hbm>> -> memref<1x16x128xf32, #tpu.memory_space<hbm>>
        %dma_start3A_85 = tpu.memref_squeeze %dma_start3A_84 : memref<1x16x128xf32, #tpu.memory_space<hbm>> -> memref<16x128xf32, #tpu.memory_space<hbm>>
        %dma_start3A_86 = arith.constant 9984 : i32
        %dma_start3A_87 = arith.constant 0 : i32
        %dma_start3A_88 = tpu.memref_slice %arg5[%dma_start3A_86, %dma_start3A_87] : memref<10000x128xf32, #tpu.memory_space<vmem_shared>> -> memref<16x128xf32, #tpu.memory_space<vmem_shared>>
        tpu.enqueue_dma source(%dma_start3A_88 : memref<16x128xf32, #tpu.memory_space<vmem_shared>>) target(%dma_start3A_85 : memref<16x128xf32, #tpu.memory_space<hbm>>) target_semaphore(%run_scoped3A : memref<!tpu.dma_semaphore, #tpu.memory_space<semaphore_mem>>)
        %dma_wait3A_89 = arith.constant 9984 : i32
        %dma_wait3A_90 = arith.constant 0 : i32
        %dma_wait3A_91 = tpu.memref_slice %arg4[%arg0, %dma_wait3A_89, %dma_wait3A_90] : memref<2x10000x128xf32, #tpu.memory_space<hbm>> -> memref<1x16x128xf32, #tpu.memory_space<hbm>>
        %dma_wait3A_92 = tpu.memref_squeeze %dma_wait3A_91 : memref<1x16x128xf32, #tpu.memory_space<hbm>> -> memref<16x128xf32, #tpu.memory_space<hbm>>
        %dma_wait3A_93 = arith.constant 9984 : i32
        %dma_wait3A_94 = arith.constant 0 : i32
        %dma_wait3A_95 = tpu.memref_slice %arg5[%dma_wait3A_93, %dma_wait3A_94] : memref<10000x128xf32, #tpu.memory_space<vmem_shared>> -> memref<16x128xf32, #tpu.memory_space<vmem_shared>>
        tpu.wait_dma2 semaphore(%run_scoped3A : memref<!tpu.dma_semaphore, #tpu.memory_space<semaphore_mem>>) src(%dma_wait3A_95 : memref<16x128xf32, #tpu.memory_space<vmem_shared>>) dst(%dma_wait3A_92 : memref<16x128xf32, #tpu.memory_space<hbm>>)
        tpu.yield
      }) : () -> ()
    } else {
    }
    return
  }
}

module attributes {stable_mosaic.version = 14 : i64} {
  func.func @_scale_body(%arg0: i32, %arg1: memref<1000x128xf32, #tpu.memory_space<vmem>>, %arg2: memref<2x1000x1xf32, #tpu.memory_space<vmem>>, %arg3: memref<1000x128xf32, #tpu.memory_space<vmem>>, %arg4: memref<1000x1xf32, #tpu.memory_space<vmem>>) attributes {dimension_semantics = [#tpu.dimension_semantics<arbitrary>], iteration_bounds = array<i64: 10>, scalar_prefetch = 0 : i64, scratch_operands = 0 : i64, tpu.core_type = #tpu.core_type<tc>, window_params = [{transform_indices = @transform_0, window_bounds = array<i64: 1000, 128>}, {transform_indices = @transform_1, window_bounds = array<i64: 2, 1000, 1>}, {transform_indices = @transform_2, window_bounds = array<i64: 1000, 128>}, {transform_indices = @transform_3, window_bounds = array<i64: 1000, 1>}]} {
    %get3A = arith.constant 0 : index
    %get3A_0 = arith.constant 0 : index
    %get3A_1 = arith.constant 0 : index
    %get3A_2 = vector.load %arg2[%get3A, %get3A_0, %get3A_1] : memref<2x1000x1xf32, #tpu.memory_space<vmem>>, vector<1x1000x1xf32>
    %get3A_3 = vector.shape_cast %get3A_2 : vector<1x1000x1xf32> to vector<1000x1xf32>
    %get3A_4 = arith.constant 1 : index
    %get3A_5 = arith.constant 0 : index
    %get3A_6 = arith.constant 0 : index
    %get3A_7 = vector.load %arg2[%get3A_4, %get3A_5, %get3A_6] : memref<2x1000x1xf32, #tpu.memory_space<vmem>>, vector<1x1000x1xf32>
    %get3A_8 = vector.shape_cast %get3A_7 : vector<1x1000x1xf32> to vector<1000x1xf32>
    %add3A = arith.addf %get3A_3, %get3A_8 : vector<1000x1xf32>
    %add3A_9 = arith.constant 1.000000e+00 : f32
    %add3A_10 = vector.broadcast %add3A_9 : f32 to vector<1000x1xf32>
    %add3A_11 = arith.addf %add3A, %add3A_10 : vector<1000x1xf32>
    %rsqrt3A = math.rsqrt %add3A_11 : vector<1000x1xf32>
    %get3A_12 = arith.constant 0 : index
    %get3A_13 = arith.constant 0 : index
    %get3A_14 = vector.load %arg1[%get3A_12, %get3A_13] : memref<1000x128xf32, #tpu.memory_space<vmem>>, vector<1000x128xf32>
    %mul3A = vector.broadcast %rsqrt3A : vector<1000x1xf32> to vector<1000x128xf32>
    %mul3A_15 = arith.mulf %get3A_14, %mul3A : vector<1000x128xf32>
    %swap3A = arith.constant 0 : index
    %swap3A_16 = arith.constant 0 : index
    %swap3A_17 = vector.load %arg3[%swap3A, %swap3A_16] : memref<1000x128xf32, #tpu.memory_space<vmem>>, vector<1000x128xf32>
    tpu.vector_store %arg3[%swap3A, %swap3A_16], %mul3A_15 {strides = array<i32>} : memref<1000x128xf32, #tpu.memory_space<vmem>>, vector<1000x128xf32>,
    %swap3A_18 = arith.constant 0 : index
    %swap3A_19 = arith.constant 0 : index
    %swap3A_20 = vector.load %arg4[%swap3A_18, %swap3A_19] : memref<1000x1xf32, #tpu.memory_space<vmem>>, vector<1000x1xf32>
    tpu.vector_store %arg4[%swap3A_18, %swap3A_19], %rsqrt3A {strides = array<i32>} : memref<1000x1xf32, #tpu.memory_space<vmem>>, vector<1000x1xf32>,
    return
  }
  func.func @transform_0(%arg0: i32) -> (i32, i32) {
    %c0_i32 = arith.constant 0 : i32
    %c0_i32_0 = arith.constant 0 : i32
    return %arg0, %c0_i32 : i32, i32
  }
  func.func @transform_1(%arg0: i32) -> (i32, i32, i32) {
    %c0_i32 = arith.constant 0 : i32
    %c0_i32_0 = arith.constant 0 : i32
    %c0_i32_1 = arith.constant 0 : i32
    return %c0_i32, %arg0, %c0_i32_0 : i32, i32, i32
  }
  func.func @transform_2(%arg0: i32) -> (i32, i32) {
    %c0_i32 = arith.constant 0 : i32
    %c0_i32_0 = arith.constant 0 : i32
    return %arg0, %c0_i32 : i32, i32
  }
  func.func @transform_3(%arg0: i32) -> (i32, i32) {
    %c0_i32 = arith.constant 0 : i32
    %c0_i32_0 = arith.constant 0 : i32
    return %arg0, %c0_i32 : i32, i32
  }
}

module attributes {stable_mosaic.version = 14 : i64} {
  func.func @_mm_body(%arg0: i32, %arg1: memref<1000x128xf32, #tpu.memory_space<vmem>>, %arg2: memref<128x128xf32, #tpu.memory_space<vmem>>, %arg3: memref<1000x128xf32, #tpu.memory_space<vmem>>) attributes {dimension_semantics = [#tpu.dimension_semantics<arbitrary>], iteration_bounds = array<i64: 10>, scalar_prefetch = 0 : i64, scratch_operands = 0 : i64, tpu.core_type = #tpu.core_type<tc>, window_params = [{transform_indices = @transform_0, window_bounds = array<i64: 1000, 128>}, {pipeline_mode = #tpu.pipeline_mode<synchronous>, transform_indices = @transform_1, window_bounds = array<i64: 128, 128>}, {transform_indices = @transform_2, window_bounds = array<i64: 1000, 128>}]} {
    %get3A = arith.constant 0 : index
    %get3A_0 = arith.constant 0 : index
    %get3A_1 = vector.load %arg1[%get3A, %get3A_0] : memref<1000x128xf32, #tpu.memory_space<vmem>>, vector<1000x128xf32>
    %get3A_2 = arith.constant 0 : index
    %get3A_3 = arith.constant 0 : index
    %get3A_4 = vector.load %arg2[%get3A_2, %get3A_3] : memref<128x128xf32, #tpu.memory_space<vmem>>, vector<128x128xf32>
    %convert_element_type3A = arith.truncf %get3A_1 : vector<1000x128xf32> to vector<1000x128xbf16>
    %convert_element_type3A_5 = arith.truncf %get3A_4 : vector<128x128xf32> to vector<128x128xbf16>
    %dot_general3A = arith.constant dense<0.000000e+00> : vector<1000x128xf32>
    %dot_general3A_6 = tpu.matmul %convert_element_type3A, %convert_element_type3A_5, %dot_general3A {dimension_numbers = #tpu.dot_dimension_numbers<[1], [0], [0], [1], [0, 0, 1, 1], [], []>, transpose_lhs_hint = false} : vector<1000x128xbf16>, vector<128x128xbf16>, vector<1000x128xf32> -> vector<1000x128xf32>
    %swap3A = arith.constant 0 : index
    %swap3A_7 = arith.constant 0 : index
    %swap3A_8 = vector.load %arg3[%swap3A, %swap3A_7] : memref<1000x128xf32, #tpu.memory_space<vmem>>, vector<1000x128xf32>
    tpu.vector_store %arg3[%swap3A, %swap3A_7], %dot_general3A_6 {strides = array<i32>} : memref<1000x128xf32, #tpu.memory_space<vmem>>, vector<1000x128xf32>,
    return
  }
  func.func @transform_0(%arg0: i32) -> (i32, i32) {
    %c0_i32 = arith.constant 0 : i32
    %c0_i32_0 = arith.constant 0 : i32
    return %arg0, %c0_i32 : i32, i32
  }
  func.func @transform_1(%arg0: i32) -> (i32, i32) {
    %c0_i32 = arith.constant 0 : i32
    %c0_i32_0 = arith.constant 0 : i32
    %c0_i32_1 = arith.constant 0 : i32
    return %c0_i32, %c0_i32_0 : i32, i32
  }
  func.func @transform_2(%arg0: i32) -> (i32, i32) {
    %c0_i32 = arith.constant 0 : i32
    %c0_i32_0 = arith.constant 0 : i32
    return %arg0, %c0_i32 : i32, i32
  }
}

module attributes {stable_mosaic.version = 14 : i64} {
  func.func @_fuse_body(%arg0: i32, %arg1: memref<2x1000x128xf32, #tpu.memory_space<vmem>>, %arg2: memref<1000x128xf32, #tpu.memory_space<vmem>>, %arg3: memref<1000x1xf32, #tpu.memory_space<vmem>>, %arg4: memref<1x128xf32, #tpu.memory_space<vmem>>, %arg5: memref<128x128xf32, #tpu.memory_space<vmem>>, %arg6: memref<1000x128xf32, #tpu.memory_space<vmem>>) attributes {dimension_semantics = [#tpu.dimension_semantics<arbitrary>], iteration_bounds = array<i64: 10>, scalar_prefetch = 0 : i64, scratch_operands = 0 : i64, tpu.core_type = #tpu.core_type<tc>, window_params = [{transform_indices = @transform_0, window_bounds = array<i64: 2, 1000, 128>}, {transform_indices = @transform_1, window_bounds = array<i64: 1000, 128>}, {transform_indices = @transform_2, window_bounds = array<i64: 1000, 1>}, {pipeline_mode = #tpu.pipeline_mode<synchronous>, transform_indices = @transform_3, window_bounds = array<i64: 1, 128>}, {pipeline_mode = #tpu.pipeline_mode<synchronous>, transform_indices = @transform_4, window_bounds = array<i64: 128, 128>}, {transform_indices = @transform_5, window_bounds = array<i64: 1000, 128>}]} {
    %get3A = arith.constant 0 : index
    %get3A_0 = arith.constant 0 : index
    %get3A_1 = vector.load %arg3[%get3A, %get3A_0] : memref<1000x1xf32, #tpu.memory_space<vmem>>, vector<1000x1xf32>
    %get3A_2 = arith.constant 0 : index
    %get3A_3 = arith.constant 0 : index
    %get3A_4 = arith.constant 0 : index
    %get3A_5 = vector.load %arg1[%get3A_2, %get3A_3, %get3A_4] : memref<2x1000x128xf32, #tpu.memory_space<vmem>>, vector<1x1000x128xf32>
    %get3A_6 = vector.shape_cast %get3A_5 : vector<1x1000x128xf32> to vector<1000x128xf32>
    %get3A_7 = arith.constant 1 : index
    %get3A_8 = arith.constant 0 : index
    %get3A_9 = arith.constant 0 : index
    %get3A_10 = vector.load %arg1[%get3A_7, %get3A_8, %get3A_9] : memref<2x1000x128xf32, #tpu.memory_space<vmem>>, vector<1x1000x128xf32>
    %get3A_11 = vector.shape_cast %get3A_10 : vector<1x1000x128xf32> to vector<1000x128xf32>
    %add3A = arith.addf %get3A_6, %get3A_11 : vector<1000x128xf32>
    %get3A_12 = arith.constant 0 : index
    %get3A_13 = arith.constant 0 : index
    %get3A_14 = vector.load %arg2[%get3A_12, %get3A_13] : memref<1000x128xf32, #tpu.memory_space<vmem>>, vector<1000x128xf32>
    %add3A_15 = arith.addf %add3A, %get3A_14 : vector<1000x128xf32>
    %mul3A = vector.broadcast %get3A_1 : vector<1000x1xf32> to vector<1000x128xf32>
    %mul3A_16 = arith.mulf %mul3A, %add3A_15 : vector<1000x128xf32>
    %get3A_17 = arith.constant 0 : index
    %get3A_18 = arith.constant 0 : index
    %get3A_19 = vector.load %arg4[%get3A_17, %get3A_18] : memref<1x128xf32, #tpu.memory_space<vmem>>, vector<1x128xf32>
    %add3A_20 = vector.broadcast %get3A_19 : vector<1x128xf32> to vector<1000x128xf32>
    %add3A_21 = arith.addf %mul3A_16, %add3A_20 : vector<1000x128xf32>
    %max3A = arith.constant 0.000000e+00 : f32
    %max3A_22 = vector.broadcast %max3A : f32 to vector<1000x128xf32>
    %max3A_23 = arith.maximumf %add3A_21, %max3A_22 : vector<1000x128xf32>
    %get3A_24 = arith.constant 0 : index
    %get3A_25 = arith.constant 0 : index
    %get3A_26 = vector.load %arg5[%get3A_24, %get3A_25] : memref<128x128xf32, #tpu.memory_space<vmem>>, vector<128x128xf32>
    %convert_element_type3A = arith.truncf %max3A_23 : vector<1000x128xf32> to vector<1000x128xbf16>
    %convert_element_type3A_27 = arith.truncf %get3A_26 : vector<128x128xf32> to vector<128x128xbf16>
    %dot_general3A = arith.constant dense<0.000000e+00> : vector<1000x128xf32>
    %dot_general3A_28 = tpu.matmul %convert_element_type3A, %convert_element_type3A_27, %dot_general3A {dimension_numbers = #tpu.dot_dimension_numbers<[1], [0], [0], [1], [0, 0, 1, 1], [], []>, transpose_lhs_hint = false} : vector<1000x128xbf16>, vector<128x128xbf16>, vector<1000x128xf32> -> vector<1000x128xf32>
    %mul3A_29 = vector.broadcast %get3A_1 : vector<1000x1xf32> to vector<1000x128xf32>
    %mul3A_30 = arith.mulf %dot_general3A_28, %mul3A_29 : vector<1000x128xf32>
    %swap3A = arith.constant 0 : index
    %swap3A_31 = arith.constant 0 : index
    %swap3A_32 = vector.load %arg6[%swap3A, %swap3A_31] : memref<1000x128xf32, #tpu.memory_space<vmem>>, vector<1000x128xf32>
    tpu.vector_store %arg6[%swap3A, %swap3A_31], %mul3A_30 {strides = array<i32>} : memref<1000x128xf32, #tpu.memory_space<vmem>>, vector<1000x128xf32>,
    return
  }
  func.func @transform_0(%arg0: i32) -> (i32, i32, i32) {
    %c0_i32 = arith.constant 0 : i32
    %c0_i32_0 = arith.constant 0 : i32
    %c0_i32_1 = arith.constant 0 : i32
    return %c0_i32, %arg0, %c0_i32_0 : i32, i32, i32
  }
  func.func @transform_1(%arg0: i32) -> (i32, i32) {
    %c0_i32 = arith.constant 0 : i32
    %c0_i32_0 = arith.constant 0 : i32
    return %arg0, %c0_i32 : i32, i32
  }
  func.func @transform_2(%arg0: i32) -> (i32, i32) {
    %c0_i32 = arith.constant 0 : i32
    %c0_i32_0 = arith.constant 0 : i32
    return %arg0, %c0_i32 : i32, i32
  }
  func.func @transform_3(%arg0: i32) -> (i32, i32) {
    %c0_i32 = arith.constant 0 : i32
    %c0_i32_0 = arith.constant 0 : i32
    %c0_i32_1 = arith.constant 0 : i32
    return %c0_i32, %c0_i32_0 : i32, i32
  }
  func.func @transform_4(%arg0: i32) -> (i32, i32) {
    %c0_i32 = arith.constant 0 : i32
    %c0_i32_0 = arith.constant 0 : i32
    %c0_i32_1 = arith.constant 0 : i32
    return %c0_i32, %c0_i32_0 : i32, i32
  }
  func.func @transform_5(%arg0: i32) -> (i32, i32) {
    %c0_i32 = arith.constant 0 : i32
    %c0_i32_0 = arith.constant 0 : i32
    return %arg0, %c0_i32 : i32, i32
  }
}

module attributes {stable_mosaic.version = 14 : i64} {
  func.func @_final_body(%arg0: i32, %arg1: memref<2x1000x128xf32, #tpu.memory_space<vmem>>, %arg2: memref<1000x128xf32, #tpu.memory_space<vmem>>, %arg3: memref<1000x1xf32, #tpu.memory_space<vmem>>, %arg4: memref<1x128xf32, #tpu.memory_space<vmem>>, %arg5: memref<1x1x1000xi32, #tpu.memory_space<vmem>>, %arg6: memref<128x128xf32, #tpu.memory_space<vmem>>, %arg7: memref<1x128xf32, #tpu.memory_space<vmem>>, %arg8: memref<128x1xf32, #tpu.memory_space<vmem>>, %arg9: memref<1x1xf32, #tpu.memory_space<vmem>>, %arg10: memref<64x1xf32, #tpu.memory_space<vmem>>, %arg11: memref<64x128xf32, #tpu.memory_space<vmem>>, %arg12: memref<64x1xf32, #tpu.memory_space<vmem>>) attributes {dimension_semantics = [#tpu.dimension_semantics<arbitrary>], iteration_bounds = array<i64: 10>, scalar_prefetch = 0 : i64, scratch_operands = 2 : i64, tpu.core_type = #tpu.core_type<tc>, window_params = [{transform_indices = @transform_0, window_bounds = array<i64: 2, 1000, 128>}, {transform_indices = @transform_1, window_bounds = array<i64: 1000, 128>}, {transform_indices = @transform_2, window_bounds = array<i64: 1000, 1>}, {pipeline_mode = #tpu.pipeline_mode<synchronous>, transform_indices = @transform_3, window_bounds = array<i64: 1, 128>}, {transform_indices = @transform_4, window_bounds = array<i64: 1, 1, 1000>}, {pipeline_mode = #tpu.pipeline_mode<synchronous>, transform_indices = @transform_5, window_bounds = array<i64: 128, 128>}, {pipeline_mode = #tpu.pipeline_mode<synchronous>, transform_indices = @transform_6, window_bounds = array<i64: 1, 128>}, {pipeline_mode = #tpu.pipeline_mode<synchronous>, transform_indices = @transform_7, window_bounds = array<i64: 128, 1>}, {pipeline_mode = #tpu.pipeline_mode<synchronous>, transform_indices = @transform_8, window_bounds = array<i64: 1, 1>}, {pipeline_mode = #tpu.pipeline_mode<synchronous>, transform_indices = @transform_9, window_bounds = array<i64: 64, 1>}]} {
    %eq3A = arith.constant 0 : i32
    %eq3A_0 = arith.cmpi eq, %arg0, %eq3A : i32
    %convert_element_type3A = arith.extui %eq3A_0 : i1 to i32
    %cond3A = arith.constant 0 : i32
    %cond3A_1 = arith.cmpi ne, %convert_element_type3A, %cond3A : i32
    scf.if %cond3A_1 {
      %broadcast_in_dim3A_55 = arith.constant 0.000000e+00 : f32
      %broadcast_in_dim3A_56 = vector.broadcast %broadcast_in_dim3A_55 : f32 to vector<64x128xf32>
      %swap3A_57 = arith.constant 0 : index
      %swap3A_58 = arith.constant 0 : index
      %swap3A_59 = vector.load %arg11[%swap3A_57, %swap3A_58] : memref<64x128xf32, #tpu.memory_space<vmem>>, vector<64x128xf32>
      tpu.vector_store %arg11[%swap3A_57, %swap3A_58], %broadcast_in_dim3A_56 {strides = array<i32>} : memref<64x128xf32, #tpu.memory_space<vmem>>, vector<64x128xf32>,
      %broadcast_in_dim3A_60 = arith.constant 0.000000e+00 : f32
      %broadcast_in_dim3A_61 = vector.broadcast %broadcast_in_dim3A_60 : f32 to vector<64x1xf32>
      %swap3A_62 = arith.constant 0 : index
      %swap3A_63 = arith.constant 0 : index
      %swap3A_64 = vector.load %arg12[%swap3A_62, %swap3A_63] : memref<64x1xf32, #tpu.memory_space<vmem>>, vector<64x1xf32>
      tpu.vector_store %arg12[%swap3A_62, %swap3A_63], %broadcast_in_dim3A_61 {strides = array<i32>} : memref<64x1xf32, #tpu.memory_space<vmem>>, vector<64x1xf32>,
    } else {
    }
    %get3A = arith.constant 0 : index
    %get3A_2 = arith.constant 0 : index
    %get3A_3 = vector.load %arg3[%get3A, %get3A_2] : memref<1000x1xf32, #tpu.memory_space<vmem>>, vector<1000x1xf32>
    %get3A_4 = arith.constant 0 : index
    %get3A_5 = arith.constant 0 : index
    %get3A_6 = arith.constant 0 : index
    %get3A_7 = vector.load %arg1[%get3A_4, %get3A_5, %get3A_6] : memref<2x1000x128xf32, #tpu.memory_space<vmem>>, vector<1x1000x128xf32>
    %get3A_8 = vector.shape_cast %get3A_7 : vector<1x1000x128xf32> to vector<1000x128xf32>
    %get3A_9 = arith.constant 1 : index
    %get3A_10 = arith.constant 0 : index
    %get3A_11 = arith.constant 0 : index
    %get3A_12 = vector.load %arg1[%get3A_9, %get3A_10, %get3A_11] : memref<2x1000x128xf32, #tpu.memory_space<vmem>>, vector<1x1000x128xf32>
    %get3A_13 = vector.shape_cast %get3A_12 : vector<1x1000x128xf32> to vector<1000x128xf32>
    %add3A = arith.addf %get3A_8, %get3A_13 : vector<1000x128xf32>
    %get3A_14 = arith.constant 0 : index
    %get3A_15 = arith.constant 0 : index
    %get3A_16 = vector.load %arg2[%get3A_14, %get3A_15] : memref<1000x128xf32, #tpu.memory_space<vmem>>, vector<1000x128xf32>
    %add3A_17 = arith.addf %add3A, %get3A_16 : vector<1000x128xf32>
    %mul3A = vector.broadcast %get3A_3 : vector<1000x1xf32> to vector<1000x128xf32>
    %mul3A_18 = arith.mulf %mul3A, %add3A_17 : vector<1000x128xf32>
    %get3A_19 = arith.constant 0 : index
    %get3A_20 = arith.constant 0 : index
    %get3A_21 = vector.load %arg4[%get3A_19, %get3A_20] : memref<1x128xf32, #tpu.memory_space<vmem>>, vector<1x128xf32>
    %add3A_22 = vector.broadcast %get3A_21 : vector<1x128xf32> to vector<1000x128xf32>
    %add3A_23 = arith.addf %mul3A_18, %add3A_22 : vector<1000x128xf32>
    %max3A = arith.constant 0.000000e+00 : f32
    %max3A_24 = vector.broadcast %max3A : f32 to vector<1000x128xf32>
    %max3A_25 = arith.maximumf %add3A_23, %max3A_24 : vector<1000x128xf32>
    %get3A_26 = arith.constant 0 : index
    %get3A_27 = arith.constant 0 : index
    %get3A_28 = arith.constant 0 : index
    %get3A_29 = vector.load %arg5[%get3A_26, %get3A_27, %get3A_28] : memref<1x1x1000xi32, #tpu.memory_space<vmem>>, vector<1x1x1000xi32>
    %get3A_30 = vector.shape_cast %get3A_29 : vector<1x1x1000xi32> to vector<1x1000xi32>
    %iota3A = tpu.iota {dimensions = array<i32: 0>} : vector<64x1000xi32>
    %eq3A_31 = vector.broadcast %get3A_30 : vector<1x1000xi32> to vector<64x1000xi32>
    %eq3A_32 = arith.cmpi eq, %iota3A, %eq3A_31 : vector<64x1000xi32>
    %convert_element_type3A_33 = arith.extui %eq3A_32 : vector<64x1000xi1> to vector<64x1000xi32>
    %convert_element_type3A_34 = arith.sitofp %convert_element_type3A_33 : vector<64x1000xi32> to vector<64x1000xf32>
    %get3A_35 = arith.constant 0 : index
    %get3A_36 = arith.constant 0 : index
    %get3A_37 = vector.load %arg11[%get3A_35, %get3A_36] : memref<64x128xf32, #tpu.memory_space<vmem>>, vector<64x128xf32>
    %dot_general3A = arith.constant dense<0.000000e+00> : vector<64x128xf32>
    %dot_general3A_38 = tpu.matmul %convert_element_type3A_34, %max3A_25, %dot_general3A {dimension_numbers = #tpu.dot_dimension_numbers<[1], [0], [0], [1], [0, 0, 1, 1], [], []>, precision = #tpu.contract_precision<fp32>, transpose_lhs_hint = false} : vector<64x1000xf32>, vector<1000x128xf32>, vector<64x128xf32> -> vector<64x128xf32>
    %add3A_39 = arith.addf %get3A_37, %dot_general3A_38 : vector<64x128xf32>
    %swap3A = arith.constant 0 : index
    %swap3A_40 = arith.constant 0 : index
    %swap3A_41 = vector.load %arg11[%swap3A, %swap3A_40] : memref<64x128xf32, #tpu.memory_space<vmem>>, vector<64x128xf32>
    tpu.vector_store %arg11[%swap3A, %swap3A_40], %add3A_39 {strides = array<i32>} : memref<64x128xf32, #tpu.memory_space<vmem>>, vector<64x128xf32>,
    %get3A_42 = arith.constant 0 : index
    %get3A_43 = arith.constant 0 : index
    %get3A_44 = vector.load %arg12[%get3A_42, %get3A_43] : memref<64x1xf32, #tpu.memory_space<vmem>>, vector<64x1xf32>
    %reduce_sum3A = arith.constant dense<0.000000e+00> : vector<64xf32>
    %reduce_sum3A_45 = vector.multi_reduction <add>, %convert_element_type3A_34, %reduce_sum3A [1] : vector<64x1000xf32> to vector<64xf32>
    %broadcast_in_dim3A = vector.shape_cast %reduce_sum3A_45 : vector<64xf32> to vector<64x1xf32>
    %add3A_46 = arith.addf %get3A_44, %broadcast_in_dim3A : vector<64x1xf32>
    %swap3A_47 = arith.constant 0 : index
    %swap3A_48 = arith.constant 0 : index
    %swap3A_49 = vector.load %arg12[%swap3A_47, %swap3A_48] : memref<64x1xf32, #tpu.memory_space<vmem>>, vector<64x1xf32>
    tpu.vector_store %arg12[%swap3A_47, %swap3A_48], %add3A_46 {strides = array<i32>} : memref<64x1xf32, #tpu.memory_space<vmem>>, vector<64x1xf32>,
    %eq3A_50 = arith.constant 9 : i32
    %eq3A_51 = arith.cmpi eq, %arg0, %eq3A_50 : i32
    %convert_element_type3A_52 = arith.extui %eq3A_51 : i1 to i32
    %cond3A_53 = arith.constant 0 : i32
    %cond3A_54 = arith.cmpi ne, %convert_element_type3A_52, %cond3A_53 : i32
    scf.if %cond3A_54 {
      %get3A_55 = arith.constant 0 : index
      %get3A_56 = arith.constant 0 : index
      %get3A_57 = vector.load %arg11[%get3A_55, %get3A_56] : memref<64x128xf32, #tpu.memory_space<vmem>>, vector<64x128xf32>
      %get3A_58 = arith.constant 0 : index
      %get3A_59 = arith.constant 0 : index
      %get3A_60 = vector.load %arg12[%get3A_58, %get3A_59] : memref<64x1xf32, #tpu.memory_space<vmem>>, vector<64x1xf32>
      %max3A_61 = arith.constant 1.000000e+00 : f32
      %max3A_62 = vector.broadcast %max3A_61 : f32 to vector<64x1xf32>
      %max3A_63 = arith.maximumf %get3A_60, %max3A_62 : vector<64x1xf32>
      %div3A = vector.broadcast %max3A_63 : vector<64x1xf32> to vector<64x128xf32>
      %div3A_64 = arith.divf %get3A_57, %div3A : vector<64x128xf32>
      %get3A_65 = arith.constant 0 : index
      %get3A_66 = arith.constant 0 : index
      %get3A_67 = vector.load %arg6[%get3A_65, %get3A_66] : memref<128x128xf32, #tpu.memory_space<vmem>>, vector<128x128xf32>
      %convert_element_type3A_68 = arith.truncf %div3A_64 : vector<64x128xf32> to vector<64x128xbf16>
      %convert_element_type3A_69 = arith.truncf %get3A_67 : vector<128x128xf32> to vector<128x128xbf16>
      %dot_general3A_70 = arith.constant dense<0.000000e+00> : vector<64x128xf32>
      %dot_general3A_71 = tpu.matmul %convert_element_type3A_68, %convert_element_type3A_69, %dot_general3A_70 {dimension_numbers = #tpu.dot_dimension_numbers<[1], [0], [0], [1], [0, 0, 1, 1], [], []>, transpose_lhs_hint = false} : vector<64x128xbf16>, vector<128x128xbf16>, vector<64x128xf32> -> vector<64x128xf32>
      %get3A_72 = arith.constant 0 : index
      %get3A_73 = arith.constant 0 : index
      %get3A_74 = vector.load %arg7[%get3A_72, %get3A_73] : memref<1x128xf32, #tpu.memory_space<vmem>>, vector<1x128xf32>
      %add3A_75 = vector.broadcast %get3A_74 : vector<1x128xf32> to vector<64x128xf32>
      %add3A_76 = arith.addf %dot_general3A_71, %add3A_75 : vector<64x128xf32>
      %max3A_77 = arith.constant 0.000000e+00 : f32
      %max3A_78 = vector.broadcast %max3A_77 : f32 to vector<64x128xf32>
      %max3A_79 = arith.maximumf %add3A_76, %max3A_78 : vector<64x128xf32>
      %get3A_80 = arith.constant 0 : index
      %get3A_81 = arith.constant 0 : index
      %get3A_82 = vector.load %arg8[%get3A_80, %get3A_81] : memref<128x1xf32, #tpu.memory_space<vmem>>, vector<128x1xf32>
      %convert_element_type3A_83 = arith.truncf %max3A_79 : vector<64x128xf32> to vector<64x128xbf16>
      %convert_element_type3A_84 = arith.truncf %get3A_82 : vector<128x1xf32> to vector<128x1xbf16>
      %dot_general3A_85 = arith.constant dense<0.000000e+00> : vector<64x1xf32>
      %dot_general3A_86 = tpu.matmul %convert_element_type3A_83, %convert_element_type3A_84, %dot_general3A_85 {dimension_numbers = #tpu.dot_dimension_numbers<[1], [0], [0], [1], [0, 0, 1, 1], [], []>, transpose_lhs_hint = false} : vector<64x128xbf16>, vector<128x1xbf16>, vector<64x1xf32> -> vector<64x1xf32>
      %get3A_87 = arith.constant 0 : index
      %get3A_88 = arith.constant 0 : index
      %get3A_89 = vector.load %arg9[%get3A_87, %get3A_88] : memref<1x1xf32, #tpu.memory_space<vmem>>, vector<1x1xf32>
      %add3A_90 = vector.broadcast %get3A_89 : vector<1x1xf32> to vector<64x1xf32>
      %add3A_91 = arith.addf %dot_general3A_86, %add3A_90 : vector<64x1xf32>
      %swap3A_92 = arith.constant 0 : index
      %swap3A_93 = arith.constant 0 : index
      %swap3A_94 = vector.load %arg10[%swap3A_92, %swap3A_93] : memref<64x1xf32, #tpu.memory_space<vmem>>, vector<64x1xf32>
      tpu.vector_store %arg10[%swap3A_92, %swap3A_93], %add3A_91 {strides = array<i32>} : memref<64x1xf32, #tpu.memory_space<vmem>>, vector<64x1xf32>,
    } else {
    }
    return
  }
  func.func @transform_0(%arg0: i32) -> (i32, i32, i32) {
    %c0_i32 = arith.constant 0 : i32
    %c0_i32_0 = arith.constant 0 : i32
    %c0_i32_1 = arith.constant 0 : i32
    return %c0_i32, %arg0, %c0_i32_0 : i32, i32, i32
  }
  func.func @transform_1(%arg0: i32) -> (i32, i32) {
    %c0_i32 = arith.constant 0 : i32
    %c0_i32_0 = arith.constant 0 : i32
    return %arg0, %c0_i32 : i32, i32
  }
  func.func @transform_2(%arg0: i32) -> (i32, i32) {
    %c0_i32 = arith.constant 0 : i32
    %c0_i32_0 = arith.constant 0 : i32
    return %arg0, %c0_i32 : i32, i32
  }
  func.func @transform_3(%arg0: i32) -> (i32, i32) {
    %c0_i32 = arith.constant 0 : i32
    %c0_i32_0 = arith.constant 0 : i32
    %c0_i32_1 = arith.constant 0 : i32
    return %c0_i32, %c0_i32_0 : i32, i32
  }
  func.func @transform_4(%arg0: i32) -> (i32, i32, i32) {
    %c0_i32 = arith.constant 0 : i32
    %c0_i32_0 = arith.constant 0 : i32
    %c0_i32_1 = arith.constant 0 : i32
    return %arg0, %c0_i32, %c0_i32_0 : i32, i32, i32
  }
  func.func @transform_5(%arg0: i32) -> (i32, i32) {
    %c0_i32 = arith.constant 0 : i32
    %c0_i32_0 = arith.constant 0 : i32
    %c0_i32_1 = arith.constant 0 : i32
    return %c0_i32, %c0_i32_0 : i32, i32
  }
  func.func @transform_6(%arg0: i32) -> (i32, i32) {
    %c0_i32 = arith.constant 0 : i32
    %c0_i32_0 = arith.constant 0 : i32
    %c0_i32_1 = arith.constant 0 : i32
    return %c0_i32, %c0_i32_0 : i32, i32
  }
  func.func @transform_7(%arg0: i32) -> (i32, i32) {
    %c0_i32 = arith.constant 0 : i32
    %c0_i32_0 = arith.constant 0 : i32
    %c0_i32_1 = arith.constant 0 : i32
    return %c0_i32, %c0_i32_0 : i32, i32
  }
  func.func @transform_8(%arg0: i32) -> (i32, i32) {
    %c0_i32 = arith.constant 0 : i32
    %c0_i32_0 = arith.constant 0 : i32
    %c0_i32_1 = arith.constant 0 : i32
    return %c0_i32, %c0_i32_0 : i32, i32
  }
  func.func @transform_9(%arg0: i32) -> (i32, i32) {
    %c0_i32 = arith.constant 0 : i32
    %c0_i32_0 = arith.constant 0 : i32
    %c0_i32_1 = arith.constant 0 : i32
    return %c0_i32, %c0_i32_0 : i32, i32
  }
}

</mosaic_0001>

<sc_bundles>
// kernel: kernel.11.cloned.1.call-start
scs
__scs_entry_jumppad:
0x0: {  	(pc) =	sbr.rel $0x88, $3  }
0x1: {  	(tag) =	ssettag $0x0;
	lr =	simm.s32 $0x1  }
0x2: {  	[smem:$0x3F94] =	sst lr;
	_ =	strace $0xD0000000  }
0x3: {  	_ = 	snop  }
0x4: {  	_ = 	snop  }
0x5: {  	_ = 	snop  }
0x6: {  	_ = 	snop  }
0x7: {  	_ = 	snop  }
__scs_overlays_trampoline_lowered:
0x8: {  	[smem:$0x3FA3] =	sst s0  }
0x9: {  	[smem:$0x3FA4] =	sst s1  }
0xa: {  	[smem:$0x3FA5] =	sst s2  }
0xb: {  	[smem:$0x3FA6] =	sst s3  }
0xc: {  	[smem:$0x3FA7] =	sst s4  }
0xd: {  	[smem:$0x3FA8] =	sst s5  }
0xe: {  	[smem:$0x3FA9] =	sst s6  }
0xf: {  	[smem:$0x3FAA] =	sst s7  }
0x10: {  	[smem:$0x3FAB] =	sst s8  }
0x11: {  	[smem:$0x3FAC] =	sst s9;
	s0 =	simm.s32 @!p0 $0x0  }
0x12: {  	s1 =	sld [smem:$0x3F92];
	s0 =	simm.s32 @p0 $0x1  }
0x13: {  	[smem:$0x3FAD] =	sst s0;
	s0 =	simm.s32 @!p1 $0x0  }
0x14: {  	s2 =	sld [smem:$0x3F91];
	s0 =	simm.s32 @p1 $0x1  }
0x15: {  	[smem:$0x3FAE] =	sst s0;
	s0 =	simm.s32 @!p2 $0x0  }
0x16: {  	s3 =	sld [smem:$0x3FDB];
	s0 =	simm.s32 @p2 $0x1  }
0x17: {  	s4 =	simm.s32 $0x1BF5;
	[smem:$0x3FB0] =	sst s0  }
0x18: {  	s0 =	sld [smem:$0x3F93];
	_ =	swait.ge [sflag:s4], $0x0  }
0x19: {  	s7 =	sld [smem:$0x3F94]  }
0x1a: {  	s8 =	sadd.s32 $0xFFFFE003, lr  }
0x1b: {  	s9 =	sadd.s32 $0xFFFFFEF7, lr;
	s5 =	simm.s32 $0xFFFFFFFF;
	p2 =	slt.u32 s8, $0xFFFFF086  }
0x1c: {  	p1 =	slt.u32 s9, $0xF7A;
	s5 =	simm.s32 @!p2 $0x0  }
0x1d: {  	s5 =	simm.s32 @p1 $0x1;
	p0 =	seq.s32 s7, s2  }
0x1e: {  	s7 =	smul.u32 @!p0 $0xF7A, s2;
	p2 =	seq.s32 @!p0 s5, $0x0  }
0x1f: {  	s9 =	smul.u32 $0xF7A, s1;
	s8 =	simm.s32 @!p0 $0x1BF5;
	p2 =	por !p2, p0  }
0x20: {  	[sflag:s8] =	ssyncset.s32 @!p0 $0xFFFFF086;
	s6 =	sadd.s32 @!p0 s3, s7;
	s7 =	simm.s32 @!p0 $0x108  }
0x21: {  	s3 =	sadd.s32 s3, s9;
	s6 =	sadd.s32 @!p0 $0x88, s6;
	s7 =	simm.s32 @p2 $0x1082  }
0x22: {  	[simem:s7], [sflag:s8] =	dma.local @!p0 [hbm:s6], $0xF7A  }
0x23: {  	s9 =	sor.u32 $0xD0000000, s2;
	s6 =	simm.s32 $0x108;
	_ =	swait.ge @!p0 [sflag:s8], $0x0  }
0x24: {  	s3 =	sadd.s32 $0x88, s3;
	s6 =	simm.s32 @!p1 $0x1082;
	[sflag:s4] =	ssyncset.s32 $0xFFFFF086  }
0x25: {  	[simem:s6], [sflag:s4] =	dma.local [hbm:s3], $0xF7A  }
0x26: {  	[smem:$0x3F94] =	sst s1;
	(tag) =	ssettag s2;
	_ =	strace s9  }
0x27: {  	s1 =	sld [smem:$0x3FA4]  }
0x28: {  	s2 =	sld [smem:$0x3FA5]  }
0x29: {  	s4 =	sld [smem:$0x3FA7]  }
0x2a: {  	p0 =	seq.s32 s5, $0x0;
	s5 =	sld [smem:$0x3FA8]  }
0x2b: {  	s6 =	sld [smem:$0x3FA9]  }
0x2c: {  	s7 =	sld [smem:$0x3FAA]  }
0x2d: {  	s3 =	simm.s32 $0x108;
	s8 =	sld [smem:$0x3FAB]  }
0x2e: {  	s3 =	simm.s32 @!p0 $0x1082;
	s9 =	sld [smem:$0x3FAC]  }
0x2f: {  	lr =	sadd.s32 s0, s3;
	s0 =	sld [smem:$0x3FA3]  }
0x30: {  	s3 =	sld [smem:$0x3FA6]  }
0x31: {  	[smem:$0x3FAF] =	sst s10  }
0x32: {  	s10 =	sld [smem:$0x3FAD];
	_ =	sdelay $0x3  }
0x33: {  	p0 =	seq.s32 s10, $0x1;
	s10 =	sld [smem:$0x3FAF];
	_ =	sdelay $0x3  }
0x34: {  	[smem:$0x3FAF] =	sst s10  }
0x35: {  	s10 =	sld [smem:$0x3FAE];
	_ =	sdelay $0x3  }
0x36: {  	p1 =	seq.s32 s10, $0x1;
	s10 =	sld [smem:$0x3FAF];
	_ =	sdelay $0x3  }
0x37: {  	[smem:$0x3FAF] =	sst s10  }
0x38: {  	s10 =	sld [smem:$0x3FB0]  }
0x39: {  	_ = 	snop;
	(pc) =	sbr.ind lr, $3  }
0x3a: {  	_ = 	snop  }
0x3b: {  	_ = 	snop  }
0x3c: {  	p2 =	seq.s32 s10, $0x1;
	s10 =	sld [smem:$0x3FAF]  }
0x3d: {  	_ =	shalt  }
0x3e: {  	_ =	shalt  }
0x3f: {  	_ =	shalt  }
0x40: {  	_ =	shalt  }
0x41: {  	_ =	shalt  }
0x42: {  	_ =	shalt  }
0x43: {  	_ =	shalt  }
0x44: {  	_ =	shalt  }
0x45: {  	_ =	shalt  }
0x46: {  	_ =	shalt  }
0x47: {  	_ =	shalt  }
0x48: {  	_ =	shalt  }
0x49: {  	_ =	shalt  }
0x4a: {  	_ =	shalt  }
0x4b: {  	_ =	shalt  }
0x4c: {  	_ =	shalt  }
0x4d: {  	_ =	shalt  }
0x4e: {  	_ =	shalt  }
0x4f: {  	_ =	shalt  }
0x50: {  	_ =	shalt  }
0x51: {  	_ =	shalt  }
0x52: {  	_ =	shalt  }
0x53: {  	_ =	shalt  }
0x54: {  	_ =	shalt  }
0x55: {  	_ =	shalt  }
0x56: {  	_ =	shalt  }
0x57: {  	_ =	shalt  }
0x58: {  	_ =	shalt  }
0x59: {  	_ =	shalt  }
0x5a: {  	_ =	shalt  }
0x5b: {  	_ =	shalt  }
0x5c: {  	_ =	shalt  }
0x5d: {  	_ =	shalt  }
0x5e: {  	_ =	shalt  }
0x5f: {  	_ =	shalt  }
0x60: {  	_ =	shalt  }
0x61: {  	_ =	shalt  }
0x62: {  	_ =	shalt  }
0x63: {  	_ =	shalt  }
0x64: {  	_ =	shalt  }
0x65: {  	_ =	shalt  }
0x66: {  	_ =	shalt  }
0x67: {  	_ =	shalt  }
0x68: {  	_ =	shalt  }
0x69: {  	_ =	shalt  }
0x6a: {  	_ =	shalt  }
0x6b: {  	_ =	shalt  }
0x6c: {  	_ =	shalt  }
0x6d: {  	_ =	shalt  }
0x6e: {  	_ =	shalt  }
0x6f: {  	_ =	shalt  }
0x70: {  	_ =	shalt  }
0x71: {  	_ =	shalt  }
0x72: {  	_ =	shalt  }
0x73: {  	_ =	shalt  }
0x74: {  	_ =	shalt  }
0x75: {  	_ =	shalt  }
0x76: {  	_ =	shalt  }
0x77: {  	_ =	shalt  }
0x78: {  	_ =	shalt  }
0x79: {  	_ =	shalt  }
0x7a: {  	_ =	shalt  }
0x7b: {  	_ =	shalt  }
0x7c: {  	_ =	shalt  }
0x7d: {  	_ =	shalt  }
0x7e: {  	_ =	shalt  }
0x7f: {  	_ =	shalt  }
0x80: {  	_ =	shalt  }
0x81: {  	_ =	shalt  }
0x82: {  	_ =	shalt  }
0x83: {  	_ =	shalt  }
0x84: {  	_ =	shalt  }
0x85: {  	_ =	shalt  }
0x86: {  	_ =	shalt  }
0x87: {  	_ =	shalt  }
.Lfunc_end0:
.L_simem_size_0:
called_computation_lowered:
.L_overlay_start_0:
0x88: {  	s2 =	sld [smem:$0x3FD9]  }
0x89: {  	s3 =	sld [smem:$0x3FFE];
	_ =	sdelay $0x1  }
0x8a: {  	s1 =	srdreg.scid  }
0x8b: {  	s0 =	sand.u32 $0x1, s1  }
0x8c: {  	s16 =	sshll.u32 s0, $0xA;
	s2 =	sadd.s32 s3, s2  }
0x8d: {  	s2 =	sadd.s32 s2, s16  }
0x8e: {  	[smem:$0x3FBB] =	sst s2  }
0x8f: {  	_ = 	snop  }
0x90: {  	(tm) =	ssettm $0x1  }
0x91: {  	s17 =	sld [smem:$0x3FFB];
	_ =	sdelay $0x3  }
0x92: {  	_ =	strace s17  }
0x93: {  	s2 =	sld [smem:$0x3FFC];
	_ =	sdelay $0x3  }
0x94: {  	_ =	strace s2  }
0x95: {  	s2 =	sld [smem:$0x3FFD];
	_ =	sdelay $0x3  }
0x96: {  	_ =	strace s2  }
0x97: {  	_ =	strace $0x8FFFFFFF  }
0x98: {  	s18 =	sld [smem:$0x3FDB];
	_ =	sdelay $0x1  }
0x99: {  	s19 =	simm.s32 $_scs_section_size  }
0x9a: {  	s4 =	simm.s32 $_size__tile_overlayer_lowered;
	s5 =	simm.s32 $_tile_overlayer_lowered  }
0x9b: {  	s22 =	simm.s32 $0x1BFF;
	s21 =	sshll.u32 s5, $0x1;
	s2 =	sadd.s32 s19, s18  }
0x9c: {  	s6 =	simm.s32 $0x0;
	s20 =	sshll.u32 s4, $0x1;
	s4 =	sadd.s32 s21, s2  }
0x9d: {  	[timem:s6], [sflag:s22] =	dma.local [hbm:s4], s20  }
0x9e: {  	_ =	swait.ge [sflag:s22], s20  }
0x9f: {  	s3 =	ssub.s32 $0x0, s20;
	[sflag:s22] =	ssyncset.done $0x0  }
0xa0: {  	[sflag:s22] =	ssyncadd.s32 s3;
	_ =	sdelay $0x1  }
0xa1: {  	s23 =	simm.s32 $0x1B8B  }
0xa2: {  	_ =	swait.ge [sflag:s23], $0x1  }
0xa3: {  	[sflag:s23] =	ssyncset.done $0x0  }
0xa4: {  	s25 =	simm.s32 $0x1B8E;
	s24 =	sld [smem:$0x3FFE];
	[sflag:s23] =	ssyncadd.s32 $0xFFFFFFFF  }
0xa5: {  	s26 =	simm.s32 $execute0_lowered;
	[smem:$0x3FD2] =	sst s25  }
0xa6: {  	s4 =	sshll.u32 s26, $0x1;
	_ =	strace $0x80000046;
	[dreg:$0x1] =	wrdreg $0xFFFFFFFF  }
0xa7: {  	s28 =	simm.s32 $_size_execute0_lowered;
	s2 =	sadd.s32 s2, s4;
	[dreg:$0x0] =	wrdreg $0x0  }
0xa8: {  	s4 =	sshll.u32 s28, $0x1;
	[dreg:$0x2] =	wrdreg s2  }
0xa9: {  	[dreg:$0x3] =	wrdreg s4  }
0xaa: {  	[dreg:$0x4] =	wrdreg $0xC0  }
0xab: {  	_ =	task [dreg:s6], $0x5FFFF  }
0xac: {  	[dreg:$0x1] =	wrdreg $0xFFFFFFFF  }
0xad: {  	[dreg:$0x0] =	wrdreg $0x60  }
0xae: {  	[dreg:$0x2] =	wrdreg s24  }
0xaf: {  	[dreg:$0x3] =	wrdreg $0x0  }
0xb0: {  	[dreg:$0x4] =	wrdreg $0x9  }
0xb1: {  	_ =	task.clear_ibuf [dreg:s6], $0x5FFFF;
	_ =	strace $0x90000046  }
0xb2: {  	s29 =	simm.s32 $0x9;
	_ =	strace $0x80000048  }
0xb3: {  	_ =	swait.ge [sflag:s29], $0x1  }
0xb4: {  	[sflag:s29] =	ssyncadd.s32 $0xFFFFFFFF  }
0xb5: {  	_ =	strace $0x90000048  }
0xb6: {  	_ =	sfence  }
0xb7: {  	s30 =	sld [smem:$0x0];
	_ =	sdelay $0x2  }
0xb8: {  	s31 =	sshll.u32 s1, $0xD;
	s1 =	sshrl.u32 s1, $0x2  }
0xb9: {  	s3 =	sand.u32 $0x4000, s31;
	s1 =	sadd.s32 s1, s30  }
0xba: {  	s0 =	sor.u32 s3, s0;
	s1 =	sshll.u32 s1, $0x11  }
0xbb: {  	s0 =	sor.u32 s1, s0  }
0xbc: {  	s0 =	sadd.s32 $0x8F2B, s0  }
0xbd: {  	[sflag:s0] =	ssyncadd.remote.s32 $0x1  }
0xbe: {  	_ =	sfence.sel $0xFFFF  }
0xbf: {  	[dreg:$0x0] =	wrdreg $0xFFFFFFFF;
	(pc) =	sbr.abs _section_cstart, $3  }
0xc0: {  	[dreg:$0x1] =	wrdreg $0xFFFFFFFF  }
0xc1: {  	_ =	task.clear_ibuf [dreg:s6], $0x2FFFF;
	_ =	strace $0x9FFFFFFF  }
0xc2: {  	(tm) =	ssettm $0x7FFFFFFF  }
0xc3: {  	_ =	shalt  }
tec
execute0_lowered:
.L_overlay_start_1:
0x0: {  	(tag) =	ssettag $0x1  }
0x1: {  	s4 =	rddreg [dreg:$0x0]  }
0x2: {  	s2 =	rddreg [dreg:$0x1]  }
0x3: {  	s0 =	rddreg [dreg:$0x2]  }
0x4: {  	s5 =	srdreg.scid;
	s1 =	stileid.u32  }
0x5: {  	s3 =	simm.s32 $0x0;
	s14 =	simm.s32 $0x580;
	s15 =	simm.s32 $0x600  }
0x6: {  	s16 =	simm.s32 $0x1;
	s17 =	simm.s32 $0x80;
	s18 =	simm.s32 $0x500  }
0x7: {  	s19 =	simm.s32 $0x3;
	s20 =	simm.s32 $0x2;
	s21 =	simm.s32 $0x4  }
0x8: {  	s22 =	simm.s32 $0x680;
	s23 =	simm.s32 $0x10;
	s6 =	smul.u32 $0x500, s1  }
0x9: {  	s25 =	simm.s32 $0x20;
	s5 =	sand.u32 $0x1, s5;
	s30 =	smul.u32 $0xA00, s1  }
0xa: {  	[smem:$0x7FF] =	sst s3;
	s11 =	sadd.s32 $0x3800, s4;
	s12 =	smul.u32 $0x2710, s1  }
0xb: {  	s24 =	sshll.u32 s1, $0x6;
	s7 =	sshll.u32 s5, $0x7;
	s8 =	sshll.u32 s5, $0x4  }
0xc: {  	_ =	strace $0x80000047;
	s29 =	ssub.s32 $0x2, s5;
	s10 =	smul.u32 $0x27100, s5  }
0xd: {  	s24 =	sor.u32 $0x1C05, s24;
	s6 =	sor.u32 s7, s6;
	s26 =	sor.u32 s1, s8  }
0xe: {  	s9 =	sshrl.u32 s29, $0x1;
	s31 =	sshrl.u32 s30, $0x2;
	s6 =	sshrl.u32 s6, $0x3  }
0xf: {  	s7 =	smul.u32 $0x2710, s26;
	s9 =	ssub.s32 s29, s9;
	s10 =	sadd.s32 s12, s10  }
0x10: {  	s26 =	simm.s32 $0x0;
	s28 =	sadd.s32 s6, s4;
	s4 =	sadd.s32 s31, s2  }
0x11: {  	s12 =	sadd.s32 $0x4E380, s10;
	s10 =	sadd.s32 $0x4E300, s10;
	s9 =	smax.u32 s9, $0x1  }
0x12: {  	s7 =	sshrl.u32 s7, $0x3;
	s8 =	sadd.s32 $0x17200, s28;
	s12 =	sshrl.u32 s12, $0x3  }
0x13: {  	s13 =	sshrl.u32 s10, $0x3;
	s7 =	sadd.s32 s11, s7;
	s10 =	sadd.s32 s12, s11  }
0x14: {  	s11 =	sadd.s32 s13, s11;
	s12 =	simm.s32 $0x280;
	s13 =	simm.s32 $0x5  }
0x15: {  	v0 =	vimm.f32 $0.0e+00;
	v1 =	vimm.f32 $1.000000000e+00;
	s5 =	sadd.s32 $0x9C40, s7;
	s6 =	sadd.s32 $0x9C50, s7;
	s7 =	sadd.s32 $0xA120, s7  }
.LBB2_1:
0x16: {  	[tilespmem:$0x280] =	vst v0  }
0x17: {  	[tilespmem:$0x290] =	vst v0  }
0x18: {  	[tilespmem:$0x2A0] =	vst v0  }
0x19: {  	[tilespmem:$0x2B0] =	vst v0  }
0x1a: {  	[tilespmem:$0x2C0] =	vst v0  }
0x1b: {  	[tilespmem:$0x2D0] =	vst v0  }
0x1c: {  	[tilespmem:$0x2E0] =	vst v0  }
0x1d: {  	[tilespmem:$0x2F0] =	vst v0  }
0x1e: {  	[tilespmem:$0x300] =	vst v0  }
0x1f: {  	[tilespmem:$0x310] =	vst v0  }
0x20: {  	[tilespmem:$0x320] =	vst v0  }
0x21: {  	[tilespmem:$0x330] =	vst v0  }
0x22: {  	[tilespmem:$0x340] =	vst v0  }
0x23: {  	[tilespmem:$0x350] =	vst v0  }
0x24: {  	[tilespmem:$0x360] =	vst v0  }
0x25: {  	[tilespmem:$0x370] =	vst v0  }
0x26: {  	[tilespmem:$0x380] =	vst v0  }
0x27: {  	[tilespmem:$0x390] =	vst v0  }
0x28: {  	[tilespmem:$0x3A0] =	vst v0  }
0x29: {  	[tilespmem:$0x3B0] =	vst v0  }
0x2a: {  	[tilespmem:$0x3C0] =	vst v0  }
0x2b: {  	[tilespmem:$0x3D0] =	vst v0  }
0x2c: {  	[tilespmem:$0x3E0] =	vst v0  }
0x2d: {  	[tilespmem:$0x3F0] =	vst v0  }
0x2e: {  	[tilespmem:$0x400] =	vst v0  }
0x2f: {  	[tilespmem:$0x410] =	vst v0  }
0x30: {  	[tilespmem:$0x420] =	vst v0  }
0x31: {  	[tilespmem:$0x430] =	vst v0  }
0x32: {  	[tilespmem:$0x440] =	vst v0  }
0x33: {  	[tilespmem:$0x450] =	vst v0  }
0x34: {  	[tilespmem:$0x460] =	vst v0  }
0x35: {  	[tilespmem:$0x470] =	vst v0  }
0x36: {  	[tilespmem:$0x480] =	vst v0  }
0x37: {  	[tilespmem:$0x490] =	vst v0  }
0x38: {  	[tilespmem:$0x4A0] =	vst v0  }
0x39: {  	[tilespmem:$0x4B0] =	vst v0  }
0x3a: {  	[tilespmem:$0x4C0] =	vst v0  }
0x3b: {  	[tilespmem:$0x4D0] =	vst v0  }
0x3c: {  	[tilespmem:$0x4E0] =	vst v0  }
0x3d: {  	[tilespmem:$0x4F0] =	vst v0  }
0x3e: {  	[tilespmem:$0x500] =	vst v1  }
0x3f: {  	[tilespmem:$0x510] =	vst v1  }
0x40: {  	[tilespmem:$0x520] =	vst v1  }
0x41: {  	[tilespmem:$0x530] =	vst v1  }
0x42: {  	[tilespmem:$0x540] =	vst v1  }
0x43: {  	[tilespmem:$0x550] =	vst v1  }
0x44: {  	[tilespmem:$0x560] =	vst v1  }
0x45: {  	[tilespmem:$0x570] =	vst v1  }
0x46: {  	[spmem:s4] =	stream.linear.scatter [tilespmem:s12], [sflag:$0x5], $0x280, $0x38;
	[tilespmem:$0x700] =	vst v63  }
0x47: {  	_ =	swait.ge [sflag:s13], $0x280  }
0x48: {  	[sflag:s13] =	ssyncset.done $0x0  }
0x49: {  	[sflag:s13] =	ssyncadd.s32 $0xFFFFFD80  }
0x4a: {  	[bflag:$0x0] =	sbarrier.arrive $0xFFFF  }
0x4b: {  	[tilespmem:s14], [sflag:$0x1] =	stream.linear.gather [hbm4b:s5+s3], $0x80, $0x38;
	[tilespmem:$0x700] =	vst v63  }
0x4c: {  	_ = 	snop  }
0x4d: {  	[tilespmem:s15], [sflag:$0x2] =	stream.linear.gather [hbm4b:s6+s3], $0x80, $0x38;
	[tilespmem:$0x700] =	vst v63  }
0x4e: {  	_ =	swait.ge [sflag:s16], $0x80  }
0x4f: {  	[sflag:s16] =	ssyncset.done $0x0  }
0x50: {  	[sflag:s16] =	ssyncadd.s32 $0xFFFFFF80  }
0x51: {  	[spmem:s2] =	stream.indirect.scatter.add.f32 [tilespmem:s18], [sflag:$0x3], $0x1, s14, s17, $0xb8;
	[tilespmem:$0x700] =	vst v63  }
0x52: {  	_ =	swait.ge [sflag:s19], $0x80  }
0x53: {  	[sflag:s19] =	ssyncset.done $0x0  }
0x54: {  	s28 =	sadd.s32 $0x0, s11;
	[sflag:s19] =	ssyncadd.s32 $0xFFFFFF80  }
0x55: {  	[tilespmem:s14], [sflag:$0x1] =	stream.linear.gather [hbm4b:s28+s3], $0x80, $0x38;
	[tilespmem:$0x700] =	vst v63  }
0x56: {  	_ =	swait.ge [sflag:s20], $0x80  }
0x57: {  	[sflag:s20] =	ssyncset.done $0x0  }
0x58: {  	[sflag:s20] =	ssyncadd.s32 $0xFFFFFF80  }
0x59: {  	[spmem:s2] =	stream.indirect.scatter.add.f32 [tilespmem:s18], [sflag:$0x4], $0x1, s15, s17, $0xb8;
	[tilespmem:$0x700] =	vst v63  }
0x5a: {  	_ =	swait.ge [sflag:s21], $0x80  }
0x5b: {  	[sflag:s21] =	ssyncset.done $0x0  }
0x5c: {  	s29 =	sadd.s32 $0x0, s10;
	s28 =	simm.s32 $0x20;
	[sflag:s21] =	ssyncadd.s32 $0xFFFFFF80  }
.LBB2_2:
0x5d: {  	[tilespmem:s15], [sflag:$0x2] =	stream.linear.gather [hbm4b:s29+s3], $0x80, $0x38;
	[tilespmem:$0x700] =	vst v63  }
0x5e: {  	s29 =	smov.u32 s28  }
0x5f: {  	p0 =	sne.s32 s28, $0x4A0;
	s28 =	sadd.s32 $0x20, s28;
	_ =	swait.ge [sflag:s16], $0x80  }
0x60: {  	[sflag:s16] =	ssyncset.done $0x0  }
0x61: {  	[sflag:s16] =	ssyncadd.s32 $0xFFFFFF80  }
0x62: {  	[spmem:s2] =	stream.indirect.scatter.add.f32 [tilespmem:s18], [sflag:$0x3], $0x1, s14, s17, $0xb8;
	[tilespmem:$0x700] =	vst v63  }
0x63: {  	_ =	swait.ge [sflag:s19], $0x80  }
0x64: {  	[sflag:s19] =	ssyncset.done $0x0  }
0x65: {  	s30 =	sadd.s32 s29, s11;
	[sflag:s19] =	ssyncadd.s32 $0xFFFFFF80  }
0x66: {  	[tilespmem:s14], [sflag:$0x1] =	stream.linear.gather [hbm4b:s30+s3], $0x80, $0x38;
	[tilespmem:$0x700] =	vst v63  }
0x67: {  	_ =	swait.ge [sflag:s20], $0x80  }
0x68: {  	[sflag:s20] =	ssyncset.done $0x0  }
.Ltmp0:
0x69: {  	[sflag:s20] =	ssyncadd.s32 $0xFFFFFF80;
	(pc) =	sbr.rel @p0 .LBB2_2-.Ltmp0, $4  }
0x6a: {  	[spmem:s2] =	stream.indirect.scatter.add.f32 [tilespmem:s18], [sflag:$0x4], $0x1, s15, s17, $0xb8;
	[tilespmem:$0x700] =	vst v63  }
0x6b: {  	_ =	swait.ge [sflag:s21], $0x80  }
0x6c: {  	[sflag:s21] =	ssyncset.done $0x0  }
0x6d: {  	s29 =	sadd.s32 s29, s10;
	[sflag:s21] =	ssyncadd.s32 $0xFFFFFF80  }
0x6e: {  	[tilespmem:s15], [sflag:$0x2] =	stream.linear.gather [hbm4b:s29+s3], $0x80, $0x38;
	[tilespmem:$0x700] =	vst v63  }
0x6f: {  	_ =	swait.ge [sflag:s16], $0x80  }
0x70: {  	[sflag:s16] =	ssyncset.done $0x0  }
0x71: {  	[sflag:s16] =	ssyncadd.s32 $0xFFFFFF80  }
0x72: {  	[spmem:s2] =	stream.indirect.scatter.add.f32 [tilespmem:s18], [sflag:$0x3], $0x1, s14, s17, $0xb8;
	[tilespmem:$0x700] =	vst v63  }
0x73: {  	_ =	swait.ge [sflag:s20], $0x80  }
0x74: {  	[sflag:s20] =	ssyncset.done $0x0  }
0x75: {  	[sflag:s20] =	ssyncadd.s32 $0xFFFFFF80  }
0x76: {  	[spmem:s2] =	stream.indirect.scatter.add.f32 [tilespmem:s18], [sflag:$0x4], $0x1, s15, s17, $0xb8;
	[tilespmem:$0x700] =	vst v63  }
0x77: {  	_ =	swait.ge [sflag:s19], $0x80  }
0x78: {  	[sflag:s19] =	ssyncset.done $0x0  }
0x79: {  	[sflag:s19] =	ssyncadd.s32 $0xFFFFFF80  }
0x7a: {  	_ =	swait.ge [sflag:s21], $0x80  }
0x7b: {  	[sflag:s21] =	ssyncset.done $0x0  }
0x7c: {  	[sflag:s21] =	ssyncadd.s32 $0xFFFFFF80  }
0x7d: {  	[tilespmem:s22], [sflag:$0x5] =	stream.linear.gather [hbm4b:s7+s3], $0x10, $0x38;
	[tilespmem:$0x700] =	vst v63  }
0x7e: {  	_ =	swait.ge [sflag:s13], $0x10  }
0x7f: {  	[sflag:s13] =	ssyncset.done $0x0  }
0x80: {  	[sflag:s13] =	ssyncadd.s32 $0xFFFFFFF0  }
0x81: {  	[spmem:s2] =	stream.indirect.scatter.add.f32 [tilespmem:s18], [sflag:$0x5], $0x1, s22, s23, $0xb8;
	[tilespmem:$0x700] =	vst v63  }
0x82: {  	_ =	swait.ge [sflag:s13], $0x10  }
0x83: {  	s26 =	sadd.s32 $0x1, s26;
	[sflag:s13] =	ssyncset.done $0x0  }
0x84: {  	p0 =	sne.s32 s26, s9;
	[sflag:s13] =	ssyncadd.s32 $0xFFFFFFF0  }
.Ltmp1:
0x85: {  	s28 =	sshrl.u32 s4, $0x3;
	[bflag:$0x0] =	sbarrier.arrive $0xFFFF;
	(pc) =	sbr.rel @p0 .LBB2_1-.Ltmp1, $4  }
0x86: {  	[hbm:s8@s25], [sflag:s24] =	dma.strided [spmem:s28@s23], $0x50, s16, $0x10   }
0x87: {  	_ =	swait.ge [sflag:s13], $0x50  }
0x88: {  	[sflag:s13] =	ssyncset.done $0x0  }
0x89: {  	[sflag:s13] =	ssyncadd.s32 $0xFFFFFFB0  }
0x8a: {  	_ =	sfence.sel $0x180000  }
0x8b: {  	[bflag:$0x0] =	sbarrier.arrive $0xFFFF  }
0x8c: {  	p0 =	sne.s32 s1, $0x0;
	_ =	strace $0x90000047  }
0x8d: {  	s0 =	sadd.s32 @!p0 $0x100000, s0;
	[bflag:$0x2] =	sbarrier.arrive $0xFFFF  }
0x8e: {  	[sflag:s0] =	ssyncadd.tile.s32 @!p0 $0x1;
	_ =	shalt  }
.Lfunc_end2:
_tile_overlayer_lowered:
.L_overlay_start_2:
0x8f: {  	(tag) =	ssettag $0x2  }
0x90: {  	s0 =	rddreg [dreg:$0x0];
	s2 =	stileid.u32  }
0x91: {  	s1 =	rddreg [dreg:$0x1];
	p0 =	sne.s32 s2, $0x0  }
0x92: {  	s3 =	rddreg [dreg:$0x2];
	[bflag:$0x3] =	sbarrier.arrive $0xFFFF;
	s2 =	simm.s32 @!p0 $0x1C05  }
0x93: {  	[timem:s3], [sflag:s2] =	dma.local @!p0 [hbm:s0], s1  }
0x94: {  	s0 =	simm.s32 @!p0 $0x5  }
0x95: {  	_ =	swait.ge @!p0 [sflag:s0], s1  }
0x96: {  	s1 =	ssub.s32 @!p0 $0x0, s1;
	[sflag:s0] =	ssyncset.done @!p0 $0x0  }
0x97: {  	[sflag:s0] =	ssyncadd.s32 @!p0 s1  }
0x98: {  	[bflag:$0x3] =	sbarrier.arrive $0xFFFF  }
0x99: {  	_ =	shalt  }

// kernel: kernel.14.cloned.1.call-start
scs
__scs_entry_jumppad:
0x0: {  	(pc) =	sbr.rel $0x88, $3  }
0x1: {  	(tag) =	ssettag $0x0;
	lr =	simm.s32 $0x1  }
0x2: {  	[smem:$0x3F94] =	sst lr;
	_ =	strace $0xD0000000  }
0x3: {  	_ = 	snop  }
0x4: {  	_ = 	snop  }
0x5: {  	_ = 	snop  }
0x6: {  	_ = 	snop  }
0x7: {  	_ = 	snop  }
__scs_overlays_trampoline_lowered:
0x8: {  	[smem:$0x3FA3] =	sst s0  }
0x9: {  	[smem:$0x3FA4] =	sst s1  }
0xa: {  	[smem:$0x3FA5] =	sst s2  }
0xb: {  	[smem:$0x3FA6] =	sst s3  }
0xc: {  	[smem:$0x3FA7] =	sst s4  }
0xd: {  	[smem:$0x3FA8] =	sst s5  }
0xe: {  	[smem:$0x3FA9] =	sst s6  }
0xf: {  	[smem:$0x3FAA] =	sst s7  }
0x10: {  	[smem:$0x3FAB] =	sst s8  }
0x11: {  	[smem:$0x3FAC] =	sst s9;
	s0 =	simm.s32 @!p0 $0x0  }
0x12: {  	s1 =	sld [smem:$0x3F92];
	s0 =	simm.s32 @p0 $0x1  }
0x13: {  	[smem:$0x3FAD] =	sst s0;
	s0 =	simm.s32 @!p1 $0x0  }
0x14: {  	s2 =	sld [smem:$0x3F91];
	s0 =	simm.s32 @p1 $0x1  }
0x15: {  	[smem:$0x3FAE] =	sst s0;
	s0 =	simm.s32 @!p2 $0x0  }
0x16: {  	s3 =	sld [smem:$0x3FDB];
	s0 =	simm.s32 @p2 $0x1  }
0x17: {  	s4 =	simm.s32 $0x1BF5;
	[smem:$0x3FB0] =	sst s0  }
0x18: {  	s0 =	sld [smem:$0x3F93];
	_ =	swait.ge [sflag:s4], $0x0  }
0x19: {  	s7 =	sld [smem:$0x3F94]  }
0x1a: {  	s8 =	sadd.s32 $0xFFFFE003, lr  }
0x1b: {  	s9 =	sadd.s32 $0xFFFFFEF7, lr;
	s5 =	simm.s32 $0xFFFFFFFF;
	p2 =	slt.u32 s8, $0xFFFFF086  }
0x1c: {  	p1 =	slt.u32 s9, $0xF7A;
	s5 =	simm.s32 @!p2 $0x0  }
0x1d: {  	s5 =	simm.s32 @p1 $0x1;
	p0 =	seq.s32 s7, s2  }
0x1e: {  	s7 =	smul.u32 @!p0 $0xF7A, s2;
	p2 =	seq.s32 @!p0 s5, $0x0  }
0x1f: {  	s9 =	smul.u32 $0xF7A, s1;
	s8 =	simm.s32 @!p0 $0x1BF5;
	p2 =	por !p2, p0  }
0x20: {  	[sflag:s8] =	ssyncset.s32 @!p0 $0xFFFFF086;
	s6 =	sadd.s32 @!p0 s3, s7;
	s7 =	simm.s32 @!p0 $0x108  }
0x21: {  	s3 =	sadd.s32 s3, s9;
	s6 =	sadd.s32 @!p0 $0x88, s6;
	s7 =	simm.s32 @p2 $0x1082  }
0x22: {  	[simem:s7], [sflag:s8] =	dma.local @!p0 [hbm:s6], $0xF7A  }
0x23: {  	s9 =	sor.u32 $0xD0000000, s2;
	s6 =	simm.s32 $0x108;
	_ =	swait.ge @!p0 [sflag:s8], $0x0  }
0x24: {  	s3 =	sadd.s32 $0x88, s3;
	s6 =	simm.s32 @!p1 $0x1082;
	[sflag:s4] =	ssyncset.s32 $0xFFFFF086  }
0x25: {  	[simem:s6], [sflag:s4] =	dma.local [hbm:s3], $0xF7A  }
0x26: {  	[smem:$0x3F94] =	sst s1;
	(tag) =	ssettag s2;
	_ =	strace s9  }
0x27: {  	s1 =	sld [smem:$0x3FA4]  }
0x28: {  	s2 =	sld [smem:$0x3FA5]  }
0x29: {  	s4 =	sld [smem:$0x3FA7]  }
0x2a: {  	p0 =	seq.s32 s5, $0x0;
	s5 =	sld [smem:$0x3FA8]  }
0x2b: {  	s6 =	sld [smem:$0x3FA9]  }
0x2c: {  	s7 =	sld [smem:$0x3FAA]  }
0x2d: {  	s3 =	simm.s32 $0x108;
	s8 =	sld [smem:$0x3FAB]  }
0x2e: {  	s3 =	simm.s32 @!p0 $0x1082;
	s9 =	sld [smem:$0x3FAC]  }
0x2f: {  	lr =	sadd.s32 s0, s3;
	s0 =	sld [smem:$0x3FA3]  }
0x30: {  	s3 =	sld [smem:$0x3FA6]  }
0x31: {  	[smem:$0x3FAF] =	sst s10  }
0x32: {  	s10 =	sld [smem:$0x3FAD];
	_ =	sdelay $0x3  }
0x33: {  	p0 =	seq.s32 s10, $0x1;
	s10 =	sld [smem:$0x3FAF];
	_ =	sdelay $0x3  }
0x34: {  	[smem:$0x3FAF] =	sst s10  }
0x35: {  	s10 =	sld [smem:$0x3FAE];
	_ =	sdelay $0x3  }
0x36: {  	p1 =	seq.s32 s10, $0x1;
	s10 =	sld [smem:$0x3FAF];
	_ =	sdelay $0x3  }
0x37: {  	[smem:$0x3FAF] =	sst s10  }
0x38: {  	s10 =	sld [smem:$0x3FB0]  }
0x39: {  	_ = 	snop;
	(pc) =	sbr.ind lr, $3  }
0x3a: {  	_ = 	snop  }
0x3b: {  	_ = 	snop  }
0x3c: {  	p2 =	seq.s32 s10, $0x1;
	s10 =	sld [smem:$0x3FAF]  }
0x3d: {  	_ =	shalt  }
0x3e: {  	_ =	shalt  }
0x3f: {  	_ =	shalt  }
0x40: {  	_ =	shalt  }
0x41: {  	_ =	shalt  }
0x42: {  	_ =	shalt  }
0x43: {  	_ =	shalt  }
0x44: {  	_ =	shalt  }
0x45: {  	_ =	shalt  }
0x46: {  	_ =	shalt  }
0x47: {  	_ =	shalt  }
0x48: {  	_ =	shalt  }
0x49: {  	_ =	shalt  }
0x4a: {  	_ =	shalt  }
0x4b: {  	_ =	shalt  }
0x4c: {  	_ =	shalt  }
0x4d: {  	_ =	shalt  }
0x4e: {  	_ =	shalt  }
0x4f: {  	_ =	shalt  }
0x50: {  	_ =	shalt  }
0x51: {  	_ =	shalt  }
0x52: {  	_ =	shalt  }
0x53: {  	_ =	shalt  }
0x54: {  	_ =	shalt  }
0x55: {  	_ =	shalt  }
0x56: {  	_ =	shalt  }
0x57: {  	_ =	shalt  }
0x58: {  	_ =	shalt  }
0x59: {  	_ =	shalt  }
0x5a: {  	_ =	shalt  }
0x5b: {  	_ =	shalt  }
0x5c: {  	_ =	shalt  }
0x5d: {  	_ =	shalt  }
0x5e: {  	_ =	shalt  }
0x5f: {  	_ =	shalt  }
0x60: {  	_ =	shalt  }
0x61: {  	_ =	shalt  }
0x62: {  	_ =	shalt  }
0x63: {  	_ =	shalt  }
0x64: {  	_ =	shalt  }
0x65: {  	_ =	shalt  }
0x66: {  	_ =	shalt  }
0x67: {  	_ =	shalt  }
0x68: {  	_ =	shalt  }
0x69: {  	_ =	shalt  }
0x6a: {  	_ =	shalt  }
0x6b: {  	_ =	shalt  }
0x6c: {  	_ =	shalt  }
0x6d: {  	_ =	shalt  }
0x6e: {  	_ =	shalt  }
0x6f: {  	_ =	shalt  }
0x70: {  	_ =	shalt  }
0x71: {  	_ =	shalt  }
0x72: {  	_ =	shalt  }
0x73: {  	_ =	shalt  }
0x74: {  	_ =	shalt  }
0x75: {  	_ =	shalt  }
0x76: {  	_ =	shalt  }
0x77: {  	_ =	shalt  }
0x78: {  	_ =	shalt  }
0x79: {  	_ =	shalt  }
0x7a: {  	_ =	shalt  }
0x7b: {  	_ =	shalt  }
0x7c: {  	_ =	shalt  }
0x7d: {  	_ =	shalt  }
0x7e: {  	_ =	shalt  }
0x7f: {  	_ =	shalt  }
0x80: {  	_ =	shalt  }
0x81: {  	_ =	shalt  }
0x82: {  	_ =	shalt  }
0x83: {  	_ =	shalt  }
0x84: {  	_ =	shalt  }
0x85: {  	_ =	shalt  }
0x86: {  	_ =	shalt  }
0x87: {  	_ =	shalt  }
.Lfunc_end0:
.L_simem_size_0:
called_computation.1_lowered:
.L_overlay_start_0:
0x88: {  	s2 =	sld [smem:$0x3FD9]  }
0x89: {  	s3 =	sld [smem:$0x3FFE];
	_ =	sdelay $0x1  }
0x8a: {  	s1 =	srdreg.scid  }
0x8b: {  	s0 =	sand.u32 $0x1, s1  }
0x8c: {  	s16 =	sshll.u32 s0, $0xA;
	s2 =	sadd.s32 s3, s2  }
0x8d: {  	s2 =	sadd.s32 s2, s16  }
0x8e: {  	[smem:$0x3FBB] =	sst s2  }
0x8f: {  	_ = 	snop  }
0x90: {  	(tm) =	ssettm $0x1  }
0x91: {  	s17 =	sld [smem:$0x3FFB];
	_ =	sdelay $0x3  }
0x92: {  	_ =	strace s17  }
0x93: {  	s2 =	sld [smem:$0x3FFC];
	_ =	sdelay $0x3  }
0x94: {  	_ =	strace s2  }
0x95: {  	s2 =	sld [smem:$0x3FFD];
	_ =	sdelay $0x3  }
0x96: {  	_ =	strace s2  }
0x97: {  	_ =	strace $0x8FFFFFFF  }
0x98: {  	s18 =	sld [smem:$0x3FDB];
	_ =	sdelay $0x1  }
0x99: {  	s19 =	simm.s32 $_scs_section_size  }
0x9a: {  	s4 =	simm.s32 $_size__tile_overlayer_lowered;
	s5 =	simm.s32 $_tile_overlayer_lowered  }
0x9b: {  	s22 =	simm.s32 $0x1BFF;
	s21 =	sshll.u32 s5, $0x1;
	s2 =	sadd.s32 s19, s18  }
0x9c: {  	s6 =	simm.s32 $0x0;
	s20 =	sshll.u32 s4, $0x1;
	s4 =	sadd.s32 s21, s2  }
0x9d: {  	[timem:s6], [sflag:s22] =	dma.local [hbm:s4], s20  }
0x9e: {  	_ =	swait.ge [sflag:s22], s20  }
0x9f: {  	s3 =	ssub.s32 $0x0, s20;
	[sflag:s22] =	ssyncset.done $0x0  }
0xa0: {  	[sflag:s22] =	ssyncadd.s32 s3;
	_ =	sdelay $0x1  }
0xa1: {  	s23 =	simm.s32 $0x1B8B  }
0xa2: {  	_ =	swait.ge [sflag:s23], $0x1  }
0xa3: {  	[sflag:s23] =	ssyncset.done $0x0  }
0xa4: {  	s25 =	simm.s32 $0x1B8E;
	s24 =	sld [smem:$0x3FFE];
	[sflag:s23] =	ssyncadd.s32 $0xFFFFFFFF  }
0xa5: {  	s26 =	simm.s32 $execute0_lowered;
	[smem:$0x3FD2] =	sst s25  }
0xa6: {  	s4 =	sshll.u32 s26, $0x1;
	_ =	strace $0x80000049;
	[dreg:$0x1] =	wrdreg $0xFFFFFFFF  }
0xa7: {  	s28 =	simm.s32 $_size_execute0_lowered;
	s2 =	sadd.s32 s2, s4;
	[dreg:$0x0] =	wrdreg $0x0  }
0xa8: {  	s4 =	sshll.u32 s28, $0x1;
	[dreg:$0x2] =	wrdreg s2  }
0xa9: {  	[dreg:$0x3] =	wrdreg s4  }
0xaa: {  	[dreg:$0x4] =	wrdreg $0xC0  }
0xab: {  	_ =	task [dreg:s6], $0x5FFFF  }
0xac: {  	[dreg:$0x1] =	wrdreg $0xFFFFFFFF  }
0xad: {  	[dreg:$0x0] =	wrdreg $0x60  }
0xae: {  	[dreg:$0x2] =	wrdreg s24  }
0xaf: {  	[dreg:$0x3] =	wrdreg $0x0  }
0xb0: {  	[dreg:$0x4] =	wrdreg $0x9  }
0xb1: {  	_ =	task.clear_ibuf [dreg:s6], $0x5FFFF;
	_ =	strace $0x90000049  }
0xb2: {  	s29 =	simm.s32 $0x9;
	_ =	strace $0x8000004B  }
0xb3: {  	_ =	swait.ge [sflag:s29], $0x1  }
0xb4: {  	[sflag:s29] =	ssyncadd.s32 $0xFFFFFFFF  }
0xb5: {  	_ =	strace $0x9000004B  }
0xb6: {  	_ =	sfence  }
0xb7: {  	s30 =	sld [smem:$0x0];
	_ =	sdelay $0x2  }
0xb8: {  	s31 =	sshll.u32 s1, $0xD;
	s1 =	sshrl.u32 s1, $0x2  }
0xb9: {  	s3 =	sand.u32 $0x4000, s31;
	s1 =	sadd.s32 s1, s30  }
0xba: {  	s0 =	sor.u32 s3, s0;
	s1 =	sshll.u32 s1, $0x11  }
0xbb: {  	s0 =	sor.u32 s1, s0  }
0xbc: {  	s0 =	sadd.s32 $0x8F2B, s0  }
0xbd: {  	[sflag:s0] =	ssyncadd.remote.s32 $0x1  }
0xbe: {  	_ =	sfence.sel $0xFFFF  }
0xbf: {  	[dreg:$0x0] =	wrdreg $0xFFFFFFFF;
	(pc) =	sbr.abs _section_cstart, $3  }
0xc0: {  	[dreg:$0x1] =	wrdreg $0xFFFFFFFF  }
0xc1: {  	_ =	task.clear_ibuf [dreg:s6], $0x2FFFF;
	_ =	strace $0x9FFFFFFF  }
0xc2: {  	(tm) =	ssettm $0x7FFFFFFF  }
0xc3: {  	_ =	shalt  }
tec
execute0_lowered:
.L_overlay_start_1:
0x0: {  	(tag) =	ssettag $0x1  }
0x1: {  	s0 =	rddreg [dreg:$0x0]  }
0x2: {  	s1 =	rddreg [dreg:$0x1];
	s2 =	srdreg.scid  }
0x3: {  	s3 =	simm.s32 $0x0;
	s11 =	stileid.u32;
	s28 =	simm.s32 $0x7  }
0x4: {  	s29 =	simm.s32 $0x1EC80;
	s30 =	simm.s32 $0x1ED80;
	s22 =	smul.u32 $0x13800, s11  }
0x5: {  	s31 =	simm.s32 $0x1ED00;
	s2 =	sand.u32 $0x1, s2;
	s26 =	smul.u32 $0x4E000, s11  }
0x6: {  	[smem:$0x7FF] =	sst s3;
	s13 =	smul.u32 $0x2710, s11;
	p0 =	sne.s32 s11, $0xF  }
0x7: {  	s4 =	sshll.u32 s2, $0x4;
	_ =	strace $0x8000004A;
	s9 =	smul.u32 $0x138800, s2  }
0x8: {  	s7 =	ssub.s32 $0x2, s2;
	s2 =	smul.u32 $0x27100, s2;
	s5 =	sor.u32 s11, s4  }
0x9: {  	s4 =	sadd.s32 $0x17200, s0;
	s8 =	sshrl.u32 s7, $0x1;
	s11 =	simm.s32 $0x17880  }
0xa: {  	s6 =	smul.u32 $0x2710, s5;
	s5 =	sadd.s32 $0x3800, s0;
	s0 =	sadd.s32 $0x3E400, s0  }
0xb: {  	s8 =	ssub.s32 s7, s8;
	s7 =	sadd.s32 $0x138000, s1;
	s18 =	sadd.s32 s13, s2  }
0xc: {  	s13 =	simm.s32 $0x5;
	s15 =	smax.u32 s8, $0x1;
	s6 =	sshrl.u32 s6, $0x3  }
0xd: {  	s21 =	sadd.s32 $0x4E300, s18;
	[dreg:$0xb] =	wrdreg s15;
	s10 =	sadd.s32 s5, s6  }
0xe: {  	s8 =	simm.s32 $0x80;
	s12 =	sadd.s32 $0x9C40, s10;
	[dreg:$0x3] =	wrdreg s10  }
0xf: {  	s2 =	sshrl.u32 s21, $0x3;
	s23 =	sadd.s32 $0x10, s10;
	[dreg:$0x4] =	wrdreg s12  }
0x10: {  	s15 =	simm.s32 $0x2;
	s24 =	sadd.s32 $0x9C50, s10;
	[dreg:$0x5] =	wrdreg s23  }
0x11: {  	s6 =	sadd.s32 s22, s9;
	s25 =	sadd.s32 $0x4E0, s10;
	[dreg:$0x6] =	wrdreg s24  }
0x12: {  	s10 =	sadd.s32 $0xA120, s10;
	s6 =	sshrl.u32 s6, $0x3;
	[dreg:$0x7] =	wrdreg s25  }
0x13: {  	s9 =	sshrl.u32 s9, $0x3;
	[dreg:$0x8] =	wrdreg s10;
	s6 =	sadd.s32 s0, s6  }
0x14: {  	s12 =	sshrl.u32 s26, $0x2;
	s0 =	sadd.s32 s0, s9;
	s23 =	sadd.s32 $0x4E380, s18  }
0x15: {  	s25 =	sadd.s32 $0x180, s18;
	s9 =	simm.s32 $0x13880;
	s10 =	simm.s32 $0x4  }
0x16: {  	[dreg:$0x9] =	wrdreg s6;
	s14 =	sadd.s32 s12, s1;
	s0 =	sadd.s32 $0x27000, s0  }
0x17: {  	s24 =	sshrl.u32 s23, $0x3;
	s23 =	sadd.s32 $0x100, s18;
	s26 =	sshrl.u32 s25, $0x3  }
0x18: {  	s12 =	simm.s32 $0x1;
	[dreg:$0xa] =	wrdreg s0;
	s16 =	sadd.s32 $0x3400, s14  }
0x19: {  	s17 =	sadd.s32 $0x6800, s14;
	s19 =	sadd.s32 $0x9C00, s14;
	[dreg:$0xc] =	wrdreg s16  }
0x1a: {  	s20 =	sadd.s32 $0xD000, s14;
	s22 =	sadd.s32 $0x10400, s14;
	[dreg:$0xd] =	wrdreg s17  }
0x1b: {  	s24 =	sadd.s32 s24, s5;
	s25 =	sadd.s32 s26, s5;
	[dreg:$0xe] =	wrdreg s19  }
0x1c: {  	s26 =	simm.s32 $0x1B880;
	s0 =	simm.s32 $0x1EE00;
	[dreg:$0xf] =	wrdreg s20  }
0x1d: {  	[dreg:$0x10] =	wrdreg s22;
	s22 =	sadd.s32 s2, s5;
	s2 =	simm.s32 $0x3  }
0x1e: {  	v0 =	vimm.f32 $0.0e+00;
	s16 =	simm.s32 $0x6;
	s19 =	simm.s32 $0x10;
	s20 =	simm.s32 $0x0  }
.LBB2_1:
0x1f: {  	s6 =	simm.s32 $0x0;
	s17 =	simm.s32 $0x200  }
.LBB2_2:
0x20: {  	p1 =	sne.s32 s17, $0xCE00;
	[tilespmem:s6+$0x1B8F0] =	vst v0  }
0x21: {  	[tilespmem:s6+$0x1B880] =	vst v0  }
0x22: {  	[tilespmem:s6+$0x1B890] =	vst v0  }
.Ltmp0:
0x23: {  	[tilespmem:s6+$0x1B8A0] =	vst v0;
	(pc) =	sbr.rel @p1 .LBB2_2-.Ltmp0, $4  }
0x24: {  	[tilespmem:s6+$0x1B8B0] =	vst v0  }
0x25: {  	[tilespmem:s6+$0x1B8C0] =	vst v0  }
0x26: {  	[tilespmem:s6+$0x1B8D0] =	vst v0  }
0x27: {  	[tilespmem:s6+$0x1B8E0] =	vst v0;
	s6 =	sshra.s32 s17, $0x2;
	s17 =	sadd.s32 $0x200, s17  }
0x28: {  	[tilespmem:s6+$0x1B8F0] =	vst v0  }
0x29: {  	[tilespmem:s6+$0x1B880] =	vst v0  }
0x2a: {  	[tilespmem:s6+$0x1B890] =	vst v0  }
0x2b: {  	[tilespmem:s6+$0x1B8A0] =	vst v0  }
0x2c: {  	[tilespmem:s6+$0x1B8B0] =	vst v0  }
0x2d: {  	[tilespmem:s6+$0x1B8C0] =	vst v0  }
0x2e: {  	[tilespmem:s6+$0x1B8D0] =	vst v0  }
0x2f: {  	[tilespmem:s6+$0x1B8E0] =	vst v0  }
0x30: {  	[spmem:s14] =	stream.linear.scatter [tilespmem:s26], [sflag:$0x7], $0x3400, $0x38;
	[tilespmem:$0x1EF80] =	vst v63  }
0x31: {  	_ =	swait.ge [sflag:s28], $0x3400  }
0x32: {  	[sflag:s28] =	ssyncset.done $0x0  }
0x33: {  	s17 =	rddreg [dreg:$0xc];
	[sflag:s28] =	ssyncadd.s32 $0xFFFFCC00  }
0x34: {  	[spmem:s17] =	stream.linear.scatter [tilespmem:s26], [sflag:$0x7], $0x3400, $0x38;
	[tilespmem:$0x1EF80] =	vst v63  }
0x35: {  	_ =	swait.ge [sflag:s28], $0x3400  }
0x36: {  	[sflag:s28] =	ssyncset.done $0x0  }
0x37: {  	s18 =	rddreg [dreg:$0xd];
	[sflag:s28] =	ssyncadd.s32 $0xFFFFCC00  }
0x38: {  	[spmem:s18] =	stream.linear.scatter [tilespmem:s26], [sflag:$0x7], $0x3400, $0x38;
	[tilespmem:$0x1EF80] =	vst v63  }
0x39: {  	_ =	swait.ge [sflag:s28], $0x3400  }
0x3a: {  	[sflag:s28] =	ssyncset.done $0x0  }
0x3b: {  	s21 =	rddreg [dreg:$0xe];
	[sflag:s28] =	ssyncadd.s32 $0xFFFFCC00  }
0x3c: {  	[spmem:s21] =	stream.linear.scatter [tilespmem:s26], [sflag:$0x7], $0x3400, $0x38;
	[tilespmem:$0x1EF80] =	vst v63  }
0x3d: {  	_ =	swait.ge [sflag:s28], $0x3400  }
0x3e: {  	[sflag:s28] =	ssyncset.done $0x0  }
0x3f: {  	s17 =	rddreg [dreg:$0xf];
	[sflag:s28] =	ssyncadd.s32 $0xFFFFCC00  }
0x40: {  	[spmem:s17] =	stream.linear.scatter [tilespmem:s26], [sflag:$0x7], $0x3400, $0x38;
	[tilespmem:$0x1EF80] =	vst v63  }
0x41: {  	_ =	swait.ge [sflag:s28], $0x3400  }
0x42: {  	[sflag:s28] =	ssyncset.done $0x0  }
0x43: {  	s18 =	rddreg [dreg:$0x10];
	[sflag:s28] =	ssyncadd.s32 $0xFFFFCC00  }
0x44: {  	[spmem:s18] =	stream.linear.scatter [tilespmem:s26], [sflag:$0x7], $0x3400, $0x38;
	[tilespmem:$0x1EF80] =	vst v63  }
0x45: {  	_ =	swait.ge [sflag:s28], $0x3400  }
0x46: {  	[sflag:s28] =	ssyncset.done $0x0  }
0x47: {  	s6 =	simm.s32 @!p0 $0x1B880;
	[sflag:s28] =	ssyncadd.s32 $0xFFFFCC00  }
0x48: {  	[spmem:s7] =	stream.linear.scatter @!p0 [tilespmem:s6], [sflag:$0x7], $0x800, $0x38;
	[tilespmem:$0x1EF80] =	vst v63  }
0x49: {  	s6 =	simm.s32 @!p0 $0x7  }
0x4a: {  	_ =	swait.ge @!p0 [sflag:s6], $0x800  }
0x4b: {  	[sflag:s6] =	ssyncset.done @!p0 $0x0  }
0x4c: {  	[sflag:s6] =	ssyncadd.s32 @!p0 $0xFFFFF800  }
0x4d: {  	[bflag:$0x0] =	sbarrier.arrive $0xFFFF  }
0x4e: {  	s6 =	simm.s32 $0x0;
	s17 =	rddreg [dreg:$0x3]  }
0x4f: {  	[tilespmem:s29], [sflag:$0x3] =	stream.linear.gather [hbm4b:s17+s6], $0x80, $0x38;
	[tilespmem:$0x1EF80] =	vst v63  }
0x50: {  	s21 =	rddreg [dreg:$0x4]  }
0x51: {  	[tilespmem:s30], [sflag:$0x3] =	stream.linear.gather [hbm4b:s21+s6], $0x80, $0x38;
	[tilespmem:$0x1EF80] =	vst v63  }
0x52: {  	s18 =	rddreg [dreg:$0x5]  }
0x53: {  	[tilespmem:s31], [sflag:$0x4] =	stream.linear.gather [hbm4b:s18+s6], $0x80, $0x38;
	[tilespmem:$0x1EF80] =	vst v63  }
0x54: {  	s21 =	rddreg [dreg:$0x6]  }
0x55: {  	[tilespmem:s0], [sflag:$0x4] =	stream.linear.gather [hbm4b:s21+s6], $0x80, $0x38;
	[tilespmem:$0x1EF80] =	vst v63  }
0x56: {  	_ =	swait.ge [sflag:s2], $0x80  }
0x57: {  	[sflag:s2] =	ssyncset.done $0x0  }
0x58: {  	[sflag:s2] =	ssyncadd.s32 $0xFFFFFF80  }
0x59: {  	_ =	swait.ge [sflag:s2], $0x80  }
0x5a: {  	[sflag:s2] =	ssyncset.done $0x0  }
0x5b: {  	[sflag:s2] =	ssyncadd.s32 $0xFFFFFF80  }
0x5c: {  	[tilespmem:s9], [sflag:$0x1] =	stream.indirect.gather [hbm4b:s4+s8], $0x80, s29, s8, $0xb8;
	[tilespmem:$0x1EF80] =	vst v63  }
0x5d: {  	_ =	swait.ge [sflag:s10], $0x80  }
0x5e: {  	[sflag:s10] =	ssyncset.done $0x0  }
0x5f: {  	[sflag:s10] =	ssyncadd.s32 $0xFFFFFF80  }
0x60: {  	_ =	swait.ge [sflag:s10], $0x80  }
0x61: {  	[sflag:s10] =	ssyncset.done $0x0  }
0x62: {  	[sflag:s10] =	ssyncadd.s32 $0xFFFFFF80  }
0x63: {  	[tilespmem:s11], [sflag:$0x2] =	stream.indirect.gather [hbm4b:s4+s8], $0x80, s31, s8, $0xb8;
	[tilespmem:$0x1EF80] =	vst v63  }
0x64: {  	_ =	swait.ge [sflag:s12], $0x4000  }
0x65: {  	[sflag:s12] =	ssyncset.done $0x0  }
0x66: {  	[sflag:s12] =	ssyncadd.s32 $0xFFFFC000  }
0x67: {  	[spmem:s1] =	stream.indirect.scatter.add.f32 [tilespmem:s9], [sflag:$0x5], $0x80, s30, s8, $0xb8;
	[tilespmem:$0x1EF80] =	vst v63  }
0x68: {  	_ =	swait.ge [sflag:s13], $0x4000  }
0x69: {  	s17 =	sshrl.u32 s23, $0x3;
	[sflag:s13] =	ssyncset.done $0x0  }
0x6a: {  	s6 =	sadd.s32 s5, s17;
	[sflag:s13] =	ssyncadd.s32 $0xFFFFC000  }
0x6b: {  	[tilespmem:s29], [sflag:$0x3] =	stream.linear.gather [hbm4b:s6+s3], $0x80, $0x38;
	[tilespmem:$0x1EF80] =	vst v63  }
0x6c: {  	s18 =	sadd.s32 $0x0, s22  }
0x6d: {  	[tilespmem:s30], [sflag:$0x3] =	stream.linear.gather [hbm4b:s18+s3], $0x80, $0x38;
	[tilespmem:$0x1EF80] =	vst v63  }
0x6e: {  	_ =	swait.ge [sflag:s2], $0x80  }
0x6f: {  	[sflag:s2] =	ssyncset.done $0x0  }
0x70: {  	[sflag:s2] =	ssyncadd.s32 $0xFFFFFF80  }
0x71: {  	_ =	swait.ge [sflag:s2], $0x80  }
0x72: {  	[sflag:s2] =	ssyncset.done $0x0  }
0x73: {  	[sflag:s2] =	ssyncadd.s32 $0xFFFFFF80  }
0x74: {  	[tilespmem:s9], [sflag:$0x1] =	stream.indirect.gather [hbm4b:s4+s8], $0x80, s29, s8, $0xb8;
	[tilespmem:$0x1EF80] =	vst v63  }
0x75: {  	_ =	swait.ge [sflag:s15], $0x4000  }
0x76: {  	[sflag:s15] =	ssyncset.done $0x0  }
0x77: {  	[sflag:s15] =	ssyncadd.s32 $0xFFFFC000  }
0x78: {  	[spmem:s1] =	stream.indirect.scatter.add.f32 [tilespmem:s11], [sflag:$0x6], $0x80, s0, s8, $0xb8;
	[tilespmem:$0x1EF80] =	vst v63  }
0x79: {  	_ =	swait.ge [sflag:s16], $0x4000  }
0x7a: {  	[sflag:s16] =	ssyncset.done $0x0  }
0x7b: {  	s21 =	sadd.s32 $0x0, s25;
	[sflag:s16] =	ssyncadd.s32 $0xFFFFC000  }
0x7c: {  	[tilespmem:s31], [sflag:$0x4] =	stream.linear.gather [hbm4b:s21+s3], $0x80, $0x38;
	[tilespmem:$0x1EF80] =	vst v63  }
0x7d: {  	s17 =	sadd.s32 $0x0, s24;
	s6 =	sadd.s32 $0x100, s23;
	s21 =	simm.s32 $0x20  }
.LBB2_4:
0x7e: {  	[tilespmem:s0], [sflag:$0x4] =	stream.linear.gather [hbm4b:s17+s3], $0x80, $0x38;
	[tilespmem:$0x1EF80] =	vst v63  }
0x7f: {  	s17 =	smov.u32 s21  }
0x80: {  	p1 =	sne.s32 s21, $0x4A0;
	s21 =	sadd.s32 $0x20, s21;
	_ =	swait.ge [sflag:s10], $0x80  }
0x81: {  	[sflag:s10] =	ssyncset.done $0x0  }
0x82: {  	[sflag:s10] =	ssyncadd.s32 $0xFFFFFF80  }
0x83: {  	_ =	swait.ge [sflag:s10], $0x80  }
0x84: {  	[sflag:s10] =	ssyncset.done $0x0  }
0x85: {  	[sflag:s10] =	ssyncadd.s32 $0xFFFFFF80  }
0x86: {  	[tilespmem:s11], [sflag:$0x2] =	stream.indirect.gather [hbm4b:s4+s8], $0x80, s31, s8, $0xb8;
	[tilespmem:$0x1EF80] =	vst v63  }
0x87: {  	_ =	swait.ge [sflag:s12], $0x4000  }
0x88: {  	[sflag:s12] =	ssyncset.done $0x0  }
0x89: {  	[sflag:s12] =	ssyncadd.s32 $0xFFFFC000  }
0x8a: {  	[spmem:s1] =	stream.indirect.scatter.add.f32 [tilespmem:s9], [sflag:$0x5], $0x80, s30, s8, $0xb8;
	[tilespmem:$0x1EF80] =	vst v63  }
0x8b: {  	_ =	swait.ge [sflag:s13], $0x4000  }
0x8c: {  	s18 =	sshrl.u32 s6, $0x3;
	[sflag:s13] =	ssyncset.done $0x0  }
0x8d: {  	s18 =	sadd.s32 s5, s18;
	[sflag:s13] =	ssyncadd.s32 $0xFFFFC000  }
0x8e: {  	[tilespmem:s29], [sflag:$0x3] =	stream.linear.gather [hbm4b:s18+s3], $0x80, $0x38;
	[tilespmem:$0x1EF80] =	vst v63  }
0x8f: {  	s18 =	sadd.s32 s17, s22  }
0x90: {  	[tilespmem:s30], [sflag:$0x3] =	stream.linear.gather [hbm4b:s18+s3], $0x80, $0x38;
	[tilespmem:$0x1EF80] =	vst v63  }
0x91: {  	_ =	swait.ge [sflag:s2], $0x80  }
0x92: {  	[sflag:s2] =	ssyncset.done $0x0  }
0x93: {  	[sflag:s2] =	ssyncadd.s32 $0xFFFFFF80  }
0x94: {  	_ =	swait.ge [sflag:s2], $0x80  }
0x95: {  	[sflag:s2] =	ssyncset.done $0x0  }
0x96: {  	[sflag:s2] =	ssyncadd.s32 $0xFFFFFF80  }
0x97: {  	[tilespmem:s9], [sflag:$0x1] =	stream.indirect.gather [hbm4b:s4+s8], $0x80, s29, s8, $0xb8;
	[tilespmem:$0x1EF80] =	vst v63  }
0x98: {  	_ =	swait.ge [sflag:s15], $0x4000  }
0x99: {  	[sflag:s15] =	ssyncset.done $0x0  }
0x9a: {  	[sflag:s15] =	ssyncadd.s32 $0xFFFFC000  }
0x9b: {  	[spmem:s1] =	stream.indirect.scatter.add.f32 [tilespmem:s11], [sflag:$0x6], $0x80, s0, s8, $0xb8;
	[tilespmem:$0x1EF80] =	vst v63  }
.Ltmp1:
0x9c: {  	_ =	swait.ge [sflag:s16], $0x4000;
	(pc) =	sbr.rel @p1 .LBB2_4-.Ltmp1, $4  }
0x9d: {  	[sflag:s16] =	ssyncset.done $0x0  }
0x9e: {  	s18 =	sadd.s32 s17, s25;
	[sflag:s16] =	ssyncadd.s32 $0xFFFFC000  }
0x9f: {  	[tilespmem:s31], [sflag:$0x4] =	stream.linear.gather [hbm4b:s18+s3], $0x80, $0x38;
	[tilespmem:$0x1EF80] =	vst v63  }
0xa0: {  	s6 =	sadd.s32 $0x100, s6;
	s17 =	sadd.s32 s17, s24  }
0xa1: {  	[tilespmem:s0], [sflag:$0x4] =	stream.linear.gather [hbm4b:s17+s3], $0x80, $0x38;
	[tilespmem:$0x1EF80] =	vst v63  }
0xa2: {  	_ =	swait.ge [sflag:s10], $0x80  }
0xa3: {  	[sflag:s10] =	ssyncset.done $0x0  }
0xa4: {  	[sflag:s10] =	ssyncadd.s32 $0xFFFFFF80  }
0xa5: {  	_ =	swait.ge [sflag:s10], $0x80  }
0xa6: {  	[sflag:s10] =	ssyncset.done $0x0  }
0xa7: {  	[sflag:s10] =	ssyncadd.s32 $0xFFFFFF80  }
0xa8: {  	[tilespmem:s11], [sflag:$0x2] =	stream.indirect.gather [hbm4b:s4+s8], $0x80, s31, s8, $0xb8;
	[tilespmem:$0x1EF80] =	vst v63  }
0xa9: {  	_ =	swait.ge [sflag:s12], $0x4000  }
0xaa: {  	[sflag:s12] =	ssyncset.done $0x0  }
0xab: {  	[sflag:s12] =	ssyncadd.s32 $0xFFFFC000  }
0xac: {  	[spmem:s1] =	stream.indirect.scatter.add.f32 [tilespmem:s9], [sflag:$0x5], $0x80, s30, s8, $0xb8;
	[tilespmem:$0x1EF80] =	vst v63  }
0xad: {  	_ =	swait.ge [sflag:s15], $0x4000  }
0xae: {  	[sflag:s15] =	ssyncset.done $0x0  }
0xaf: {  	[sflag:s15] =	ssyncadd.s32 $0xFFFFC000  }
0xb0: {  	[spmem:s1] =	stream.indirect.scatter.add.f32 [tilespmem:s11], [sflag:$0x6], $0x80, s0, s8, $0xb8;
	[tilespmem:$0x1EF80] =	vst v63  }
0xb1: {  	_ =	swait.ge [sflag:s13], $0x4000  }
0xb2: {  	[sflag:s13] =	ssyncset.done $0x0  }
0xb3: {  	[sflag:s13] =	ssyncadd.s32 $0xFFFFC000  }
0xb4: {  	_ =	swait.ge [sflag:s16], $0x4000  }
0xb5: {  	[sflag:s16] =	ssyncset.done $0x0  }
0xb6: {  	s17 =	simm.s32 $0x1EE80;
	s6 =	rddreg [dreg:$0x7];
	[sflag:s16] =	ssyncadd.s32 $0xFFFFC000  }
0xb7: {  	[tilespmem:s17], [sflag:$0x7] =	stream.linear.gather [hbm4b:s6+s3], $0x10, $0x38;
	[tilespmem:$0x1EF80] =	vst v63  }
0xb8: {  	_ =	swait.ge [sflag:s28], $0x10  }
0xb9: {  	[sflag:s28] =	ssyncset.done $0x0  }
0xba: {  	s18 =	simm.s32 $0x1EF00;
	s21 =	rddreg [dreg:$0x8];
	[sflag:s28] =	ssyncadd.s32 $0xFFFFFFF0  }
0xbb: {  	[tilespmem:s18], [sflag:$0x7] =	stream.linear.gather [hbm4b:s21+s3], $0x10, $0x38;
	[tilespmem:$0x1EF80] =	vst v63  }
0xbc: {  	_ =	swait.ge [sflag:s28], $0x10  }
0xbd: {  	[sflag:s28] =	ssyncset.done $0x0  }
0xbe: {  	[sflag:s28] =	ssyncadd.s32 $0xFFFFFFF0  }
0xbf: {  	[tilespmem:s9], [sflag:$0x1] =	stream.indirect.gather [hbm4b:s4+s19], $0x80, s17, s19, $0xb8;
	[tilespmem:$0x1EF80] =	vst v63  }
0xc0: {  	_ =	swait.ge [sflag:s12], $0x800  }
0xc1: {  	[sflag:s12] =	ssyncset.done $0x0  }
0xc2: {  	[sflag:s12] =	ssyncadd.s32 $0xFFFFF800  }
0xc3: {  	[spmem:s1] =	stream.indirect.scatter.add.f32 [tilespmem:s9], [sflag:$0x7], $0x80, s18, s19, $0xb8;
	[tilespmem:$0x1EF80] =	vst v63  }
0xc4: {  	_ =	swait.ge [sflag:s28], $0x800  }
0xc5: {  	[sflag:s28] =	ssyncset.done $0x0  }
0xc6: {  	s17 =	stileid.u32;
	[sflag:s28] =	ssyncadd.s32 $0xFFFFF800  }
0xc7: {  	s6 =	sshll.u32 s17, $0x6;
	[bflag:$0x0] =	sbarrier.arrive $0xFFFF  }
0xc8: {  	s6 =	sor.u32 $0x1C07, s6;
	s18 =	sshrl.u32 s14, $0x3;
	s21 =	rddreg [dreg:$0x9]  }
0xc9: {  	[hbm:s21], [sflag:s6] =	dma.local [spmem:s18], $0x2700  }
0xca: {  	_ =	swait.ge [sflag:s28], $0x2700  }
0xcb: {  	[sflag:s28] =	ssyncset.done $0x0  }
0xcc: {  	s17 =	sshrl.u32 @!p0 s7, $0x3;
	s18 =	rddreg [dreg:$0xa];
	[sflag:s28] =	ssyncadd.s32 $0xFFFFD900  }
0xcd: {  	[hbm:s18], [sflag:s6] =	dma.local @!p0 [spmem:s17], $0x100  }
0xce: {  	s6 =	simm.s32 @!p0 $0x7  }
0xcf: {  	_ =	swait.ge @!p0 [sflag:s6], $0x100  }
0xd0: {  	s20 =	sadd.s32 $0x1, s20;
	s21 =	rddreg [dreg:$0xb]  }
0xd1: {  	p1 =	sne.s32 s20, s21  }
.Ltmp2:
0xd2: {  	_ = 	snop;
	(pc) =	sbr.rel @p1 .LBB2_1-.Ltmp2, $3  }
0xd3: {  	_ =	sdelay $0x1  }
0xd4: {  	[sflag:s6] =	ssyncset.done @!p0 $0x0  }
0xd5: {  	[sflag:s6] =	ssyncadd.s32 @!p0 $0xFFFFFF00  }
0xd6: {  	_ =	sfence.sel $0x180000  }
0xd7: {  	[bflag:$0x0] =	sbarrier.arrive $0xFFFF  }
0xd8: {  	_ =	strace $0x9000004A  }
0xd9: {  	s0 =	stileid.u32;
	[bflag:$0x2] =	sbarrier.arrive $0xFFFF  }
0xda: {  	p0 =	sne.s32 s0, $0x0;
	s0 =	rddreg [dreg:$0x2]  }
0xdb: {  	s0 =	sadd.s32 @!p0 $0x100000, s0  }
0xdc: {  	[sflag:s0] =	ssyncadd.tile.s32 @!p0 $0x1;
	_ =	shalt  }
.Lfunc_end2:
_tile_overlayer_lowered:
.L_overlay_start_2:
0xdd: {  	(tag) =	ssettag $0x2  }
0xde: {  	s0 =	rddreg [dreg:$0x0];
	s2 =	stileid.u32  }
0xdf: {  	s1 =	rddreg [dreg:$0x1];
	p0 =	sne.s32 s2, $0x0  }
0xe0: {  	s3 =	rddreg [dreg:$0x2];
	[bflag:$0x3] =	sbarrier.arrive $0xFFFF;
	s2 =	simm.s32 @!p0 $0x1C07  }
0xe1: {  	[timem:s3], [sflag:s2] =	dma.local @!p0 [hbm:s0], s1  }
0xe2: {  	s0 =	simm.s32 @!p0 $0x7  }
0xe3: {  	_ =	swait.ge @!p0 [sflag:s0], s1  }
0xe4: {  	s1 =	ssub.s32 @!p0 $0x0, s1;
	[sflag:s0] =	ssyncset.done @!p0 $0x0  }
0xe5: {  	[sflag:s0] =	ssyncadd.s32 @!p0 s1  }
0xe6: {  	[bflag:$0x3] =	sbarrier.arrive $0xFFFF  }
0xe7: {  	_ =	shalt  }

// kernel: kernel.17.cloned.1.call-start
scs
__scs_entry_jumppad:
0x0: {  	(pc) =	sbr.rel $0x88, $3  }
0x1: {  	(tag) =	ssettag $0x0;
	lr =	simm.s32 $0x1  }
0x2: {  	[smem:$0x3F94] =	sst lr;
	_ =	strace $0xD0000000  }
0x3: {  	_ = 	snop  }
0x4: {  	_ = 	snop  }
0x5: {  	_ = 	snop  }
0x6: {  	_ = 	snop  }
0x7: {  	_ = 	snop  }
__scs_overlays_trampoline_lowered:
0x8: {  	[smem:$0x3FA3] =	sst s0  }
0x9: {  	[smem:$0x3FA4] =	sst s1  }
0xa: {  	[smem:$0x3FA5] =	sst s2  }
0xb: {  	[smem:$0x3FA6] =	sst s3  }
0xc: {  	[smem:$0x3FA7] =	sst s4  }
0xd: {  	[smem:$0x3FA8] =	sst s5  }
0xe: {  	[smem:$0x3FA9] =	sst s6  }
0xf: {  	[smem:$0x3FAA] =	sst s7  }
0x10: {  	[smem:$0x3FAB] =	sst s8  }
0x11: {  	[smem:$0x3FAC] =	sst s9;
	s0 =	simm.s32 @!p0 $0x0  }
0x12: {  	s1 =	sld [smem:$0x3F92];
	s0 =	simm.s32 @p0 $0x1  }
0x13: {  	[smem:$0x3FAD] =	sst s0;
	s0 =	simm.s32 @!p1 $0x0  }
0x14: {  	s2 =	sld [smem:$0x3F91];
	s0 =	simm.s32 @p1 $0x1  }
0x15: {  	[smem:$0x3FAE] =	sst s0;
	s0 =	simm.s32 @!p2 $0x0  }
0x16: {  	s3 =	sld [smem:$0x3FDB];
	s0 =	simm.s32 @p2 $0x1  }
0x17: {  	s4 =	simm.s32 $0x1BF5;
	[smem:$0x3FB0] =	sst s0  }
0x18: {  	s0 =	sld [smem:$0x3F93];
	_ =	swait.ge [sflag:s4], $0x0  }
0x19: {  	s7 =	sld [smem:$0x3F94]  }
0x1a: {  	s8 =	sadd.s32 $0xFFFFE003, lr  }
0x1b: {  	s9 =	sadd.s32 $0xFFFFFEF7, lr;
	s5 =	simm.s32 $0xFFFFFFFF;
	p2 =	slt.u32 s8, $0xFFFFF086  }
0x1c: {  	p1 =	slt.u32 s9, $0xF7A;
	s5 =	simm.s32 @!p2 $0x0  }
0x1d: {  	s5 =	simm.s32 @p1 $0x1;
	p0 =	seq.s32 s7, s2  }
0x1e: {  	s7 =	smul.u32 @!p0 $0xF7A, s2;
	p2 =	seq.s32 @!p0 s5, $0x0  }
0x1f: {  	s9 =	smul.u32 $0xF7A, s1;
	s8 =	simm.s32 @!p0 $0x1BF5;
	p2 =	por !p2, p0  }
0x20: {  	[sflag:s8] =	ssyncset.s32 @!p0 $0xFFFFF086;
	s6 =	sadd.s32 @!p0 s3, s7;
	s7 =	simm.s32 @!p0 $0x108  }
0x21: {  	s3 =	sadd.s32 s3, s9;
	s6 =	sadd.s32 @!p0 $0x88, s6;
	s7 =	simm.s32 @p2 $0x1082  }
0x22: {  	[simem:s7], [sflag:s8] =	dma.local @!p0 [hbm:s6], $0xF7A  }
0x23: {  	s9 =	sor.u32 $0xD0000000, s2;
	s6 =	simm.s32 $0x108;
	_ =	swait.ge @!p0 [sflag:s8], $0x0  }
0x24: {  	s3 =	sadd.s32 $0x88, s3;
	s6 =	simm.s32 @!p1 $0x1082;
	[sflag:s4] =	ssyncset.s32 $0xFFFFF086  }
0x25: {  	[simem:s6], [sflag:s4] =	dma.local [hbm:s3], $0xF7A  }
0x26: {  	[smem:$0x3F94] =	sst s1;
	(tag) =	ssettag s2;
	_ =	strace s9  }
0x27: {  	s1 =	sld [smem:$0x3FA4]  }
0x28: {  	s2 =	sld [smem:$0x3FA5]  }
0x29: {  	s4 =	sld [smem:$0x3FA7]  }
0x2a: {  	p0 =	seq.s32 s5, $0x0;
	s5 =	sld [smem:$0x3FA8]  }
0x2b: {  	s6 =	sld [smem:$0x3FA9]  }
0x2c: {  	s7 =	sld [smem:$0x3FAA]  }
0x2d: {  	s3 =	simm.s32 $0x108;
	s8 =	sld [smem:$0x3FAB]  }
0x2e: {  	s3 =	simm.s32 @!p0 $0x1082;
	s9 =	sld [smem:$0x3FAC]  }
0x2f: {  	lr =	sadd.s32 s0, s3;
	s0 =	sld [smem:$0x3FA3]  }
0x30: {  	s3 =	sld [smem:$0x3FA6]  }
0x31: {  	[smem:$0x3FAF] =	sst s10  }
0x32: {  	s10 =	sld [smem:$0x3FAD];
	_ =	sdelay $0x3  }
0x33: {  	p0 =	seq.s32 s10, $0x1;
	s10 =	sld [smem:$0x3FAF];
	_ =	sdelay $0x3  }
0x34: {  	[smem:$0x3FAF] =	sst s10  }
0x35: {  	s10 =	sld [smem:$0x3FAE];
	_ =	sdelay $0x3  }
0x36: {  	p1 =	seq.s32 s10, $0x1;
	s10 =	sld [smem:$0x3FAF];
	_ =	sdelay $0x3  }
0x37: {  	[smem:$0x3FAF] =	sst s10  }
0x38: {  	s10 =	sld [smem:$0x3FB0]  }
0x39: {  	_ = 	snop;
	(pc) =	sbr.ind lr, $3  }
0x3a: {  	_ = 	snop  }
0x3b: {  	_ = 	snop  }
0x3c: {  	p2 =	seq.s32 s10, $0x1;
	s10 =	sld [smem:$0x3FAF]  }
0x3d: {  	_ =	shalt  }
0x3e: {  	_ =	shalt  }
0x3f: {  	_ =	shalt  }
0x40: {  	_ =	shalt  }
0x41: {  	_ =	shalt  }
0x42: {  	_ =	shalt  }
0x43: {  	_ =	shalt  }
0x44: {  	_ =	shalt  }
0x45: {  	_ =	shalt  }
0x46: {  	_ =	shalt  }
0x47: {  	_ =	shalt  }
0x48: {  	_ =	shalt  }
0x49: {  	_ =	shalt  }
0x4a: {  	_ =	shalt  }
0x4b: {  	_ =	shalt  }
0x4c: {  	_ =	shalt  }
0x4d: {  	_ =	shalt  }
0x4e: {  	_ =	shalt  }
0x4f: {  	_ =	shalt  }
0x50: {  	_ =	shalt  }
0x51: {  	_ =	shalt  }
0x52: {  	_ =	shalt  }
0x53: {  	_ =	shalt  }
0x54: {  	_ =	shalt  }
0x55: {  	_ =	shalt  }
0x56: {  	_ =	shalt  }
0x57: {  	_ =	shalt  }
0x58: {  	_ =	shalt  }
0x59: {  	_ =	shalt  }
0x5a: {  	_ =	shalt  }
0x5b: {  	_ =	shalt  }
0x5c: {  	_ =	shalt  }
0x5d: {  	_ =	shalt  }
0x5e: {  	_ =	shalt  }
0x5f: {  	_ =	shalt  }
0x60: {  	_ =	shalt  }
0x61: {  	_ =	shalt  }
0x62: {  	_ =	shalt  }
0x63: {  	_ =	shalt  }
0x64: {  	_ =	shalt  }
0x65: {  	_ =	shalt  }
0x66: {  	_ =	shalt  }
0x67: {  	_ =	shalt  }
0x68: {  	_ =	shalt  }
0x69: {  	_ =	shalt  }
0x6a: {  	_ =	shalt  }
0x6b: {  	_ =	shalt  }
0x6c: {  	_ =	shalt  }
0x6d: {  	_ =	shalt  }
0x6e: {  	_ =	shalt  }
0x6f: {  	_ =	shalt  }
0x70: {  	_ =	shalt  }
0x71: {  	_ =	shalt  }
0x72: {  	_ =	shalt  }
0x73: {  	_ =	shalt  }
0x74: {  	_ =	shalt  }
0x75: {  	_ =	shalt  }
0x76: {  	_ =	shalt  }
0x77: {  	_ =	shalt  }
0x78: {  	_ =	shalt  }
0x79: {  	_ =	shalt  }
0x7a: {  	_ =	shalt  }
0x7b: {  	_ =	shalt  }
0x7c: {  	_ =	shalt  }
0x7d: {  	_ =	shalt  }
0x7e: {  	_ =	shalt  }
0x7f: {  	_ =	shalt  }
0x80: {  	_ =	shalt  }
0x81: {  	_ =	shalt  }
0x82: {  	_ =	shalt  }
0x83: {  	_ =	shalt  }
0x84: {  	_ =	shalt  }
0x85: {  	_ =	shalt  }
0x86: {  	_ =	shalt  }
0x87: {  	_ =	shalt  }
.Lfunc_end0:
.L_simem_size_0:
called_computation.2_lowered:
.L_overlay_start_0:
0x88: {  	s2 =	sld [smem:$0x3FD9]  }
0x89: {  	s3 =	sld [smem:$0x3FFE];
	_ =	sdelay $0x1  }
0x8a: {  	s1 =	srdreg.scid  }
0x8b: {  	s0 =	sand.u32 $0x1, s1  }
0x8c: {  	s16 =	sshll.u32 s0, $0xA;
	s2 =	sadd.s32 s3, s2  }
0x8d: {  	s2 =	sadd.s32 s2, s16  }
0x8e: {  	[smem:$0x3FBB] =	sst s2  }
0x8f: {  	_ = 	snop  }
0x90: {  	(tm) =	ssettm $0x1  }
0x91: {  	s17 =	sld [smem:$0x3FFB];
	_ =	sdelay $0x3  }
0x92: {  	_ =	strace s17  }
0x93: {  	s2 =	sld [smem:$0x3FFC];
	_ =	sdelay $0x3  }
0x94: {  	_ =	strace s2  }
0x95: {  	s2 =	sld [smem:$0x3FFD];
	_ =	sdelay $0x3  }
0x96: {  	_ =	strace s2  }
0x97: {  	_ =	strace $0x8FFFFFFF  }
0x98: {  	s18 =	sld [smem:$0x3FDB];
	_ =	sdelay $0x1  }
0x99: {  	s19 =	simm.s32 $_scs_section_size  }
0x9a: {  	s4 =	simm.s32 $_size__tile_overlayer_lowered;
	s5 =	simm.s32 $_tile_overlayer_lowered  }
0x9b: {  	s22 =	simm.s32 $0x1BFF;
	s21 =	sshll.u32 s5, $0x1;
	s2 =	sadd.s32 s19, s18  }
0x9c: {  	s6 =	simm.s32 $0x0;
	s20 =	sshll.u32 s4, $0x1;
	s4 =	sadd.s32 s21, s2  }
0x9d: {  	[timem:s6], [sflag:s22] =	dma.local [hbm:s4], s20  }
0x9e: {  	_ =	swait.ge [sflag:s22], s20  }
0x9f: {  	s3 =	ssub.s32 $0x0, s20;
	[sflag:s22] =	ssyncset.done $0x0  }
0xa0: {  	[sflag:s22] =	ssyncadd.s32 s3;
	_ =	sdelay $0x1  }
0xa1: {  	s23 =	simm.s32 $0x1B8B  }
0xa2: {  	_ =	swait.ge [sflag:s23], $0x1  }
0xa3: {  	[sflag:s23] =	ssyncset.done $0x0  }
0xa4: {  	s25 =	simm.s32 $0x1B8E;
	s24 =	sld [smem:$0x3FFE];
	[sflag:s23] =	ssyncadd.s32 $0xFFFFFFFF  }
0xa5: {  	s26 =	simm.s32 $execute0_lowered;
	[smem:$0x3FD2] =	sst s25  }
0xa6: {  	s4 =	sshll.u32 s26, $0x1;
	_ =	strace $0x8000004C;
	[dreg:$0x1] =	wrdreg $0xFFFFFFFF  }
0xa7: {  	s28 =	simm.s32 $_size_execute0_lowered;
	s2 =	sadd.s32 s2, s4;
	[dreg:$0x0] =	wrdreg $0x0  }
0xa8: {  	s4 =	sshll.u32 s28, $0x1;
	[dreg:$0x2] =	wrdreg s2  }
0xa9: {  	[dreg:$0x3] =	wrdreg s4  }
0xaa: {  	[dreg:$0x4] =	wrdreg $0xC0  }
0xab: {  	_ =	task [dreg:s6], $0x5FFFF  }
0xac: {  	[dreg:$0x1] =	wrdreg $0xFFFFFFFF  }
0xad: {  	[dreg:$0x0] =	wrdreg $0x60  }
0xae: {  	[dreg:$0x2] =	wrdreg s24  }
0xaf: {  	[dreg:$0x3] =	wrdreg $0x0  }
0xb0: {  	[dreg:$0x4] =	wrdreg $0x9  }
0xb1: {  	_ =	task.clear_ibuf [dreg:s6], $0x5FFFF;
	_ =	strace $0x9000004C  }
0xb2: {  	s29 =	simm.s32 $0x9;
	_ =	strace $0x8000004E  }
0xb3: {  	_ =	swait.ge [sflag:s29], $0x1  }
0xb4: {  	[sflag:s29] =	ssyncadd.s32 $0xFFFFFFFF  }
0xb5: {  	_ =	strace $0x9000004E  }
0xb6: {  	_ =	sfence  }
0xb7: {  	s30 =	sld [smem:$0x0];
	_ =	sdelay $0x2  }
0xb8: {  	s31 =	sshll.u32 s1, $0xD;
	s1 =	sshrl.u32 s1, $0x2  }
0xb9: {  	s3 =	sand.u32 $0x4000, s31;
	s1 =	sadd.s32 s1, s30  }
0xba: {  	s0 =	sor.u32 s3, s0;
	s1 =	sshll.u32 s1, $0x11  }
0xbb: {  	s0 =	sor.u32 s1, s0  }
0xbc: {  	s0 =	sadd.s32 $0x8F2B, s0  }
0xbd: {  	[sflag:s0] =	ssyncadd.remote.s32 $0x1  }
0xbe: {  	_ =	sfence.sel $0xFFFF  }
0xbf: {  	[dreg:$0x0] =	wrdreg $0xFFFFFFFF;
	(pc) =	sbr.abs _section_cstart, $3  }
0xc0: {  	[dreg:$0x1] =	wrdreg $0xFFFFFFFF  }
0xc1: {  	_ =	task.clear_ibuf [dreg:s6], $0x2FFFF;
	_ =	strace $0x9FFFFFFF  }
0xc2: {  	(tm) =	ssettm $0x7FFFFFFF  }
0xc3: {  	_ =	shalt  }
tec
execute0_lowered:
.L_overlay_start_1:
0x0: {  	(tag) =	ssettag $0x1  }
0x1: {  	s0 =	rddreg [dreg:$0x0]  }
0x2: {  	s1 =	rddreg [dreg:$0x1];
	s2 =	srdreg.scid  }
0x3: {  	s3 =	simm.s32 $0x0;
	s11 =	stileid.u32;
	s28 =	simm.s32 $0x7  }
0x4: {  	s29 =	simm.s32 $0x1EC80;
	s30 =	simm.s32 $0x1ED80;
	s22 =	smul.u32 $0x13800, s11  }
0x5: {  	s31 =	simm.s32 $0x1ED00;
	s2 =	sand.u32 $0x1, s2;
	s26 =	smul.u32 $0x4E000, s11  }
0x6: {  	[smem:$0x7FF] =	sst s3;
	s13 =	smul.u32 $0x2710, s11;
	p0 =	sne.s32 s11, $0xF  }
0x7: {  	s4 =	sshll.u32 s2, $0x4;
	_ =	strace $0x8000004D;
	s9 =	smul.u32 $0x138800, s2  }
0x8: {  	s7 =	ssub.s32 $0x2, s2;
	s2 =	smul.u32 $0x27100, s2;
	s5 =	sor.u32 s11, s4  }
0x9: {  	s4 =	sadd.s32 $0x17200, s0;
	s8 =	sshrl.u32 s7, $0x1;
	s11 =	simm.s32 $0x17880  }
0xa: {  	s6 =	smul.u32 $0x2710, s5;
	s5 =	sadd.s32 $0x3800, s0;
	s0 =	sadd.s32 $0x3E400, s0  }
0xb: {  	s8 =	ssub.s32 s7, s8;
	s7 =	sadd.s32 $0x138000, s1;
	s18 =	sadd.s32 s13, s2  }
0xc: {  	s13 =	simm.s32 $0x5;
	s15 =	smax.u32 s8, $0x1;
	s6 =	sshrl.u32 s6, $0x3  }
0xd: {  	s21 =	sadd.s32 $0x4E300, s18;
	[dreg:$0xb] =	wrdreg s15;
	s10 =	sadd.s32 s5, s6  }
0xe: {  	s8 =	simm.s32 $0x80;
	s12 =	sadd.s32 $0x9C40, s10;
	[dreg:$0x3] =	wrdreg s10  }
0xf: {  	s2 =	sshrl.u32 s21, $0x3;
	s23 =	sadd.s32 $0x10, s10;
	[dreg:$0x4] =	wrdreg s12  }
0x10: {  	s15 =	simm.s32 $0x2;
	s24 =	sadd.s32 $0x9C50, s10;
	[dreg:$0x5] =	wrdreg s23  }
0x11: {  	s6 =	sadd.s32 s22, s9;
	s25 =	sadd.s32 $0x4E0, s10;
	[dreg:$0x6] =	wrdreg s24  }
0x12: {  	s10 =	sadd.s32 $0xA120, s10;
	s6 =	sshrl.u32 s6, $0x3;
	[dreg:$0x7] =	wrdreg s25  }
0x13: {  	s9 =	sshrl.u32 s9, $0x3;
	[dreg:$0x8] =	wrdreg s10;
	s6 =	sadd.s32 s0, s6  }
0x14: {  	s12 =	sshrl.u32 s26, $0x2;
	s0 =	sadd.s32 s0, s9;
	s23 =	sadd.s32 $0x4E380, s18  }
0x15: {  	s25 =	sadd.s32 $0x180, s18;
	s9 =	simm.s32 $0x13880;
	s10 =	simm.s32 $0x4  }
0x16: {  	[dreg:$0x9] =	wrdreg s6;
	s14 =	sadd.s32 s12, s1;
	s0 =	sadd.s32 $0x27000, s0  }
0x17: {  	s24 =	sshrl.u32 s23, $0x3;
	s23 =	sadd.s32 $0x100, s18;
	s26 =	sshrl.u32 s25, $0x3  }
0x18: {  	s12 =	simm.s32 $0x1;
	[dreg:$0xa] =	wrdreg s0;
	s16 =	sadd.s32 $0x3400, s14  }
0x19: {  	s17 =	sadd.s32 $0x6800, s14;
	s19 =	sadd.s32 $0x9C00, s14;
	[dreg:$0xc] =	wrdreg s16  }
0x1a: {  	s20 =	sadd.s32 $0xD000, s14;
	s22 =	sadd.s32 $0x10400, s14;
	[dreg:$0xd] =	wrdreg s17  }
0x1b: {  	s24 =	sadd.s32 s24, s5;
	s25 =	sadd.s32 s26, s5;
	[dreg:$0xe] =	wrdreg s19  }
0x1c: {  	s26 =	simm.s32 $0x1B880;
	s0 =	simm.s32 $0x1EE00;
	[dreg:$0xf] =	wrdreg s20  }
0x1d: {  	[dreg:$0x10] =	wrdreg s22;
	s22 =	sadd.s32 s2, s5;
	s2 =	simm.s32 $0x3  }
0x1e: {  	v0 =	vimm.f32 $0.0e+00;
	s16 =	simm.s32 $0x6;
	s19 =	simm.s32 $0x10;
	s20 =	simm.s32 $0x0  }
.LBB2_1:
0x1f: {  	s6 =	simm.s32 $0x0;
	s17 =	simm.s32 $0x200  }
.LBB2_2:
0x20: {  	p1 =	sne.s32 s17, $0xCE00;
	[tilespmem:s6+$0x1B8F0] =	vst v0  }
0x21: {  	[tilespmem:s6+$0x1B880] =	vst v0  }
0x22: {  	[tilespmem:s6+$0x1B890] =	vst v0  }
.Ltmp0:
0x23: {  	[tilespmem:s6+$0x1B8A0] =	vst v0;
	(pc) =	sbr.rel @p1 .LBB2_2-.Ltmp0, $4  }
0x24: {  	[tilespmem:s6+$0x1B8B0] =	vst v0  }
0x25: {  	[tilespmem:s6+$0x1B8C0] =	vst v0  }
0x26: {  	[tilespmem:s6+$0x1B8D0] =	vst v0  }
0x27: {  	[tilespmem:s6+$0x1B8E0] =	vst v0;
	s6 =	sshra.s32 s17, $0x2;
	s17 =	sadd.s32 $0x200, s17  }
0x28: {  	[tilespmem:s6+$0x1B8F0] =	vst v0  }
0x29: {  	[tilespmem:s6+$0x1B880] =	vst v0  }
0x2a: {  	[tilespmem:s6+$0x1B890] =	vst v0  }
0x2b: {  	[tilespmem:s6+$0x1B8A0] =	vst v0  }
0x2c: {  	[tilespmem:s6+$0x1B8B0] =	vst v0  }
0x2d: {  	[tilespmem:s6+$0x1B8C0] =	vst v0  }
0x2e: {  	[tilespmem:s6+$0x1B8D0] =	vst v0  }
0x2f: {  	[tilespmem:s6+$0x1B8E0] =	vst v0  }
0x30: {  	[spmem:s14] =	stream.linear.scatter [tilespmem:s26], [sflag:$0x7], $0x3400, $0x38;
	[tilespmem:$0x1EF80] =	vst v63  }
0x31: {  	_ =	swait.ge [sflag:s28], $0x3400  }
0x32: {  	[sflag:s28] =	ssyncset.done $0x0  }
0x33: {  	s17 =	rddreg [dreg:$0xc];
	[sflag:s28] =	ssyncadd.s32 $0xFFFFCC00  }
0x34: {  	[spmem:s17] =	stream.linear.scatter [tilespmem:s26], [sflag:$0x7], $0x3400, $0x38;
	[tilespmem:$0x1EF80] =	vst v63  }
0x35: {  	_ =	swait.ge [sflag:s28], $0x3400  }
0x36: {  	[sflag:s28] =	ssyncset.done $0x0  }
0x37: {  	s18 =	rddreg [dreg:$0xd];
	[sflag:s28] =	ssyncadd.s32 $0xFFFFCC00  }
0x38: {  	[spmem:s18] =	stream.linear.scatter [tilespmem:s26], [sflag:$0x7], $0x3400, $0x38;
	[tilespmem:$0x1EF80] =	vst v63  }
0x39: {  	_ =	swait.ge [sflag:s28], $0x3400  }
0x3a: {  	[sflag:s28] =	ssyncset.done $0x0  }
0x3b: {  	s21 =	rddreg [dreg:$0xe];
	[sflag:s28] =	ssyncadd.s32 $0xFFFFCC00  }
0x3c: {  	[spmem:s21] =	stream.linear.scatter [tilespmem:s26], [sflag:$0x7], $0x3400, $0x38;
	[tilespmem:$0x1EF80] =	vst v63  }
0x3d: {  	_ =	swait.ge [sflag:s28], $0x3400  }
0x3e: {  	[sflag:s28] =	ssyncset.done $0x0  }
0x3f: {  	s17 =	rddreg [dreg:$0xf];
	[sflag:s28] =	ssyncadd.s32 $0xFFFFCC00  }
0x40: {  	[spmem:s17] =	stream.linear.scatter [tilespmem:s26], [sflag:$0x7], $0x3400, $0x38;
	[tilespmem:$0x1EF80] =	vst v63  }
0x41: {  	_ =	swait.ge [sflag:s28], $0x3400  }
0x42: {  	[sflag:s28] =	ssyncset.done $0x0  }
0x43: {  	s18 =	rddreg [dreg:$0x10];
	[sflag:s28] =	ssyncadd.s32 $0xFFFFCC00  }
0x44: {  	[spmem:s18] =	stream.linear.scatter [tilespmem:s26], [sflag:$0x7], $0x3400, $0x38;
	[tilespmem:$0x1EF80] =	vst v63  }
0x45: {  	_ =	swait.ge [sflag:s28], $0x3400  }
0x46: {  	[sflag:s28] =	ssyncset.done $0x0  }
0x47: {  	s6 =	simm.s32 @!p0 $0x1B880;
	[sflag:s28] =	ssyncadd.s32 $0xFFFFCC00  }
0x48: {  	[spmem:s7] =	stream.linear.scatter @!p0 [tilespmem:s6], [sflag:$0x7], $0x800, $0x38;
	[tilespmem:$0x1EF80] =	vst v63  }
0x49: {  	s6 =	simm.s32 @!p0 $0x7  }
0x4a: {  	_ =	swait.ge @!p0 [sflag:s6], $0x800  }
0x4b: {  	[sflag:s6] =	ssyncset.done @!p0 $0x0  }
0x4c: {  	[sflag:s6] =	ssyncadd.s32 @!p0 $0xFFFFF800  }
0x4d: {  	[bflag:$0x0] =	sbarrier.arrive $0xFFFF  }
0x4e: {  	s6 =	simm.s32 $0x0;
	s17 =	rddreg [dreg:$0x3]  }
0x4f: {  	[tilespmem:s29], [sflag:$0x3] =	stream.linear.gather [hbm4b:s17+s6], $0x80, $0x38;
	[tilespmem:$0x1EF80] =	vst v63  }
0x50: {  	s21 =	rddreg [dreg:$0x4]  }
0x51: {  	[tilespmem:s30], [sflag:$0x3] =	stream.linear.gather [hbm4b:s21+s6], $0x80, $0x38;
	[tilespmem:$0x1EF80] =	vst v63  }
0x52: {  	s18 =	rddreg [dreg:$0x5]  }
0x53: {  	[tilespmem:s31], [sflag:$0x4] =	stream.linear.gather [hbm4b:s18+s6], $0x80, $0x38;
	[tilespmem:$0x1EF80] =	vst v63  }
0x54: {  	s21 =	rddreg [dreg:$0x6]  }
0x55: {  	[tilespmem:s0], [sflag:$0x4] =	stream.linear.gather [hbm4b:s21+s6], $0x80, $0x38;
	[tilespmem:$0x1EF80] =	vst v63  }
0x56: {  	_ =	swait.ge [sflag:s2], $0x80  }
0x57: {  	[sflag:s2] =	ssyncset.done $0x0  }
0x58: {  	[sflag:s2] =	ssyncadd.s32 $0xFFFFFF80  }
0x59: {  	_ =	swait.ge [sflag:s2], $0x80  }
0x5a: {  	[sflag:s2] =	ssyncset.done $0x0  }
0x5b: {  	[sflag:s2] =	ssyncadd.s32 $0xFFFFFF80  }
0x5c: {  	[tilespmem:s9], [sflag:$0x1] =	stream.indirect.gather [hbm4b:s4+s8], $0x80, s29, s8, $0xb8;
	[tilespmem:$0x1EF80] =	vst v63  }
0x5d: {  	_ =	swait.ge [sflag:s10], $0x80  }
0x5e: {  	[sflag:s10] =	ssyncset.done $0x0  }
0x5f: {  	[sflag:s10] =	ssyncadd.s32 $0xFFFFFF80  }
0x60: {  	_ =	swait.ge [sflag:s10], $0x80  }
0x61: {  	[sflag:s10] =	ssyncset.done $0x0  }
0x62: {  	[sflag:s10] =	ssyncadd.s32 $0xFFFFFF80  }
0x63: {  	[tilespmem:s11], [sflag:$0x2] =	stream.indirect.gather [hbm4b:s4+s8], $0x80, s31, s8, $0xb8;
	[tilespmem:$0x1EF80] =	vst v63  }
0x64: {  	_ =	swait.ge [sflag:s12], $0x4000  }
0x65: {  	[sflag:s12] =	ssyncset.done $0x0  }
0x66: {  	[sflag:s12] =	ssyncadd.s32 $0xFFFFC000  }
0x67: {  	[spmem:s1] =	stream.indirect.scatter.add.f32 [tilespmem:s9], [sflag:$0x5], $0x80, s30, s8, $0xb8;
	[tilespmem:$0x1EF80] =	vst v63  }
0x68: {  	_ =	swait.ge [sflag:s13], $0x4000  }
0x69: {  	s17 =	sshrl.u32 s23, $0x3;
	[sflag:s13] =	ssyncset.done $0x0  }
0x6a: {  	s6 =	sadd.s32 s5, s17;
	[sflag:s13] =	ssyncadd.s32 $0xFFFFC000  }
0x6b: {  	[tilespmem:s29], [sflag:$0x3] =	stream.linear.gather [hbm4b:s6+s3], $0x80, $0x38;
	[tilespmem:$0x1EF80] =	vst v63  }
0x6c: {  	s18 =	sadd.s32 $0x0, s22  }
0x6d: {  	[tilespmem:s30], [sflag:$0x3] =	stream.linear.gather [hbm4b:s18+s3], $0x80, $0x38;
	[tilespmem:$0x1EF80] =	vst v63  }
0x6e: {  	_ =	swait.ge [sflag:s2], $0x80  }
0x6f: {  	[sflag:s2] =	ssyncset.done $0x0  }
0x70: {  	[sflag:s2] =	ssyncadd.s32 $0xFFFFFF80  }
0x71: {  	_ =	swait.ge [sflag:s2], $0x80  }
0x72: {  	[sflag:s2] =	ssyncset.done $0x0  }
0x73: {  	[sflag:s2] =	ssyncadd.s32 $0xFFFFFF80  }
0x74: {  	[tilespmem:s9], [sflag:$0x1] =	stream.indirect.gather [hbm4b:s4+s8], $0x80, s29, s8, $0xb8;
	[tilespmem:$0x1EF80] =	vst v63  }
0x75: {  	_ =	swait.ge [sflag:s15], $0x4000  }
0x76: {  	[sflag:s15] =	ssyncset.done $0x0  }
0x77: {  	[sflag:s15] =	ssyncadd.s32 $0xFFFFC000  }
0x78: {  	[spmem:s1] =	stream.indirect.scatter.add.f32 [tilespmem:s11], [sflag:$0x6], $0x80, s0, s8, $0xb8;
	[tilespmem:$0x1EF80] =	vst v63  }
0x79: {  	_ =	swait.ge [sflag:s16], $0x4000  }
0x7a: {  	[sflag:s16] =	ssyncset.done $0x0  }
0x7b: {  	s21 =	sadd.s32 $0x0, s25;
	[sflag:s16] =	ssyncadd.s32 $0xFFFFC000  }
0x7c: {  	[tilespmem:s31], [sflag:$0x4] =	stream.linear.gather [hbm4b:s21+s3], $0x80, $0x38;
	[tilespmem:$0x1EF80] =	vst v63  }
0x7d: {  	s17 =	sadd.s32 $0x0, s24;
	s6 =	sadd.s32 $0x100, s23;
	s21 =	simm.s32 $0x20  }
.LBB2_4:
0x7e: {  	[tilespmem:s0], [sflag:$0x4] =	stream.linear.gather [hbm4b:s17+s3], $0x80, $0x38;
	[tilespmem:$0x1EF80] =	vst v63  }
0x7f: {  	s17 =	smov.u32 s21  }
0x80: {  	p1 =	sne.s32 s21, $0x4A0;
	s21 =	sadd.s32 $0x20, s21;
	_ =	swait.ge [sflag:s10], $0x80  }
0x81: {  	[sflag:s10] =	ssyncset.done $0x0  }
0x82: {  	[sflag:s10] =	ssyncadd.s32 $0xFFFFFF80  }
0x83: {  	_ =	swait.ge [sflag:s10], $0x80  }
0x84: {  	[sflag:s10] =	ssyncset.done $0x0  }
0x85: {  	[sflag:s10] =	ssyncadd.s32 $0xFFFFFF80  }
0x86: {  	[tilespmem:s11], [sflag:$0x2] =	stream.indirect.gather [hbm4b:s4+s8], $0x80, s31, s8, $0xb8;
	[tilespmem:$0x1EF80] =	vst v63  }
0x87: {  	_ =	swait.ge [sflag:s12], $0x4000  }
0x88: {  	[sflag:s12] =	ssyncset.done $0x0  }
0x89: {  	[sflag:s12] =	ssyncadd.s32 $0xFFFFC000  }
0x8a: {  	[spmem:s1] =	stream.indirect.scatter.add.f32 [tilespmem:s9], [sflag:$0x5], $0x80, s30, s8, $0xb8;
	[tilespmem:$0x1EF80] =	vst v63  }
0x8b: {  	_ =	swait.ge [sflag:s13], $0x4000  }
0x8c: {  	s18 =	sshrl.u32 s6, $0x3;
	[sflag:s13] =	ssyncset.done $0x0  }
0x8d: {  	s18 =	sadd.s32 s5, s18;
	[sflag:s13] =	ssyncadd.s32 $0xFFFFC000  }
0x8e: {  	[tilespmem:s29], [sflag:$0x3] =	stream.linear.gather [hbm4b:s18+s3], $0x80, $0x38;
	[tilespmem:$0x1EF80] =	vst v63  }
0x8f: {  	s18 =	sadd.s32 s17, s22  }
0x90: {  	[tilespmem:s30], [sflag:$0x3] =	stream.linear.gather [hbm4b:s18+s3], $0x80, $0x38;
	[tilespmem:$0x1EF80] =	vst v63  }
0x91: {  	_ =	swait.ge [sflag:s2], $0x80  }
0x92: {  	[sflag:s2] =	ssyncset.done $0x0  }
0x93: {  	[sflag:s2] =	ssyncadd.s32 $0xFFFFFF80  }
0x94: {  	_ =	swait.ge [sflag:s2], $0x80  }
0x95: {  	[sflag:s2] =	ssyncset.done $0x0  }
0x96: {  	[sflag:s2] =	ssyncadd.s32 $0xFFFFFF80  }
0x97: {  	[tilespmem:s9], [sflag:$0x1] =	stream.indirect.gather [hbm4b:s4+s8], $0x80, s29, s8, $0xb8;
	[tilespmem:$0x1EF80] =	vst v63  }
0x98: {  	_ =	swait.ge [sflag:s15], $0x4000  }
0x99: {  	[sflag:s15] =	ssyncset.done $0x0  }
0x9a: {  	[sflag:s15] =	ssyncadd.s32 $0xFFFFC000  }
0x9b: {  	[spmem:s1] =	stream.indirect.scatter.add.f32 [tilespmem:s11], [sflag:$0x6], $0x80, s0, s8, $0xb8;
	[tilespmem:$0x1EF80] =	vst v63  }
.Ltmp1:
0x9c: {  	_ =	swait.ge [sflag:s16], $0x4000;
	(pc) =	sbr.rel @p1 .LBB2_4-.Ltmp1, $4  }
0x9d: {  	[sflag:s16] =	ssyncset.done $0x0  }
0x9e: {  	s18 =	sadd.s32 s17, s25;
	[sflag:s16] =	ssyncadd.s32 $0xFFFFC000  }
0x9f: {  	[tilespmem:s31], [sflag:$0x4] =	stream.linear.gather [hbm4b:s18+s3], $0x80, $0x38;
	[tilespmem:$0x1EF80] =	vst v63  }
0xa0: {  	s6 =	sadd.s32 $0x100, s6;
	s17 =	sadd.s32 s17, s24  }
0xa1: {  	[tilespmem:s0], [sflag:$0x4] =	stream.linear.gather [hbm4b:s17+s3], $0x80, $0x38;
	[tilespmem:$0x1EF80] =	vst v63  }
0xa2: {  	_ =	swait.ge [sflag:s10], $0x80  }
0xa3: {  	[sflag:s10] =	ssyncset.done $0x0  }
0xa4: {  	[sflag:s10] =	ssyncadd.s32 $0xFFFFFF80  }
0xa5: {  	_ =	swait.ge [sflag:s10], $0x80  }
0xa6: {  	[sflag:s10] =	ssyncset.done $0x0  }
0xa7: {  	[sflag:s10] =	ssyncadd.s32 $0xFFFFFF80  }
0xa8: {  	[tilespmem:s11], [sflag:$0x2] =	stream.indirect.gather [hbm4b:s4+s8], $0x80, s31, s8, $0xb8;
	[tilespmem:$0x1EF80] =	vst v63  }
0xa9: {  	_ =	swait.ge [sflag:s12], $0x4000  }
0xaa: {  	[sflag:s12] =	ssyncset.done $0x0  }
0xab: {  	[sflag:s12] =	ssyncadd.s32 $0xFFFFC000  }
0xac: {  	[spmem:s1] =	stream.indirect.scatter.add.f32 [tilespmem:s9], [sflag:$0x5], $0x80, s30, s8, $0xb8;
	[tilespmem:$0x1EF80] =	vst v63  }
0xad: {  	_ =	swait.ge [sflag:s15], $0x4000  }
0xae: {  	[sflag:s15] =	ssyncset.done $0x0  }
0xaf: {  	[sflag:s15] =	ssyncadd.s32 $0xFFFFC000  }
0xb0: {  	[spmem:s1] =	stream.indirect.scatter.add.f32 [tilespmem:s11], [sflag:$0x6], $0x80, s0, s8, $0xb8;
	[tilespmem:$0x1EF80] =	vst v63  }
0xb1: {  	_ =	swait.ge [sflag:s13], $0x4000  }
0xb2: {  	[sflag:s13] =	ssyncset.done $0x0  }
0xb3: {  	[sflag:s13] =	ssyncadd.s32 $0xFFFFC000  }
0xb4: {  	_ =	swait.ge [sflag:s16], $0x4000  }
0xb5: {  	[sflag:s16] =	ssyncset.done $0x0  }
0xb6: {  	s17 =	simm.s32 $0x1EE80;
	s6 =	rddreg [dreg:$0x7];
	[sflag:s16] =	ssyncadd.s32 $0xFFFFC000  }
0xb7: {  	[tilespmem:s17], [sflag:$0x7] =	stream.linear.gather [hbm4b:s6+s3], $0x10, $0x38;
	[tilespmem:$0x1EF80] =	vst v63  }
0xb8: {  	_ =	swait.ge [sflag:s28], $0x10  }
0xb9: {  	[sflag:s28] =	ssyncset.done $0x0  }
0xba: {  	s18 =	simm.s32 $0x1EF00;
	s21 =	rddreg [dreg:$0x8];
	[sflag:s28] =	ssyncadd.s32 $0xFFFFFFF0  }
0xbb: {  	[tilespmem:s18], [sflag:$0x7] =	stream.linear.gather [hbm4b:s21+s3], $0x10, $0x38;
	[tilespmem:$0x1EF80] =	vst v63  }
0xbc: {  	_ =	swait.ge [sflag:s28], $0x10  }
0xbd: {  	[sflag:s28] =	ssyncset.done $0x0  }
0xbe: {  	[sflag:s28] =	ssyncadd.s32 $0xFFFFFFF0  }
0xbf: {  	[tilespmem:s9], [sflag:$0x1] =	stream.indirect.gather [hbm4b:s4+s19], $0x80, s17, s19, $0xb8;
	[tilespmem:$0x1EF80] =	vst v63  }
0xc0: {  	_ =	swait.ge [sflag:s12], $0x800  }
0xc1: {  	[sflag:s12] =	ssyncset.done $0x0  }
0xc2: {  	[sflag:s12] =	ssyncadd.s32 $0xFFFFF800  }
0xc3: {  	[spmem:s1] =	stream.indirect.scatter.add.f32 [tilespmem:s9], [sflag:$0x7], $0x80, s18, s19, $0xb8;
	[tilespmem:$0x1EF80] =	vst v63  }
0xc4: {  	_ =	swait.ge [sflag:s28], $0x800  }
0xc5: {  	[sflag:s28] =	ssyncset.done $0x0  }
0xc6: {  	s17 =	stileid.u32;
	[sflag:s28] =	ssyncadd.s32 $0xFFFFF800  }
0xc7: {  	s6 =	sshll.u32 s17, $0x6;
	[bflag:$0x0] =	sbarrier.arrive $0xFFFF  }
0xc8: {  	s6 =	sor.u32 $0x1C07, s6;
	s18 =	sshrl.u32 s14, $0x3;
	s21 =	rddreg [dreg:$0x9]  }
0xc9: {  	[hbm:s21], [sflag:s6] =	dma.local [spmem:s18], $0x2700  }
0xca: {  	_ =	swait.ge [sflag:s28], $0x2700  }
0xcb: {  	[sflag:s28] =	ssyncset.done $0x0  }
0xcc: {  	s17 =	sshrl.u32 @!p0 s7, $0x3;
	s18 =	rddreg [dreg:$0xa];
	[sflag:s28] =	ssyncadd.s32 $0xFFFFD900  }
0xcd: {  	[hbm:s18], [sflag:s6] =	dma.local @!p0 [spmem:s17], $0x100  }
0xce: {  	s6 =	simm.s32 @!p0 $0x7  }
0xcf: {  	_ =	swait.ge @!p0 [sflag:s6], $0x100  }
0xd0: {  	s20 =	sadd.s32 $0x1, s20;
	s21 =	rddreg [dreg:$0xb]  }
0xd1: {  	p1 =	sne.s32 s20, s21  }
.Ltmp2:
0xd2: {  	_ = 	snop;
	(pc) =	sbr.rel @p1 .LBB2_1-.Ltmp2, $3  }
0xd3: {  	_ =	sdelay $0x1  }
0xd4: {  	[sflag:s6] =	ssyncset.done @!p0 $0x0  }
0xd5: {  	[sflag:s6] =	ssyncadd.s32 @!p0 $0xFFFFFF00  }
0xd6: {  	_ =	sfence.sel $0x180000  }
0xd7: {  	[bflag:$0x0] =	sbarrier.arrive $0xFFFF  }
0xd8: {  	_ =	strace $0x9000004D  }
0xd9: {  	s0 =	stileid.u32;
	[bflag:$0x2] =	sbarrier.arrive $0xFFFF  }
0xda: {  	p0 =	sne.s32 s0, $0x0;
	s0 =	rddreg [dreg:$0x2]  }
0xdb: {  	s0 =	sadd.s32 @!p0 $0x100000, s0  }
0xdc: {  	[sflag:s0] =	ssyncadd.tile.s32 @!p0 $0x1;
	_ =	shalt  }
.Lfunc_end2:
_tile_overlayer_lowered:
.L_overlay_start_2:
0xdd: {  	(tag) =	ssettag $0x2  }
0xde: {  	s0 =	rddreg [dreg:$0x0];
	s2 =	stileid.u32  }
0xdf: {  	s1 =	rddreg [dreg:$0x1];
	p0 =	sne.s32 s2, $0x0  }
0xe0: {  	s3 =	rddreg [dreg:$0x2];
	[bflag:$0x3] =	sbarrier.arrive $0xFFFF;
	s2 =	simm.s32 @!p0 $0x1C07  }
0xe1: {  	[timem:s3], [sflag:s2] =	dma.local @!p0 [hbm:s0], s1  }
0xe2: {  	s0 =	simm.s32 @!p0 $0x7  }
0xe3: {  	_ =	swait.ge @!p0 [sflag:s0], s1  }
0xe4: {  	s1 =	ssub.s32 @!p0 $0x0, s1;
	[sflag:s0] =	ssyncset.done @!p0 $0x0  }
0xe5: {  	[sflag:s0] =	ssyncadd.s32 @!p0 s1  }
0xe6: {  	[bflag:$0x3] =	sbarrier.arrive $0xFFFF  }
0xe7: {  	_ =	shalt  }

// kernel: kernel.20.cloned.1.call-start
scs
__scs_entry_jumppad:
0x0: {  	(pc) =	sbr.rel $0x88, $3  }
0x1: {  	(tag) =	ssettag $0x0;
	lr =	simm.s32 $0x1  }
0x2: {  	[smem:$0x3F94] =	sst lr;
	_ =	strace $0xD0000000  }
0x3: {  	_ = 	snop  }
0x4: {  	_ = 	snop  }
0x5: {  	_ = 	snop  }
0x6: {  	_ = 	snop  }
0x7: {  	_ = 	snop  }
__scs_overlays_trampoline_lowered:
0x8: {  	[smem:$0x3FA3] =	sst s0  }
0x9: {  	[smem:$0x3FA4] =	sst s1  }
0xa: {  	[smem:$0x3FA5] =	sst s2  }
0xb: {  	[smem:$0x3FA6] =	sst s3  }
0xc: {  	[smem:$0x3FA7] =	sst s4  }
0xd: {  	[smem:$0x3FA8] =	sst s5  }
0xe: {  	[smem:$0x3FA9] =	sst s6  }
0xf: {  	[smem:$0x3FAA] =	sst s7  }
0x10: {  	[smem:$0x3FAB] =	sst s8  }
0x11: {  	[smem:$0x3FAC] =	sst s9;
	s0 =	simm.s32 @!p0 $0x0  }
0x12: {  	s1 =	sld [smem:$0x3F92];
	s0 =	simm.s32 @p0 $0x1  }
0x13: {  	[smem:$0x3FAD] =	sst s0;
	s0 =	simm.s32 @!p1 $0x0  }
0x14: {  	s2 =	sld [smem:$0x3F91];
	s0 =	simm.s32 @p1 $0x1  }
0x15: {  	[smem:$0x3FAE] =	sst s0;
	s0 =	simm.s32 @!p2 $0x0  }
0x16: {  	s3 =	sld [smem:$0x3FDB];
	s0 =	simm.s32 @p2 $0x1  }
0x17: {  	s4 =	simm.s32 $0x1BF5;
	[smem:$0x3FB0] =	sst s0  }
0x18: {  	s0 =	sld [smem:$0x3F93];
	_ =	swait.ge [sflag:s4], $0x0  }
0x19: {  	s7 =	sld [smem:$0x3F94]  }
0x1a: {  	s8 =	sadd.s32 $0xFFFFE003, lr  }
0x1b: {  	s9 =	sadd.s32 $0xFFFFFEF7, lr;
	s5 =	simm.s32 $0xFFFFFFFF;
	p2 =	slt.u32 s8, $0xFFFFF086  }
0x1c: {  	p1 =	slt.u32 s9, $0xF7A;
	s5 =	simm.s32 @!p2 $0x0  }
0x1d: {  	s5 =	simm.s32 @p1 $0x1;
	p0 =	seq.s32 s7, s2  }
0x1e: {  	s7 =	smul.u32 @!p0 $0xF7A, s2;
	p2 =	seq.s32 @!p0 s5, $0x0  }
0x1f: {  	s9 =	smul.u32 $0xF7A, s1;
	s8 =	simm.s32 @!p0 $0x1BF5;
	p2 =	por !p2, p0  }
0x20: {  	[sflag:s8] =	ssyncset.s32 @!p0 $0xFFFFF086;
	s6 =	sadd.s32 @!p0 s3, s7;
	s7 =	simm.s32 @!p0 $0x108  }
0x21: {  	s3 =	sadd.s32 s3, s9;
	s6 =	sadd.s32 @!p0 $0x88, s6;
	s7 =	simm.s32 @p2 $0x1082  }
0x22: {  	[simem:s7], [sflag:s8] =	dma.local @!p0 [hbm:s6], $0xF7A  }
0x23: {  	s9 =	sor.u32 $0xD0000000, s2;
	s6 =	simm.s32 $0x108;
	_ =	swait.ge @!p0 [sflag:s8], $0x0  }
0x24: {  	s3 =	sadd.s32 $0x88, s3;
	s6 =	simm.s32 @!p1 $0x1082;
	[sflag:s4] =	ssyncset.s32 $0xFFFFF086  }
0x25: {  	[simem:s6], [sflag:s4] =	dma.local [hbm:s3], $0xF7A  }
0x26: {  	[smem:$0x3F94] =	sst s1;
	(tag) =	ssettag s2;
	_ =	strace s9  }
0x27: {  	s1 =	sld [smem:$0x3FA4]  }
0x28: {  	s2 =	sld [smem:$0x3FA5]  }
0x29: {  	s4 =	sld [smem:$0x3FA7]  }
0x2a: {  	p0 =	seq.s32 s5, $0x0;
	s5 =	sld [smem:$0x3FA8]  }
0x2b: {  	s6 =	sld [smem:$0x3FA9]  }
0x2c: {  	s7 =	sld [smem:$0x3FAA]  }
0x2d: {  	s3 =	simm.s32 $0x108;
	s8 =	sld [smem:$0x3FAB]  }
0x2e: {  	s3 =	simm.s32 @!p0 $0x1082;
	s9 =	sld [smem:$0x3FAC]  }
0x2f: {  	lr =	sadd.s32 s0, s3;
	s0 =	sld [smem:$0x3FA3]  }
0x30: {  	s3 =	sld [smem:$0x3FA6]  }
0x31: {  	[smem:$0x3FAF] =	sst s10  }
0x32: {  	s10 =	sld [smem:$0x3FAD];
	_ =	sdelay $0x3  }
0x33: {  	p0 =	seq.s32 s10, $0x1;
	s10 =	sld [smem:$0x3FAF];
	_ =	sdelay $0x3  }
0x34: {  	[smem:$0x3FAF] =	sst s10  }
0x35: {  	s10 =	sld [smem:$0x3FAE];
	_ =	sdelay $0x3  }
0x36: {  	p1 =	seq.s32 s10, $0x1;
	s10 =	sld [smem:$0x3FAF];
	_ =	sdelay $0x3  }
0x37: {  	[smem:$0x3FAF] =	sst s10  }
0x38: {  	s10 =	sld [smem:$0x3FB0]  }
0x39: {  	_ = 	snop;
	(pc) =	sbr.ind lr, $3  }
0x3a: {  	_ = 	snop  }
0x3b: {  	_ = 	snop  }
0x3c: {  	p2 =	seq.s32 s10, $0x1;
	s10 =	sld [smem:$0x3FAF]  }
0x3d: {  	_ =	shalt  }
0x3e: {  	_ =	shalt  }
0x3f: {  	_ =	shalt  }
0x40: {  	_ =	shalt  }
0x41: {  	_ =	shalt  }
0x42: {  	_ =	shalt  }
0x43: {  	_ =	shalt  }
0x44: {  	_ =	shalt  }
0x45: {  	_ =	shalt  }
0x46: {  	_ =	shalt  }
0x47: {  	_ =	shalt  }
0x48: {  	_ =	shalt  }
0x49: {  	_ =	shalt  }
0x4a: {  	_ =	shalt  }
0x4b: {  	_ =	shalt  }
0x4c: {  	_ =	shalt  }
0x4d: {  	_ =	shalt  }
0x4e: {  	_ =	shalt  }
0x4f: {  	_ =	shalt  }
0x50: {  	_ =	shalt  }
0x51: {  	_ =	shalt  }
0x52: {  	_ =	shalt  }
0x53: {  	_ =	shalt  }
0x54: {  	_ =	shalt  }
0x55: {  	_ =	shalt  }
0x56: {  	_ =	shalt  }
0x57: {  	_ =	shalt  }
0x58: {  	_ =	shalt  }
0x59: {  	_ =	shalt  }
0x5a: {  	_ =	shalt  }
0x5b: {  	_ =	shalt  }
0x5c: {  	_ =	shalt  }
0x5d: {  	_ =	shalt  }
0x5e: {  	_ =	shalt  }
0x5f: {  	_ =	shalt  }
0x60: {  	_ =	shalt  }
0x61: {  	_ =	shalt  }
0x62: {  	_ =	shalt  }
0x63: {  	_ =	shalt  }
0x64: {  	_ =	shalt  }
0x65: {  	_ =	shalt  }
0x66: {  	_ =	shalt  }
0x67: {  	_ =	shalt  }
0x68: {  	_ =	shalt  }
0x69: {  	_ =	shalt  }
0x6a: {  	_ =	shalt  }
0x6b: {  	_ =	shalt  }
0x6c: {  	_ =	shalt  }
0x6d: {  	_ =	shalt  }
0x6e: {  	_ =	shalt  }
0x6f: {  	_ =	shalt  }
0x70: {  	_ =	shalt  }
0x71: {  	_ =	shalt  }
0x72: {  	_ =	shalt  }
0x73: {  	_ =	shalt  }
0x74: {  	_ =	shalt  }
0x75: {  	_ =	shalt  }
0x76: {  	_ =	shalt  }
0x77: {  	_ =	shalt  }
0x78: {  	_ =	shalt  }
0x79: {  	_ =	shalt  }
0x7a: {  	_ =	shalt  }
0x7b: {  	_ =	shalt  }
0x7c: {  	_ =	shalt  }
0x7d: {  	_ =	shalt  }
0x7e: {  	_ =	shalt  }
0x7f: {  	_ =	shalt  }
0x80: {  	_ =	shalt  }
0x81: {  	_ =	shalt  }
0x82: {  	_ =	shalt  }
0x83: {  	_ =	shalt  }
0x84: {  	_ =	shalt  }
0x85: {  	_ =	shalt  }
0x86: {  	_ =	shalt  }
0x87: {  	_ =	shalt  }
.Lfunc_end0:
.L_simem_size_0:
called_computation.3_lowered:
.L_overlay_start_0:
0x88: {  	s2 =	sld [smem:$0x3FD9]  }
0x89: {  	s3 =	sld [smem:$0x3FFE];
	_ =	sdelay $0x1  }
0x8a: {  	s1 =	srdreg.scid  }
0x8b: {  	s0 =	sand.u32 $0x1, s1  }
0x8c: {  	s16 =	sshll.u32 s0, $0xA;
	s2 =	sadd.s32 s3, s2  }
0x8d: {  	s2 =	sadd.s32 s2, s16  }
0x8e: {  	[smem:$0x3FBB] =	sst s2  }
0x8f: {  	_ = 	snop  }
0x90: {  	(tm) =	ssettm $0x1  }
0x91: {  	s17 =	sld [smem:$0x3FFB];
	_ =	sdelay $0x3  }
0x92: {  	_ =	strace s17  }
0x93: {  	s2 =	sld [smem:$0x3FFC];
	_ =	sdelay $0x3  }
0x94: {  	_ =	strace s2  }
0x95: {  	s2 =	sld [smem:$0x3FFD];
	_ =	sdelay $0x3  }
0x96: {  	_ =	strace s2  }
0x97: {  	_ =	strace $0x8FFFFFFF  }
0x98: {  	s18 =	sld [smem:$0x3FDB];
	_ =	sdelay $0x1  }
0x99: {  	s19 =	simm.s32 $_scs_section_size  }
0x9a: {  	s4 =	simm.s32 $_size__tile_overlayer_lowered;
	s5 =	simm.s32 $_tile_overlayer_lowered  }
0x9b: {  	s22 =	simm.s32 $0x1BFF;
	s21 =	sshll.u32 s5, $0x1;
	s2 =	sadd.s32 s19, s18  }
0x9c: {  	s6 =	simm.s32 $0x0;
	s20 =	sshll.u32 s4, $0x1;
	s4 =	sadd.s32 s21, s2  }
0x9d: {  	[timem:s6], [sflag:s22] =	dma.local [hbm:s4], s20  }
0x9e: {  	_ =	swait.ge [sflag:s22], s20  }
0x9f: {  	s3 =	ssub.s32 $0x0, s20;
	[sflag:s22] =	ssyncset.done $0x0  }
0xa0: {  	[sflag:s22] =	ssyncadd.s32 s3;
	_ =	sdelay $0x1  }
0xa1: {  	s23 =	simm.s32 $0x1B8B  }
0xa2: {  	_ =	swait.ge [sflag:s23], $0x1  }
0xa3: {  	[sflag:s23] =	ssyncset.done $0x0  }
0xa4: {  	s25 =	simm.s32 $0x1B8E;
	s24 =	sld [smem:$0x3FFE];
	[sflag:s23] =	ssyncadd.s32 $0xFFFFFFFF  }
0xa5: {  	s26 =	simm.s32 $execute0_lowered;
	[smem:$0x3FD2] =	sst s25  }
0xa6: {  	s4 =	sshll.u32 s26, $0x1;
	_ =	strace $0x8000004F;
	[dreg:$0x1] =	wrdreg $0xFFFFFFFF  }
0xa7: {  	s28 =	simm.s32 $_size_execute0_lowered;
	s2 =	sadd.s32 s2, s4;
	[dreg:$0x0] =	wrdreg $0x0  }
0xa8: {  	s4 =	sshll.u32 s28, $0x1;
	[dreg:$0x2] =	wrdreg s2  }
0xa9: {  	[dreg:$0x3] =	wrdreg s4  }
0xaa: {  	[dreg:$0x4] =	wrdreg $0xC0  }
0xab: {  	_ =	task [dreg:s6], $0x5FFFF  }
0xac: {  	[dreg:$0x1] =	wrdreg $0xFFFFFFFF  }
0xad: {  	[dreg:$0x0] =	wrdreg $0x60  }
0xae: {  	[dreg:$0x2] =	wrdreg s24  }
0xaf: {  	[dreg:$0x3] =	wrdreg $0x0  }
0xb0: {  	[dreg:$0x4] =	wrdreg $0x9  }
0xb1: {  	_ =	task.clear_ibuf [dreg:s6], $0x5FFFF;
	_ =	strace $0x9000004F  }
0xb2: {  	s29 =	simm.s32 $0x9;
	_ =	strace $0x80000051  }
0xb3: {  	_ =	swait.ge [sflag:s29], $0x1  }
0xb4: {  	[sflag:s29] =	ssyncadd.s32 $0xFFFFFFFF  }
0xb5: {  	_ =	strace $0x90000051  }
0xb6: {  	_ =	sfence  }
0xb7: {  	s30 =	sld [smem:$0x0];
	_ =	sdelay $0x2  }
0xb8: {  	s31 =	sshll.u32 s1, $0xD;
	s1 =	sshrl.u32 s1, $0x2  }
0xb9: {  	s3 =	sand.u32 $0x4000, s31;
	s1 =	sadd.s32 s1, s30  }
0xba: {  	s0 =	sor.u32 s3, s0;
	s1 =	sshll.u32 s1, $0x11  }
0xbb: {  	s0 =	sor.u32 s1, s0  }
0xbc: {  	s0 =	sadd.s32 $0x8F2B, s0  }
0xbd: {  	[sflag:s0] =	ssyncadd.remote.s32 $0x1  }
0xbe: {  	_ =	sfence.sel $0xFFFF  }
0xbf: {  	[dreg:$0x0] =	wrdreg $0xFFFFFFFF;
	(pc) =	sbr.abs _section_cstart, $3  }
0xc0: {  	[dreg:$0x1] =	wrdreg $0xFFFFFFFF  }
0xc1: {  	_ =	task.clear_ibuf [dreg:s6], $0x2FFFF;
	_ =	strace $0x9FFFFFFF  }
0xc2: {  	(tm) =	ssettm $0x7FFFFFFF  }
0xc3: {  	_ =	shalt  }
tec
execute0_lowered:
.L_overlay_start_1:
0x0: {  	(tag) =	ssettag $0x1  }
0x1: {  	s0 =	rddreg [dreg:$0x0]  }
0x2: {  	s1 =	rddreg [dreg:$0x1];
	s2 =	srdreg.scid  }
0x3: {  	s3 =	simm.s32 $0x0;
	s11 =	stileid.u32;
	s28 =	simm.s32 $0x7  }
0x4: {  	s29 =	simm.s32 $0x1EC80;
	s30 =	simm.s32 $0x1ED80;
	s22 =	smul.u32 $0x13800, s11  }
0x5: {  	s31 =	simm.s32 $0x1ED00;
	s2 =	sand.u32 $0x1, s2;
	s26 =	smul.u32 $0x4E000, s11  }
0x6: {  	[smem:$0x7FF] =	sst s3;
	s13 =	smul.u32 $0x2710, s11;
	p0 =	sne.s32 s11, $0xF  }
0x7: {  	s4 =	sshll.u32 s2, $0x4;
	_ =	strace $0x80000050;
	s9 =	smul.u32 $0x138800, s2  }
0x8: {  	s7 =	ssub.s32 $0x2, s2;
	s2 =	smul.u32 $0x27100, s2;
	s5 =	sor.u32 s11, s4  }
0x9: {  	s4 =	sadd.s32 $0x17200, s0;
	s8 =	sshrl.u32 s7, $0x1;
	s11 =	simm.s32 $0x17880  }
0xa: {  	s6 =	smul.u32 $0x2710, s5;
	s5 =	sadd.s32 $0x3800, s0;
	s0 =	sadd.s32 $0x3E400, s0  }
0xb: {  	s8 =	ssub.s32 s7, s8;
	s7 =	sadd.s32 $0x138000, s1;
	s18 =	sadd.s32 s13, s2  }
0xc: {  	s13 =	simm.s32 $0x5;
	s15 =	smax.u32 s8, $0x1;
	s6 =	sshrl.u32 s6, $0x3  }
0xd: {  	s21 =	sadd.s32 $0x4E300, s18;
	[dreg:$0xb] =	wrdreg s15;
	s10 =	sadd.s32 s5, s6  }
0xe: {  	s8 =	simm.s32 $0x80;
	s12 =	sadd.s32 $0x9C40, s10;
	[dreg:$0x3] =	wrdreg s10  }
0xf: {  	s2 =	sshrl.u32 s21, $0x3;
	s23 =	sadd.s32 $0x10, s10;
	[dreg:$0x4] =	wrdreg s12  }
0x10: {  	s15 =	simm.s32 $0x2;
	s24 =	sadd.s32 $0x9C50, s10;
	[dreg:$0x5] =	wrdreg s23  }
0x11: {  	s6 =	sadd.s32 s22, s9;
	s25 =	sadd.s32 $0x4E0, s10;
	[dreg:$0x6] =	wrdreg s24  }
0x12: {  	s10 =	sadd.s32 $0xA120, s10;
	s6 =	sshrl.u32 s6, $0x3;
	[dreg:$0x7] =	wrdreg s25  }
0x13: {  	s9 =	sshrl.u32 s9, $0x3;
	[dreg:$0x8] =	wrdreg s10;
	s6 =	sadd.s32 s0, s6  }
0x14: {  	s12 =	sshrl.u32 s26, $0x2;
	s0 =	sadd.s32 s0, s9;
	s23 =	sadd.s32 $0x4E380, s18  }
0x15: {  	s25 =	sadd.s32 $0x180, s18;
	s9 =	simm.s32 $0x13880;
	s10 =	simm.s32 $0x4  }
0x16: {  	[dreg:$0x9] =	wrdreg s6;
	s14 =	sadd.s32 s12, s1;
	s0 =	sadd.s32 $0x27000, s0  }
0x17: {  	s24 =	sshrl.u32 s23, $0x3;
	s23 =	sadd.s32 $0x100, s18;
	s26 =	sshrl.u32 s25, $0x3  }
0x18: {  	s12 =	simm.s32 $0x1;
	[dreg:$0xa] =	wrdreg s0;
	s16 =	sadd.s32 $0x3400, s14  }
0x19: {  	s17 =	sadd.s32 $0x6800, s14;
	s19 =	sadd.s32 $0x9C00, s14;
	[dreg:$0xc] =	wrdreg s16  }
0x1a: {  	s20 =	sadd.s32 $0xD000, s14;
	s22 =	sadd.s32 $0x10400, s14;
	[dreg:$0xd] =	wrdreg s17  }
0x1b: {  	s24 =	sadd.s32 s24, s5;
	s25 =	sadd.s32 s26, s5;
	[dreg:$0xe] =	wrdreg s19  }
0x1c: {  	s26 =	simm.s32 $0x1B880;
	s0 =	simm.s32 $0x1EE00;
	[dreg:$0xf] =	wrdreg s20  }
0x1d: {  	[dreg:$0x10] =	wrdreg s22;
	s22 =	sadd.s32 s2, s5;
	s2 =	simm.s32 $0x3  }
0x1e: {  	v0 =	vimm.f32 $0.0e+00;
	s16 =	simm.s32 $0x6;
	s19 =	simm.s32 $0x10;
	s20 =	simm.s32 $0x0  }
.LBB2_1:
0x1f: {  	s6 =	simm.s32 $0x0;
	s17 =	simm.s32 $0x200  }
.LBB2_2:
0x20: {  	p1 =	sne.s32 s17, $0xCE00;
	[tilespmem:s6+$0x1B8F0] =	vst v0  }
0x21: {  	[tilespmem:s6+$0x1B880] =	vst v0  }
0x22: {  	[tilespmem:s6+$0x1B890] =	vst v0  }
.Ltmp0:
0x23: {  	[tilespmem:s6+$0x1B8A0] =	vst v0;
	(pc) =	sbr.rel @p1 .LBB2_2-.Ltmp0, $4  }
0x24: {  	[tilespmem:s6+$0x1B8B0] =	vst v0  }
0x25: {  	[tilespmem:s6+$0x1B8C0] =	vst v0  }
0x26: {  	[tilespmem:s6+$0x1B8D0] =	vst v0  }
0x27: {  	[tilespmem:s6+$0x1B8E0] =	vst v0;
	s6 =	sshra.s32 s17, $0x2;
	s17 =	sadd.s32 $0x200, s17  }
0x28: {  	[tilespmem:s6+$0x1B8F0] =	vst v0  }
0x29: {  	[tilespmem:s6+$0x1B880] =	vst v0  }
0x2a: {  	[tilespmem:s6+$0x1B890] =	vst v0  }
0x2b: {  	[tilespmem:s6+$0x1B8A0] =	vst v0  }
0x2c: {  	[tilespmem:s6+$0x1B8B0] =	vst v0  }
0x2d: {  	[tilespmem:s6+$0x1B8C0] =	vst v0  }
0x2e: {  	[tilespmem:s6+$0x1B8D0] =	vst v0  }
0x2f: {  	[tilespmem:s6+$0x1B8E0] =	vst v0  }
0x30: {  	[spmem:s14] =	stream.linear.scatter [tilespmem:s26], [sflag:$0x7], $0x3400, $0x38;
	[tilespmem:$0x1EF80] =	vst v63  }
0x31: {  	_ =	swait.ge [sflag:s28], $0x3400  }
0x32: {  	[sflag:s28] =	ssyncset.done $0x0  }
0x33: {  	s17 =	rddreg [dreg:$0xc];
	[sflag:s28] =	ssyncadd.s32 $0xFFFFCC00  }
0x34: {  	[spmem:s17] =	stream.linear.scatter [tilespmem:s26], [sflag:$0x7], $0x3400, $0x38;
	[tilespmem:$0x1EF80] =	vst v63  }
0x35: {  	_ =	swait.ge [sflag:s28], $0x3400  }
0x36: {  	[sflag:s28] =	ssyncset.done $0x0  }
0x37: {  	s18 =	rddreg [dreg:$0xd];
	[sflag:s28] =	ssyncadd.s32 $0xFFFFCC00  }
0x38: {  	[spmem:s18] =	stream.linear.scatter [tilespmem:s26], [sflag:$0x7], $0x3400, $0x38;
	[tilespmem:$0x1EF80] =	vst v63  }
0x39: {  	_ =	swait.ge [sflag:s28], $0x3400  }
0x3a: {  	[sflag:s28] =	ssyncset.done $0x0  }
0x3b: {  	s21 =	rddreg [dreg:$0xe];
	[sflag:s28] =	ssyncadd.s32 $0xFFFFCC00  }
0x3c: {  	[spmem:s21] =	stream.linear.scatter [tilespmem:s26], [sflag:$0x7], $0x3400, $0x38;
	[tilespmem:$0x1EF80] =	vst v63  }
0x3d: {  	_ =	swait.ge [sflag:s28], $0x3400  }
0x3e: {  	[sflag:s28] =	ssyncset.done $0x0  }
0x3f: {  	s17 =	rddreg [dreg:$0xf];
	[sflag:s28] =	ssyncadd.s32 $0xFFFFCC00  }
0x40: {  	[spmem:s17] =	stream.linear.scatter [tilespmem:s26], [sflag:$0x7], $0x3400, $0x38;
	[tilespmem:$0x1EF80] =	vst v63  }
0x41: {  	_ =	swait.ge [sflag:s28], $0x3400  }
0x42: {  	[sflag:s28] =	ssyncset.done $0x0  }
0x43: {  	s18 =	rddreg [dreg:$0x10];
	[sflag:s28] =	ssyncadd.s32 $0xFFFFCC00  }
0x44: {  	[spmem:s18] =	stream.linear.scatter [tilespmem:s26], [sflag:$0x7], $0x3400, $0x38;
	[tilespmem:$0x1EF80] =	vst v63  }
0x45: {  	_ =	swait.ge [sflag:s28], $0x3400  }
0x46: {  	[sflag:s28] =	ssyncset.done $0x0  }
0x47: {  	s6 =	simm.s32 @!p0 $0x1B880;
	[sflag:s28] =	ssyncadd.s32 $0xFFFFCC00  }
0x48: {  	[spmem:s7] =	stream.linear.scatter @!p0 [tilespmem:s6], [sflag:$0x7], $0x800, $0x38;
	[tilespmem:$0x1EF80] =	vst v63  }
0x49: {  	s6 =	simm.s32 @!p0 $0x7  }
0x4a: {  	_ =	swait.ge @!p0 [sflag:s6], $0x800  }
0x4b: {  	[sflag:s6] =	ssyncset.done @!p0 $0x0  }
0x4c: {  	[sflag:s6] =	ssyncadd.s32 @!p0 $0xFFFFF800  }
0x4d: {  	[bflag:$0x0] =	sbarrier.arrive $0xFFFF  }
0x4e: {  	s6 =	simm.s32 $0x0;
	s17 =	rddreg [dreg:$0x3]  }
0x4f: {  	[tilespmem:s29], [sflag:$0x3] =	stream.linear.gather [hbm4b:s17+s6], $0x80, $0x38;
	[tilespmem:$0x1EF80] =	vst v63  }
0x50: {  	s21 =	rddreg [dreg:$0x4]  }
0x51: {  	[tilespmem:s30], [sflag:$0x3] =	stream.linear.gather [hbm4b:s21+s6], $0x80, $0x38;
	[tilespmem:$0x1EF80] =	vst v63  }
0x52: {  	s18 =	rddreg [dreg:$0x5]  }
0x53: {  	[tilespmem:s31], [sflag:$0x4] =	stream.linear.gather [hbm4b:s18+s6], $0x80, $0x38;
	[tilespmem:$0x1EF80] =	vst v63  }
0x54: {  	s21 =	rddreg [dreg:$0x6]  }
0x55: {  	[tilespmem:s0], [sflag:$0x4] =	stream.linear.gather [hbm4b:s21+s6], $0x80, $0x38;
	[tilespmem:$0x1EF80] =	vst v63  }
0x56: {  	_ =	swait.ge [sflag:s2], $0x80  }
0x57: {  	[sflag:s2] =	ssyncset.done $0x0  }
0x58: {  	[sflag:s2] =	ssyncadd.s32 $0xFFFFFF80  }
0x59: {  	_ =	swait.ge [sflag:s2], $0x80  }
0x5a: {  	[sflag:s2] =	ssyncset.done $0x0  }
0x5b: {  	[sflag:s2] =	ssyncadd.s32 $0xFFFFFF80  }
0x5c: {  	[tilespmem:s9], [sflag:$0x1] =	stream.indirect.gather [hbm4b:s4+s8], $0x80, s29, s8, $0xb8;
	[tilespmem:$0x1EF80] =	vst v63  }
0x5d: {  	_ =	swait.ge [sflag:s10], $0x80  }
0x5e: {  	[sflag:s10] =	ssyncset.done $0x0  }
0x5f: {  	[sflag:s10] =	ssyncadd.s32 $0xFFFFFF80  }
0x60: {  	_ =	swait.ge [sflag:s10], $0x80  }
0x61: {  	[sflag:s10] =	ssyncset.done $0x0  }
0x62: {  	[sflag:s10] =	ssyncadd.s32 $0xFFFFFF80  }
0x63: {  	[tilespmem:s11], [sflag:$0x2] =	stream.indirect.gather [hbm4b:s4+s8], $0x80, s31, s8, $0xb8;
	[tilespmem:$0x1EF80] =	vst v63  }
0x64: {  	_ =	swait.ge [sflag:s12], $0x4000  }
0x65: {  	[sflag:s12] =	ssyncset.done $0x0  }
0x66: {  	[sflag:s12] =	ssyncadd.s32 $0xFFFFC000  }
0x67: {  	[spmem:s1] =	stream.indirect.scatter.add.f32 [tilespmem:s9], [sflag:$0x5], $0x80, s30, s8, $0xb8;
	[tilespmem:$0x1EF80] =	vst v63  }
0x68: {  	_ =	swait.ge [sflag:s13], $0x4000  }
0x69: {  	s17 =	sshrl.u32 s23, $0x3;
	[sflag:s13] =	ssyncset.done $0x0  }
0x6a: {  	s6 =	sadd.s32 s5, s17;
	[sflag:s13] =	ssyncadd.s32 $0xFFFFC000  }
0x6b: {  	[tilespmem:s29], [sflag:$0x3] =	stream.linear.gather [hbm4b:s6+s3], $0x80, $0x38;
	[tilespmem:$0x1EF80] =	vst v63  }
0x6c: {  	s18 =	sadd.s32 $0x0, s22  }
0x6d: {  	[tilespmem:s30], [sflag:$0x3] =	stream.linear.gather [hbm4b:s18+s3], $0x80, $0x38;
	[tilespmem:$0x1EF80] =	vst v63  }
0x6e: {  	_ =	swait.ge [sflag:s2], $0x80  }
0x6f: {  	[sflag:s2] =	ssyncset.done $0x0  }
0x70: {  	[sflag:s2] =	ssyncadd.s32 $0xFFFFFF80  }
0x71: {  	_ =	swait.ge [sflag:s2], $0x80  }
0x72: {  	[sflag:s2] =	ssyncset.done $0x0  }
0x73: {  	[sflag:s2] =	ssyncadd.s32 $0xFFFFFF80  }
0x74: {  	[tilespmem:s9], [sflag:$0x1] =	stream.indirect.gather [hbm4b:s4+s8], $0x80, s29, s8, $0xb8;
	[tilespmem:$0x1EF80] =	vst v63  }
0x75: {  	_ =	swait.ge [sflag:s15], $0x4000  }
0x76: {  	[sflag:s15] =	ssyncset.done $0x0  }
0x77: {  	[sflag:s15] =	ssyncadd.s32 $0xFFFFC000  }
0x78: {  	[spmem:s1] =	stream.indirect.scatter.add.f32 [tilespmem:s11], [sflag:$0x6], $0x80, s0, s8, $0xb8;
	[tilespmem:$0x1EF80] =	vst v63  }
0x79: {  	_ =	swait.ge [sflag:s16], $0x4000  }
0x7a: {  	[sflag:s16] =	ssyncset.done $0x0  }
0x7b: {  	s21 =	sadd.s32 $0x0, s25;
	[sflag:s16] =	ssyncadd.s32 $0xFFFFC000  }
0x7c: {  	[tilespmem:s31], [sflag:$0x4] =	stream.linear.gather [hbm4b:s21+s3], $0x80, $0x38;
	[tilespmem:$0x1EF80] =	vst v63  }
0x7d: {  	s17 =	sadd.s32 $0x0, s24;
	s6 =	sadd.s32 $0x100, s23;
	s21 =	simm.s32 $0x20  }
.LBB2_4:
0x7e: {  	[tilespmem:s0], [sflag:$0x4] =	stream.linear.gather [hbm4b:s17+s3], $0x80, $0x38;
	[tilespmem:$0x1EF80] =	vst v63  }
0x7f: {  	s17 =	smov.u32 s21  }
0x80: {  	p1 =	sne.s32 s21, $0x4A0;
	s21 =	sadd.s32 $0x20, s21;
	_ =	swait.ge [sflag:s10], $0x80  }
0x81: {  	[sflag:s10] =	ssyncset.done $0x0  }
0x82: {  	[sflag:s10] =	ssyncadd.s32 $0xFFFFFF80  }
0x83: {  	_ =	swait.ge [sflag:s10], $0x80  }
0x84: {  	[sflag:s10] =	ssyncset.done $0x0  }
0x85: {  	[sflag:s10] =	ssyncadd.s32 $0xFFFFFF80  }
0x86: {  	[tilespmem:s11], [sflag:$0x2] =	stream.indirect.gather [hbm4b:s4+s8], $0x80, s31, s8, $0xb8;
	[tilespmem:$0x1EF80] =	vst v63  }
0x87: {  	_ =	swait.ge [sflag:s12], $0x4000  }
0x88: {  	[sflag:s12] =	ssyncset.done $0x0  }
0x89: {  	[sflag:s12] =	ssyncadd.s32 $0xFFFFC000  }
0x8a: {  	[spmem:s1] =	stream.indirect.scatter.add.f32 [tilespmem:s9], [sflag:$0x5], $0x80, s30, s8, $0xb8;
	[tilespmem:$0x1EF80] =	vst v63  }
0x8b: {  	_ =	swait.ge [sflag:s13], $0x4000  }
0x8c: {  	s18 =	sshrl.u32 s6, $0x3;
	[sflag:s13] =	ssyncset.done $0x0  }
0x8d: {  	s18 =	sadd.s32 s5, s18;
	[sflag:s13] =	ssyncadd.s32 $0xFFFFC000  }
0x8e: {  	[tilespmem:s29], [sflag:$0x3] =	stream.linear.gather [hbm4b:s18+s3], $0x80, $0x38;
	[tilespmem:$0x1EF80] =	vst v63  }
0x8f: {  	s18 =	sadd.s32 s17, s22  }
0x90: {  	[tilespmem:s30], [sflag:$0x3] =	stream.linear.gather [hbm4b:s18+s3], $0x80, $0x38;
	[tilespmem:$0x1EF80] =	vst v63  }
0x91: {  	_ =	swait.ge [sflag:s2], $0x80  }
0x92: {  	[sflag:s2] =	ssyncset.done $0x0  }
0x93: {  	[sflag:s2] =	ssyncadd.s32 $0xFFFFFF80  }
0x94: {  	_ =	swait.ge [sflag:s2], $0x80  }
0x95: {  	[sflag:s2] =	ssyncset.done $0x0  }
0x96: {  	[sflag:s2] =	ssyncadd.s32 $0xFFFFFF80  }
0x97: {  	[tilespmem:s9], [sflag:$0x1] =	stream.indirect.gather [hbm4b:s4+s8], $0x80, s29, s8, $0xb8;
	[tilespmem:$0x1EF80] =	vst v63  }
0x98: {  	_ =	swait.ge [sflag:s15], $0x4000  }
0x99: {  	[sflag:s15] =	ssyncset.done $0x0  }
0x9a: {  	[sflag:s15] =	ssyncadd.s32 $0xFFFFC000  }
0x9b: {  	[spmem:s1] =	stream.indirect.scatter.add.f32 [tilespmem:s11], [sflag:$0x6], $0x80, s0, s8, $0xb8;
	[tilespmem:$0x1EF80] =	vst v63  }
.Ltmp1:
0x9c: {  	_ =	swait.ge [sflag:s16], $0x4000;
	(pc) =	sbr.rel @p1 .LBB2_4-.Ltmp1, $4  }
0x9d: {  	[sflag:s16] =	ssyncset.done $0x0  }
0x9e: {  	s18 =	sadd.s32 s17, s25;
	[sflag:s16] =	ssyncadd.s32 $0xFFFFC000  }
0x9f: {  	[tilespmem:s31], [sflag:$0x4] =	stream.linear.gather [hbm4b:s18+s3], $0x80, $0x38;
	[tilespmem:$0x1EF80] =	vst v63  }
0xa0: {  	s6 =	sadd.s32 $0x100, s6;
	s17 =	sadd.s32 s17, s24  }
0xa1: {  	[tilespmem:s0], [sflag:$0x4] =	stream.linear.gather [hbm4b:s17+s3], $0x80, $0x38;
	[tilespmem:$0x1EF80] =	vst v63  }
0xa2: {  	_ =	swait.ge [sflag:s10], $0x80  }
0xa3: {  	[sflag:s10] =	ssyncset.done $0x0  }
0xa4: {  	[sflag:s10] =	ssyncadd.s32 $0xFFFFFF80  }
0xa5: {  	_ =	swait.ge [sflag:s10], $0x80  }
0xa6: {  	[sflag:s10] =	ssyncset.done $0x0  }
0xa7: {  	[sflag:s10] =	ssyncadd.s32 $0xFFFFFF80  }
0xa8: {  	[tilespmem:s11], [sflag:$0x2] =	stream.indirect.gather [hbm4b:s4+s8], $0x80, s31, s8, $0xb8;
	[tilespmem:$0x1EF80] =	vst v63  }
0xa9: {  	_ =	swait.ge [sflag:s12], $0x4000  }
0xaa: {  	[sflag:s12] =	ssyncset.done $0x0  }
0xab: {  	[sflag:s12] =	ssyncadd.s32 $0xFFFFC000  }
0xac: {  	[spmem:s1] =	stream.indirect.scatter.add.f32 [tilespmem:s9], [sflag:$0x5], $0x80, s30, s8, $0xb8;
	[tilespmem:$0x1EF80] =	vst v63  }
0xad: {  	_ =	swait.ge [sflag:s15], $0x4000  }
0xae: {  	[sflag:s15] =	ssyncset.done $0x0  }
0xaf: {  	[sflag:s15] =	ssyncadd.s32 $0xFFFFC000  }
0xb0: {  	[spmem:s1] =	stream.indirect.scatter.add.f32 [tilespmem:s11], [sflag:$0x6], $0x80, s0, s8, $0xb8;
	[tilespmem:$0x1EF80] =	vst v63  }
0xb1: {  	_ =	swait.ge [sflag:s13], $0x4000  }
0xb2: {  	[sflag:s13] =	ssyncset.done $0x0  }
0xb3: {  	[sflag:s13] =	ssyncadd.s32 $0xFFFFC000  }
0xb4: {  	_ =	swait.ge [sflag:s16], $0x4000  }
0xb5: {  	[sflag:s16] =	ssyncset.done $0x0  }
0xb6: {  	s17 =	simm.s32 $0x1EE80;
	s6 =	rddreg [dreg:$0x7];
	[sflag:s16] =	ssyncadd.s32 $0xFFFFC000  }
0xb7: {  	[tilespmem:s17], [sflag:$0x7] =	stream.linear.gather [hbm4b:s6+s3], $0x10, $0x38;
	[tilespmem:$0x1EF80] =	vst v63  }
0xb8: {  	_ =	swait.ge [sflag:s28], $0x10  }
0xb9: {  	[sflag:s28] =	ssyncset.done $0x0  }
0xba: {  	s18 =	simm.s32 $0x1EF00;
	s21 =	rddreg [dreg:$0x8];
	[sflag:s28] =	ssyncadd.s32 $0xFFFFFFF0  }
0xbb: {  	[tilespmem:s18], [sflag:$0x7] =	stream.linear.gather [hbm4b:s21+s3], $0x10, $0x38;
	[tilespmem:$0x1EF80] =	vst v63  }
0xbc: {  	_ =	swait.ge [sflag:s28], $0x10  }
0xbd: {  	[sflag:s28] =	ssyncset.done $0x0  }
0xbe: {  	[sflag:s28] =	ssyncadd.s32 $0xFFFFFFF0  }
0xbf: {  	[tilespmem:s9], [sflag:$0x1] =	stream.indirect.gather [hbm4b:s4+s19], $0x80, s17, s19, $0xb8;
	[tilespmem:$0x1EF80] =	vst v63  }
0xc0: {  	_ =	swait.ge [sflag:s12], $0x800  }
0xc1: {  	[sflag:s12] =	ssyncset.done $0x0  }
0xc2: {  	[sflag:s12] =	ssyncadd.s32 $0xFFFFF800  }
0xc3: {  	[spmem:s1] =	stream.indirect.scatter.add.f32 [tilespmem:s9], [sflag:$0x7], $0x80, s18, s19, $0xb8;
	[tilespmem:$0x1EF80] =	vst v63  }
0xc4: {  	_ =	swait.ge [sflag:s28], $0x800  }
0xc5: {  	[sflag:s28] =	ssyncset.done $0x0  }
0xc6: {  	s17 =	stileid.u32;
	[sflag:s28] =	ssyncadd.s32 $0xFFFFF800  }
0xc7: {  	s6 =	sshll.u32 s17, $0x6;
	[bflag:$0x0] =	sbarrier.arrive $0xFFFF  }
0xc8: {  	s6 =	sor.u32 $0x1C07, s6;
	s18 =	sshrl.u32 s14, $0x3;
	s21 =	rddreg [dreg:$0x9]  }
0xc9: {  	[hbm:s21], [sflag:s6] =	dma.local [spmem:s18], $0x2700  }
0xca: {  	_ =	swait.ge [sflag:s28], $0x2700  }
0xcb: {  	[sflag:s28] =	ssyncset.done $0x0  }
0xcc: {  	s17 =	sshrl.u32 @!p0 s7, $0x3;
	s18 =	rddreg [dreg:$0xa];
	[sflag:s28] =	ssyncadd.s32 $0xFFFFD900  }
0xcd: {  	[hbm:s18], [sflag:s6] =	dma.local @!p0 [spmem:s17], $0x100  }
0xce: {  	s6 =	simm.s32 @!p0 $0x7  }
0xcf: {  	_ =	swait.ge @!p0 [sflag:s6], $0x100  }
0xd0: {  	s20 =	sadd.s32 $0x1, s20;
	s21 =	rddreg [dreg:$0xb]  }
0xd1: {  	p1 =	sne.s32 s20, s21  }
.Ltmp2:
0xd2: {  	_ = 	snop;
	(pc) =	sbr.rel @p1 .LBB2_1-.Ltmp2, $3  }
0xd3: {  	_ =	sdelay $0x1  }
0xd4: {  	[sflag:s6] =	ssyncset.done @!p0 $0x0  }
0xd5: {  	[sflag:s6] =	ssyncadd.s32 @!p0 $0xFFFFFF00  }
0xd6: {  	_ =	sfence.sel $0x180000  }
0xd7: {  	[bflag:$0x0] =	sbarrier.arrive $0xFFFF  }
0xd8: {  	_ =	strace $0x90000050  }
0xd9: {  	s0 =	stileid.u32;
	[bflag:$0x2] =	sbarrier.arrive $0xFFFF  }
0xda: {  	p0 =	sne.s32 s0, $0x0;
	s0 =	rddreg [dreg:$0x2]  }
0xdb: {  	s0 =	sadd.s32 @!p0 $0x100000, s0  }
0xdc: {  	[sflag:s0] =	ssyncadd.tile.s32 @!p0 $0x1;
	_ =	shalt  }
.Lfunc_end2:
_tile_overlayer_lowered:
.L_overlay_start_2:
0xdd: {  	(tag) =	ssettag $0x2  }
0xde: {  	s0 =	rddreg [dreg:$0x0];
	s2 =	stileid.u32  }
0xdf: {  	s1 =	rddreg [dreg:$0x1];
	p0 =	sne.s32 s2, $0x0  }
0xe0: {  	s3 =	rddreg [dreg:$0x2];
	[bflag:$0x3] =	sbarrier.arrive $0xFFFF;
	s2 =	simm.s32 @!p0 $0x1C07  }
0xe1: {  	[timem:s3], [sflag:s2] =	dma.local @!p0 [hbm:s0], s1  }
0xe2: {  	s0 =	simm.s32 @!p0 $0x7  }
0xe3: {  	_ =	swait.ge @!p0 [sflag:s0], s1  }
0xe4: {  	s1 =	ssub.s32 @!p0 $0x0, s1;
	[sflag:s0] =	ssyncset.done @!p0 $0x0  }
0xe5: {  	[sflag:s0] =	ssyncadd.s32 @!p0 s1  }
0xe6: {  	[bflag:$0x3] =	sbarrier.arrive $0xFFFF  }
0xe7: {  	_ =	shalt  }

</sc_bundles>
